<compile_context>
chip_gen: v7x
topology: tpu7x:2x2x1
jax: 0.10.2.dev20260603
libtpu: 0.0.44.dev20260713+nightly
codegen_flags: <defaults>
</compile_context>

<pallas_src>
import functools

import numpy as np
import jax
import jax.numpy as jnp
from jax import lax
from jax.experimental import pallas as pl
from jax.experimental.pallas import tpu as pltpu
from jax.experimental.pallas import tpu_sc as plsc

_DT = 5e-05
_KSPRING = 30000.0
_KDASH = 100.0
_DRAG = float(np.exp(np.float32(-_DT * 1.0)))
_GZ = 9.8

_N = 10000
_NPAD = 10240
_S = 320000
_NT = 16
_VR = _NPAD // _NT
_VL15 = _N - 15 * _VR
_SPT = _S // _NT
_C = 2000
_NCH = _SPT // _C
_NSUB = 10

_mesh = plsc.VectorSubcoreMesh(
    core_axis_name="c", subcore_axis_name="s", num_cores=1)


@functools.partial(
    pl.kernel,
    out_type=(
        jax.ShapeDtypeStruct((_N * 3,), jnp.float32),
        jax.ShapeDtypeStruct((_S * 3,), jnp.float32),
    ),
    mesh=_mesh,
    compiler_params=pltpu.CompilerParams(needs_layout_passes=False),
    scratch_types=[
        pltpu.VMEM((_NPAD,), jnp.float32),
        pltpu.VMEM((_NPAD,), jnp.float32),
        pltpu.VMEM((_NPAD,), jnp.float32),
        pltpu.VMEM((_NPAD,), jnp.float32),
        pltpu.VMEM((_NPAD,), jnp.float32),
        pltpu.VMEM((_NPAD,), jnp.float32),
        pltpu.VMEM((_NPAD,), jnp.float32),
        pltpu.VMEM((_NPAD,), jnp.float32),
        pltpu.VMEM((_NPAD,), jnp.float32),
        pltpu.VMEM((4 * _C,), jnp.int32),
        pltpu.VMEM((2 * _C,), jnp.float32),
        pltpu.VMEM((3 * _C,), jnp.float32),
        pltpu.VMEM((_NPAD,), jnp.int32),
        pltpu.VMEM((_VR,), jnp.float32),
        pltpu.VMEM((_VR,), jnp.float32),
        pltpu.VMEM((_VR,), jnp.float32),
        pltpu.VMEM((_VR,), jnp.float32),
        pltpu.VMEM((_VR,), jnp.float32),
        pltpu.SemaphoreType.DMA,
        pltpu.SemaphoreType.DMA,
        pltpu.SemaphoreType.DMA,
        pltpu.VMEM_SHARED((_NPAD,), jnp.float32),
        pltpu.VMEM_SHARED((_NPAD,), jnp.float32),
        pltpu.VMEM_SHARED((_NPAD,), jnp.float32),
        pltpu.VMEM_SHARED((6 * _NPAD,), jnp.float32),
        pltpu.VMEM_SHARED((_NPAD,), jnp.float32),
    ],
)
def _sim(xflat, sflat, rh, mh, xout, sfout,
         xx, xy, xz, vx, vy, vz, fx, fy, fz,
         sbuf, rb, outb, iota, ftx, fty, ftz, mloc, zbuf,
         sem1, sem2, sem3,
         f_shx, f_shy, f_shz, st_sh, zeros_sh):
    wid = lax.axis_index("s")
    vr0 = wid * _VR
    zeros16 = jnp.zeros((16,), jnp.float32)
    lane = lax.iota(jnp.int32, 16)

    @pl.when(wid < _NT - 1)
    def _():
        pltpu.sync_copy(xflat.at[pl.ds(vr0 * 3, _VR * 3)],
                        outb.at[pl.ds(0, _VR * 3)])
        pltpu.sync_copy(mh.at[pl.ds(vr0, _VR)], mloc)

    @pl.when(wid == _NT - 1)
    def _():
        pltpu.sync_copy(xflat.at[pl.ds(15 * _VR * 3, _VL15 * 3)],
                        outb.at[pl.ds(0, _VL15 * 3)])
        pltpu.sync_copy(mh.at[pl.ds(15 * _VR, _VL15)], mloc.at[pl.ds(0, _VL15)])

    def _deint(k, car):
        lo = k * 16
        src = 3 * lo + 3 * lane
        xx[pl.ds(vr0 + lo, 16)] = plsc.load_gather(outb, [src])
        xy[pl.ds(vr0 + lo, 16)] = plsc.load_gather(outb, [src + 1])
        xz[pl.ds(vr0 + lo, 16)] = plsc.load_gather(outb, [src + 2])
        return car

    lax.fori_loop(0, _VR // 16, _deint, 0)

    def _zero_v(k, car):
        o = k * 16
        vx[pl.ds(o, 16)] = zeros16
        vy[pl.ds(o, 16)] = zeros16
        vz[pl.ds(o, 16)] = zeros16
        iota[pl.ds(o, 16)] = o + lane
        return car

    lax.fori_loop(0, _NPAD // 16, _zero_v, 0)

    def _zero_z(k, car):
        zbuf[pl.ds(k * 16, 16)] = zeros16
        return car

    lax.fori_loop(0, _VR // 16, _zero_z, 0)
    pltpu.sync_copy(zbuf, zeros_sh.at[pl.ds(vr0, _VR)])

    pltpu.sync_copy(xx.at[pl.ds(vr0, _VR)], st_sh.at[pl.ds(0 * _NPAD + vr0, _VR)])
    pltpu.sync_copy(xy.at[pl.ds(vr0, _VR)], st_sh.at[pl.ds(1 * _NPAD + vr0, _VR)])
    pltpu.sync_copy(xz.at[pl.ds(vr0, _VR)], st_sh.at[pl.ds(2 * _NPAD + vr0, _VR)])
    plsc.subcore_barrier()
    pltpu.sync_copy(st_sh.at[pl.ds(0 * _NPAD, _NPAD)], xx)
    pltpu.sync_copy(st_sh.at[pl.ds(1 * _NPAD, _NPAD)], xy)
    pltpu.sync_copy(st_sh.at[pl.ds(2 * _NPAD, _NPAD)], xz)

    sbase = wid * _SPT

    def _substep(ss, car):
        last = ss == _NSUB - 1

        z1 = pltpu.async_copy(zbuf, f_shx.at[pl.ds(vr0, _VR)], sem3)
        z2 = pltpu.async_copy(zbuf, f_shy.at[pl.ds(vr0, _VR)], sem3)
        z3 = pltpu.async_copy(zbuf, f_shz.at[pl.ds(vr0, _VR)], sem3)
        z4 = pltpu.async_copy(zeros_sh, fx, sem3)
        z5 = pltpu.async_copy(zeros_sh, fy, sem3)
        z6 = pltpu.async_copy(zeros_sh, fz, sem3)
        pltpu.async_copy(sflat.at[pl.ds(sbase * 2, _C * 2)],
                         sbuf.at[pl.ds(0, _C * 2)], sem1)
        pltpu.async_copy(rh.at[pl.ds(sbase, _C)], rb.at[pl.ds(0, _C)], sem1)
        z1.wait()
        z2.wait()
        z3.wait()
        z4.wait()
        z5.wait()
        z6.wait()

        def _group_body(j, pb, emit_sf):
            o = j * 16
            gl = 2 * pb + 2 * o + 2 * lane
            i1 = plsc.load_gather(sbuf, [gl])
            i2 = plsc.load_gather(sbuf, [gl + 1])
            x1x = plsc.load_gather(xx, [i1])
            x1y = plsc.load_gather(xy, [i1])
            x1z = plsc.load_gather(xz, [i1])
            x2x = plsc.load_gather(xx, [i2])
            x2y = plsc.load_gather(xy, [i2])
            x2z = plsc.load_gather(xz, [i2])
            dx = x2x - x1x
            dy = x2y - x1y
            dz = x2z - x1z
            nrm = dx * dx + dy * dy + dz * dz
            bi = plsc.bitcast(nrm, jnp.int32)
            y = plsc.bitcast(jnp.int32(0x5F3759DF) - (bi >> 1), jnp.float32)
            t = 0.5 * nrm
            y = y * (1.5 - t * y * y)
            y = y * (1.5 - t * y * y)
            y = y * (1.5 - t * y * y)
            dist = jnp.where(nrm > 1e-30, nrm * y, 0.0)
            inv = 1.0 / (dist + 1e-9)
            ddx = dx * inv
            ddy = dy * inv
            ddz = dz * inv
            r = rb[pl.ds(pb + o, 16)]
            ks = _KSPRING * (dist / r - 1.0)
            v1x = plsc.load_gather(vx, [i1])
            v1y = plsc.load_gather(vy, [i1])
            v1z = plsc.load_gather(vz, [i1])
            v2x = plsc.load_gather(vx, [i2])
            v2y = plsc.load_gather(vy, [i2])
            v2z = plsc.load_gather(vz, [i2])
            vrel = (v2x - v1x) * ddx + (v2y - v1y) * ddy + (v2z - v1z) * ddz
            co = ks + _KDASH * vrel
            fxs = co * ddx
            fys = co * ddy
            fzs = co * ddz
            plsc.addupdate_scatter(fx, [i1], fxs)
            plsc.addupdate_scatter(fy, [i1], fys)
            plsc.addupdate_scatter(fz, [i1], fzs)
            plsc.addupdate_scatter(fx, [i2], -fxs)
            plsc.addupdate_scatter(fy, [i2], -fys)
            plsc.addupdate_scatter(fz, [i2], -fzs)
            if emit_sf:
                p3 = (o + lane) * 3
                plsc.store_scatter(outb, [p3], ks * ddx)
                plsc.store_scatter(outb, [p3 + 1], ks * ddy)
                plsc.store_scatter(outb, [p3 + 2], ks * ddz)

        def _chunk(ch, c2):
            base = sbase + ch * _C
            par = lax.rem(ch, 2)
            pb = par * _C

            @pl.when(par == 0)
            def _():
                pltpu.make_async_copy(sflat.at[pl.ds(base * 2, _C * 2)],
                                      sbuf.at[pl.ds(0, _C * 2)], sem1).wait()
                pltpu.make_async_copy(rh.at[pl.ds(base, _C)],
                                      rb.at[pl.ds(0, _C)], sem1).wait()

            @pl.when(par == 1)
            def _():
                pltpu.make_async_copy(sflat.at[pl.ds(base * 2, _C * 2)],
                                      sbuf.at[pl.ds(_C * 2, _C * 2)], sem2).wait()
                pltpu.make_async_copy(rh.at[pl.ds(base, _C)],
                                      rb.at[pl.ds(_C, _C)], sem2).wait()

            @pl.when(ch + 1 < _NCH)
            def _():
                nbase = base + _C

                @pl.when(par == 0)
                def _():
                    pltpu.async_copy(sflat.at[pl.ds(nbase * 2, _C * 2)],
                                     sbuf.at[pl.ds(_C * 2, _C * 2)], sem2)
                    pltpu.async_copy(rh.at[pl.ds(nbase, _C)],
                                     rb.at[pl.ds(_C, _C)], sem2)

                @pl.when(par == 1)
                def _():
                    pltpu.async_copy(sflat.at[pl.ds(nbase * 2, _C * 2)],
                                     sbuf.at[pl.ds(0, _C * 2)], sem1)
                    pltpu.async_copy(rh.at[pl.ds(nbase, _C)],
                                     rb.at[pl.ds(0, _C)], sem1)

            @pl.when(jnp.logical_not(last))
            def _():
                @plsc.parallel_loop(0, _C // 16, 1, unroll=4)
                def _(j):
                    _group_body(j, pb, False)

            @pl.when(last)
            def _():
                @plsc.parallel_loop(0, _C // 16, 1, unroll=4)
                def _(j):
                    _group_body(j, pb, True)

                pltpu.sync_copy(outb, sfout.at[pl.ds(base * 3, _C * 3)])

            return c2

        lax.fori_loop(0, _NCH, _chunk, 0)

        plsc.subcore_barrier()
        pltpu.sync_copy(fx, f_shx.at[iota], add=True)
        pltpu.sync_copy(fy, f_shy.at[iota], add=True)
        pltpu.sync_copy(fz, f_shz.at[iota], add=True)
        plsc.subcore_barrier()

        g1 = pltpu.async_copy(f_shx.at[pl.ds(vr0, _VR)], ftx, sem3)
        g2 = pltpu.async_copy(f_shy.at[pl.ds(vr0, _VR)], fty, sem3)
        g3 = pltpu.async_copy(f_shz.at[pl.ds(vr0, _VR)], ftz, sem3)
        g1.wait()
        g2.wait()
        g3.wait()

        def _upd(k, c2):
            lo = k * 16
            off = vr0 + lo
            m = mloc[pl.ds(lo, 16)]
            fxv = ftx[pl.ds(lo, 16)]
            fyv = fty[pl.ds(lo, 16)]
            fzv = ftz[pl.ds(lo, 16)] - _GZ * m
            nvx = (vx[pl.ds(off, 16)] + _DT * fxv / m) * _DRAG
            nvy = (vy[pl.ds(off, 16)] + _DT * fyv / m) * _DRAG
            nvz = (vz[pl.ds(off, 16)] + _DT * fzv / m) * _DRAG
            nxx = xx[pl.ds(off, 16)] + _DT * nvx
            nxy = xy[pl.ds(off, 16)] + _DT * nvy
            nxz = xz[pl.ds(off, 16)] + _DT * nvz
            nxz = jnp.maximum(nxz, 0.0)
            nvz = jnp.where(nxz == 0.0, 0.0, nvz)
            vx[pl.ds(off, 16)] = nvx
            vy[pl.ds(off, 16)] = nvy
            vz[pl.ds(off, 16)] = nvz
            xx[pl.ds(off, 16)] = nxx
            xy[pl.ds(off, 16)] = nxy
            xz[pl.ds(off, 16)] = nxz
            return c2

        lax.fori_loop(0, _VR // 16, _upd, 0)

        @pl.when(jnp.logical_not(last))
        def _():
            p1 = pltpu.async_copy(xx.at[pl.ds(vr0, _VR)], st_sh.at[pl.ds(0 * _NPAD + vr0, _VR)], sem3)
            p2 = pltpu.async_copy(xy.at[pl.ds(vr0, _VR)], st_sh.at[pl.ds(1 * _NPAD + vr0, _VR)], sem3)
            p3 = pltpu.async_copy(xz.at[pl.ds(vr0, _VR)], st_sh.at[pl.ds(2 * _NPAD + vr0, _VR)], sem3)
            p4 = pltpu.async_copy(vx.at[pl.ds(vr0, _VR)], st_sh.at[pl.ds(3 * _NPAD + vr0, _VR)], sem3)
            p5 = pltpu.async_copy(vy.at[pl.ds(vr0, _VR)], st_sh.at[pl.ds(4 * _NPAD + vr0, _VR)], sem3)
            p6 = pltpu.async_copy(vz.at[pl.ds(vr0, _VR)], st_sh.at[pl.ds(5 * _NPAD + vr0, _VR)], sem3)
            p1.wait()
            p2.wait()
            p3.wait()
            p4.wait()
            p5.wait()
            p6.wait()

        plsc.subcore_barrier()

        @pl.when(jnp.logical_not(last))
        def _():
            r1 = pltpu.async_copy(st_sh.at[pl.ds(0 * _NPAD, _NPAD)], xx, sem3)
            r2 = pltpu.async_copy(st_sh.at[pl.ds(1 * _NPAD, _NPAD)], xy, sem3)
            r3 = pltpu.async_copy(st_sh.at[pl.ds(2 * _NPAD, _NPAD)], xz, sem3)
            r4 = pltpu.async_copy(st_sh.at[pl.ds(3 * _NPAD, _NPAD)], vx, sem3)
            r5 = pltpu.async_copy(st_sh.at[pl.ds(4 * _NPAD, _NPAD)], vy, sem3)
            r6 = pltpu.async_copy(st_sh.at[pl.ds(5 * _NPAD, _NPAD)], vz, sem3)
            r1.wait()
            r2.wait()
            r3.wait()
            r4.wait()
            r5.wait()
            r6.wait()

        @pl.when(last)
        def _():
            def _xo(k, c2):
                lo = k * 16
                p3 = (lo + lane) * 3
                plsc.store_scatter(outb, [p3], xx[pl.ds(vr0 + lo, 16)])
                plsc.store_scatter(outb, [p3 + 1], xy[pl.ds(vr0 + lo, 16)])
                plsc.store_scatter(outb, [p3 + 2], xz[pl.ds(vr0 + lo, 16)])
                return c2

            lax.fori_loop(0, _VR // 16, _xo, 0)

            @pl.when(wid < _NT - 1)
            def _():
                pltpu.sync_copy(outb.at[pl.ds(0, _VR * 3)],
                                xout.at[pl.ds(vr0 * 3, _VR * 3)])

            @pl.when(wid == _NT - 1)
            def _():
                pltpu.sync_copy(outb.at[pl.ds(0, _VL15 * 3)],
                                xout.at[pl.ds(15 * _VR * 3, _VL15 * 3)])

        return car

    lax.fori_loop(0, _NSUB, _substep, 0)


def kernel(init_vertices, init_springs, init_rest_lengths, init_masses):
    xflat = init_vertices.astype(jnp.float32).reshape(-1)
    sflat = init_springs.astype(jnp.int32).reshape(-1)
    rh = init_rest_lengths.astype(jnp.float32)
    mh = init_masses.astype(jnp.float32)
    xout, sfout = _sim(xflat, sflat, rh, mh)
    x_final = xout.reshape(_N, 3)
    spring_forces = sfout.reshape(_S, 3)
    return (x_final, init_springs, init_rest_lengths, spring_forces)

# --- scband reference (transcript-rebuilt; emitter-appended) ---
"""Pipeline reference for scband-spring-mass-41102837022981 (READ-ONLY COPY).

The authoritative reference and input builder live on the scoring server;
editing this copy changes nothing except your own understanding.
"""

import jax, jax.numpy as jnp
import numpy as np

DT = 5e-05
NUM_SUBSTEPS = 10
SPRING_Y = 30000.0
DASHPOT_DAMPING = 100.0
DRAG_DAMPING = 1.0
N_VERTICES = 10000
N_SPRINGS = 320000


def setup_inputs(seed: int = 0) -> dict:
    key = jax.random.key(seed)
    k1, k2, k3, k4 = jax.random.split(key, 4)
    init_vertices = jax.random.uniform(k1, (N_VERTICES, 3), dtype=jnp.float32)
    init_springs = jax.random.randint(k2, (N_SPRINGS, 2), 0, N_VERTICES, dtype=jnp.int64 if jax.config.jax_enable_x64 else jnp.int32).astype(jnp.int32)
    init_rest_lengths = jax.random.uniform(k3, (N_SPRINGS,), minval=0.5, maxval=1.5, dtype=jnp.float32)
    init_masses = jax.random.uniform(k4, (N_VERTICES,), minval=0.5, maxval=1.5, dtype=jnp.float32)
    return {
        'init_vertices': init_vertices,
        'init_springs': init_springs,
        'init_rest_lengths': init_rest_lengths,
        'init_masses': init_masses,
    }


def _substep(x, v, springs, rest_lengths, masses):
    gravity = jnp.array([0.0, 0.0, -9.8], dtype=jnp.float32)
    forces = masses[:, None] * gravity[None, :]
    idx1 = springs[:, 0]
    idx2 = springs[:, 1]
    x1 = x[idx1]
    x2 = x[idx2]
    dis = x2 - x1
    dist = jnp.linalg.norm(dis, axis=1)
    d = dis / (dist[:, None] + 1e-9)
    spring_forces = SPRING_Y * (dist / rest_lengths - 1.0)[:, None] * d
    forces = forces.at[idx1].add(spring_forces)
    forces = forces.at[idx2].add(-spring_forces)
    v_rel = jnp.sum((v[idx2] - v[idx1]) * d, axis=1)
    dashpot_forces = DASHPOT_DAMPING * v_rel[:, None] * d
    forces = forces.at[idx1].add(dashpot_forces)
    forces = forces.at[idx2].add(-dashpot_forces)
    v = v + DT * forces / masses[:, None]
    v = v * jnp.exp(-DT * DRAG_DAMPING)
    x = x + DT * v
    x = x.at[:, 2].set(jnp.maximum(x[:, 2], 0.0))
    v = v.at[:, 2].set(jnp.where(x[:, 2] == 0.0, 0.0, v[:, 2]))
    return x, v, spring_forces


def reference(init_vertices, init_springs, init_rest_lengths, init_masses):
    x = init_vertices
    v = jnp.zeros_like(init_vertices)
    spring_forces = None
    for _ in range(NUM_SUBSTEPS):
        x, v, spring_forces = _substep(x, v, init_springs, init_rest_lengths, init_masses)
    return (x, init_springs, init_rest_lengths, spring_forces)

if __name__ == "__main__":
    import jax
    _d = setup_inputs()
    print(jax.jit(kernel)(*tuple(_d.values())))

</pallas_src>

<mosaic_0001>
#map = affine_map<(d0, d1) -> (0)>
module attributes {stable_mosaic.version = 14 : i64} {
  func.func @_sim(%arg0: i32, %arg1: i32, %arg2: memref<30000xf32, #tpu.memory_space<hbm>>, %arg3: memref<640000xi32, #tpu.memory_space<hbm>>, %arg4: memref<320000xf32, #tpu.memory_space<hbm>>, %arg5: memref<10000xf32, #tpu.memory_space<hbm>>, %arg6: memref<30000xf32, #tpu.memory_space<hbm>>, %arg7: memref<960000xf32, #tpu.memory_space<hbm>>, %arg8: memref<10240xf32, #tpu.memory_space<vmem>>, %arg9: memref<10240xf32, #tpu.memory_space<vmem>>, %arg10: memref<10240xf32, #tpu.memory_space<vmem>>, %arg11: memref<10240xf32, #tpu.memory_space<vmem>>, %arg12: memref<10240xf32, #tpu.memory_space<vmem>>, %arg13: memref<10240xf32, #tpu.memory_space<vmem>>, %arg14: memref<10240xf32, #tpu.memory_space<vmem>>, %arg15: memref<10240xf32, #tpu.memory_space<vmem>>, %arg16: memref<10240xf32, #tpu.memory_space<vmem>>, %arg17: memref<8000xi32, #tpu.memory_space<vmem>>, %arg18: memref<4000xf32, #tpu.memory_space<vmem>>, %arg19: memref<6000xf32, #tpu.memory_space<vmem>>, %arg20: memref<10240xi32, #tpu.memory_space<vmem>>, %arg21: memref<640xf32, #tpu.memory_space<vmem>>, %arg22: memref<640xf32, #tpu.memory_space<vmem>>, %arg23: memref<640xf32, #tpu.memory_space<vmem>>, %arg24: memref<640xf32, #tpu.memory_space<vmem>>, %arg25: memref<640xf32, #tpu.memory_space<vmem>>, %arg26: memref<!tpu.dma_semaphore, #tpu.memory_space<semaphore_mem>>, %arg27: memref<!tpu.dma_semaphore, #tpu.memory_space<semaphore_mem>>, %arg28: memref<!tpu.dma_semaphore, #tpu.memory_space<semaphore_mem>>, %arg29: memref<10240xf32, #tpu.memory_space<vmem_shared>>, %arg30: memref<10240xf32, #tpu.memory_space<vmem_shared>>, %arg31: memref<10240xf32, #tpu.memory_space<vmem_shared>>, %arg32: memref<61440xf32, #tpu.memory_space<vmem_shared>>, %arg33: memref<10240xf32, #tpu.memory_space<vmem_shared>>) attributes {dimension_semantics = [#tpu.dimension_semantics<core_parallel>, #tpu.dimension_semantics<subcore_parallel>], iteration_bounds = array<i64: 1, 16>, scalar_prefetch = 0 : i64, scratch_operands = 26 : i64, tpu.core_type = #tpu.core_type<sc_vector_subcore>, window_params = [{transform_indices = #map}, {transform_indices = #map}, {transform_indices = #map}, {transform_indices = #map}, {transform_indices = #map}, {transform_indices = #map}]} {
    %mul3A = arith.constant 640 : i32
    %mul3A_0 = arith.muli %arg1, %mul3A : i32
    %broadcast_in_dim3A = arith.constant 0.000000e+00 : f32
    %broadcast_in_dim3A_1 = vector.broadcast %broadcast_in_dim3A : f32 to vector<16xf32>
    %iota3A = tpu.iota {dimensions = array<i32: 0>} : vector<16xi32>
    %lt3A = arith.constant 15 : i32
    %lt3A_2 = arith.cmpi slt, %arg1, %lt3A : i32
    %convert_element_type3A = arith.extui %lt3A_2 : i1 to i32
    %cond3A = arith.constant 0 : i32
    %cond3A_3 = arith.cmpi ne, %convert_element_type3A, %cond3A : i32
    scf.if %cond3A_3 {
      %mul3A_38 = arith.constant 3 : i32
      %mul3A_39 = arith.muli %mul3A_0, %mul3A_38 : i32
      "tpu.region"() ({
        %run_scoped3A = tpu.sem_alloc : memref<!tpu.dma_semaphore, #tpu.memory_space<semaphore_mem>>
        %dma_start3A = arith.constant 0 : i32
        %dma_start3A_40 = tpu.memref_slice %arg19[%dma_start3A] : memref<6000xf32, #tpu.memory_space<vmem>> -> memref<1920xf32, #tpu.memory_space<vmem>>
        %dma_start3A_41 = tpu.memref_slice %arg2[%mul3A_39] : memref<30000xf32, #tpu.memory_space<hbm>> -> memref<1920xf32, #tpu.memory_space<hbm>>
        %dma_start3A_42 = arith.constant 0 : i32
        %dma_start3A_43 = tpu.memref_slice %arg19[%dma_start3A_42] : memref<6000xf32, #tpu.memory_space<vmem>> -> memref<1920xf32, #tpu.memory_space<vmem>>
        %dma_start3A_44 = tpu.memref_slice %arg2[%mul3A_39] : memref<30000xf32, #tpu.memory_space<hbm>> -> memref<1920xf32, #tpu.memory_space<hbm>>
        tpu.enqueue_dma source(%dma_start3A_44 : memref<1920xf32, #tpu.memory_space<hbm>>) target(%dma_start3A_43 : memref<1920xf32, #tpu.memory_space<vmem>>) target_semaphore(%run_scoped3A : memref<!tpu.dma_semaphore, #tpu.memory_space<semaphore_mem>>)
        %dma_wait3A = arith.constant 0 : i32
        %dma_wait3A_45 = tpu.memref_slice %arg19[%dma_wait3A] : memref<6000xf32, #tpu.memory_space<vmem>> -> memref<1920xf32, #tpu.memory_space<vmem>>
        %dma_wait3A_46 = tpu.memref_slice %arg2[%mul3A_39] : memref<30000xf32, #tpu.memory_space<hbm>> -> memref<1920xf32, #tpu.memory_space<hbm>>
        %dma_wait3A_47 = arith.constant 0 : i32
        %dma_wait3A_48 = tpu.memref_slice %arg19[%dma_wait3A_47] : memref<6000xf32, #tpu.memory_space<vmem>> -> memref<1920xf32, #tpu.memory_space<vmem>>
        %dma_wait3A_49 = tpu.memref_slice %arg2[%mul3A_39] : memref<30000xf32, #tpu.memory_space<hbm>> -> memref<1920xf32, #tpu.memory_space<hbm>>
        tpu.wait_dma2 semaphore(%run_scoped3A : memref<!tpu.dma_semaphore, #tpu.memory_space<semaphore_mem>>) src(%dma_wait3A_49 : memref<1920xf32, #tpu.memory_space<hbm>>) dst(%dma_wait3A_48 : memref<1920xf32, #tpu.memory_space<vmem>>)
        tpu.yield
      }) : () -> ()
      "tpu.region"() ({
        %run_scoped3A = tpu.sem_alloc : memref<!tpu.dma_semaphore, #tpu.memory_space<semaphore_mem>>
        %dma_start3A = tpu.memref_slice %arg5[%mul3A_0] : memref<10000xf32, #tpu.memory_space<hbm>> -> memref<640xf32, #tpu.memory_space<hbm>>
        %dma_start3A_40 = tpu.memref_slice %arg5[%mul3A_0] : memref<10000xf32, #tpu.memory_space<hbm>> -> memref<640xf32, #tpu.memory_space<hbm>>
        tpu.enqueue_dma source(%dma_start3A_40 : memref<640xf32, #tpu.memory_space<hbm>>) target(%arg24 : memref<640xf32, #tpu.memory_space<vmem>>) target_semaphore(%run_scoped3A : memref<!tpu.dma_semaphore, #tpu.memory_space<semaphore_mem>>)
        %dma_wait3A = tpu.memref_slice %arg5[%mul3A_0] : memref<10000xf32, #tpu.memory_space<hbm>> -> memref<640xf32, #tpu.memory_space<hbm>>
        %dma_wait3A_41 = tpu.memref_slice %arg5[%mul3A_0] : memref<10000xf32, #tpu.memory_space<hbm>> -> memref<640xf32, #tpu.memory_space<hbm>>
        tpu.wait_dma2 semaphore(%run_scoped3A : memref<!tpu.dma_semaphore, #tpu.memory_space<semaphore_mem>>) src(%dma_wait3A_41 : memref<640xf32, #tpu.memory_space<hbm>>) dst(%arg24 : memref<640xf32, #tpu.memory_space<vmem>>)
        tpu.yield
      }) : () -> ()
    } else {
    }
    %eq3A = arith.constant 15 : i32
    %eq3A_4 = arith.cmpi eq, %arg1, %eq3A : i32
    %convert_element_type3A_5 = arith.extui %eq3A_4 : i1 to i32
    %cond3A_6 = arith.constant 0 : i32
    %cond3A_7 = arith.cmpi ne, %convert_element_type3A_5, %cond3A_6 : i32
    scf.if %cond3A_7 {
      "tpu.region"() ({
        %run_scoped3A = tpu.sem_alloc : memref<!tpu.dma_semaphore, #tpu.memory_space<semaphore_mem>>
        %dma_start3A = arith.constant 0 : i32
        %dma_start3A_38 = tpu.memref_slice %arg19[%dma_start3A] : memref<6000xf32, #tpu.memory_space<vmem>> -> memref<1200xf32, #tpu.memory_space<vmem>>
        %dma_start3A_39 = arith.constant 28800 : i32
        %dma_start3A_40 = tpu.memref_slice %arg2[%dma_start3A_39] : memref<30000xf32, #tpu.memory_space<hbm>> -> memref<1200xf32, #tpu.memory_space<hbm>>
        %dma_start3A_41 = arith.constant 0 : i32
        %dma_start3A_42 = tpu.memref_slice %arg19[%dma_start3A_41] : memref<6000xf32, #tpu.memory_space<vmem>> -> memref<1200xf32, #tpu.memory_space<vmem>>
        %dma_start3A_43 = arith.constant 28800 : i32
        %dma_start3A_44 = tpu.memref_slice %arg2[%dma_start3A_43] : memref<30000xf32, #tpu.memory_space<hbm>> -> memref<1200xf32, #tpu.memory_space<hbm>>
        tpu.enqueue_dma source(%dma_start3A_44 : memref<1200xf32, #tpu.memory_space<hbm>>) target(%dma_start3A_42 : memref<1200xf32, #tpu.memory_space<vmem>>) target_semaphore(%run_scoped3A : memref<!tpu.dma_semaphore, #tpu.memory_space<semaphore_mem>>)
        %dma_wait3A = arith.constant 0 : i32
        %dma_wait3A_45 = tpu.memref_slice %arg19[%dma_wait3A] : memref<6000xf32, #tpu.memory_space<vmem>> -> memref<1200xf32, #tpu.memory_space<vmem>>
        %dma_wait3A_46 = arith.constant 28800 : i32
        %dma_wait3A_47 = tpu.memref_slice %arg2[%dma_wait3A_46] : memref<30000xf32, #tpu.memory_space<hbm>> -> memref<1200xf32, #tpu.memory_space<hbm>>
        %dma_wait3A_48 = arith.constant 0 : i32
        %dma_wait3A_49 = tpu.memref_slice %arg19[%dma_wait3A_48] : memref<6000xf32, #tpu.memory_space<vmem>> -> memref<1200xf32, #tpu.memory_space<vmem>>
        %dma_wait3A_50 = arith.constant 28800 : i32
        %dma_wait3A_51 = tpu.memref_slice %arg2[%dma_wait3A_50] : memref<30000xf32, #tpu.memory_space<hbm>> -> memref<1200xf32, #tpu.memory_space<hbm>>
        tpu.wait_dma2 semaphore(%run_scoped3A : memref<!tpu.dma_semaphore, #tpu.memory_space<semaphore_mem>>) src(%dma_wait3A_51 : memref<1200xf32, #tpu.memory_space<hbm>>) dst(%dma_wait3A_49 : memref<1200xf32, #tpu.memory_space<vmem>>)
        tpu.yield
      }) : () -> ()
      "tpu.region"() ({
        %run_scoped3A = tpu.sem_alloc : memref<!tpu.dma_semaphore, #tpu.memory_space<semaphore_mem>>
        %dma_start3A = arith.constant 0 : i32
        %dma_start3A_38 = tpu.memref_slice %arg24[%dma_start3A] : memref<640xf32, #tpu.memory_space<vmem>> -> memref<400xf32, #tpu.memory_space<vmem>>
        %dma_start3A_39 = arith.constant 9600 : i32
        %dma_start3A_40 = tpu.memref_slice %arg5[%dma_start3A_39] : memref<10000xf32, #tpu.memory_space<hbm>> -> memref<400xf32, #tpu.memory_space<hbm>>
        %dma_start3A_41 = arith.constant 0 : i32
        %dma_start3A_42 = tpu.memref_slice %arg24[%dma_start3A_41] : memref<640xf32, #tpu.memory_space<vmem>> -> memref<400xf32, #tpu.memory_space<vmem>>
        %dma_start3A_43 = arith.constant 9600 : i32
        %dma_start3A_44 = tpu.memref_slice %arg5[%dma_start3A_43] : memref<10000xf32, #tpu.memory_space<hbm>> -> memref<400xf32, #tpu.memory_space<hbm>>
        tpu.enqueue_dma source(%dma_start3A_44 : memref<400xf32, #tpu.memory_space<hbm>>) target(%dma_start3A_42 : memref<400xf32, #tpu.memory_space<vmem>>) target_semaphore(%run_scoped3A : memref<!tpu.dma_semaphore, #tpu.memory_space<semaphore_mem>>)
        %dma_wait3A = arith.constant 0 : i32
        %dma_wait3A_45 = tpu.memref_slice %arg24[%dma_wait3A] : memref<640xf32, #tpu.memory_space<vmem>> -> memref<400xf32, #tpu.memory_space<vmem>>
        %dma_wait3A_46 = arith.constant 9600 : i32
        %dma_wait3A_47 = tpu.memref_slice %arg5[%dma_wait3A_46] : memref<10000xf32, #tpu.memory_space<hbm>> -> memref<400xf32, #tpu.memory_space<hbm>>
        %dma_wait3A_48 = arith.constant 0 : i32
        %dma_wait3A_49 = tpu.memref_slice %arg24[%dma_wait3A_48] : memref<640xf32, #tpu.memory_space<vmem>> -> memref<400xf32, #tpu.memory_space<vmem>>
        %dma_wait3A_50 = arith.constant 9600 : i32
        %dma_wait3A_51 = tpu.memref_slice %arg5[%dma_wait3A_50] : memref<10000xf32, #tpu.memory_space<hbm>> -> memref<400xf32, #tpu.memory_space<hbm>>
        tpu.wait_dma2 semaphore(%run_scoped3A : memref<!tpu.dma_semaphore, #tpu.memory_space<semaphore_mem>>) src(%dma_wait3A_51 : memref<400xf32, #tpu.memory_space<hbm>>) dst(%dma_wait3A_49 : memref<400xf32, #tpu.memory_space<vmem>>)
        tpu.yield
      }) : () -> ()
    } else {
    }
    %scan3A = arith.constant 0 : i32
    %scan3A_8 = arith.constant 0 : i32
    %scan3A_9 = arith.constant 40 : i32
    %scan3A_10 = arith.addi %scan3A_8, %scan3A_9 : i32
    %scan3A_11 = arith.constant 1 : i32
    scf.for %scan3A_38 = %scan3A_8 to %scan3A_10 step %scan3A_11  : i32 {
      %mul3A_39 = arith.constant 16 : i32
      %mul3A_40 = arith.muli %scan3A_38, %mul3A_39 : i32
      %mul3A_41 = arith.constant 3 : i32
      %mul3A_42 = arith.muli %mul3A_41, %mul3A_40 : i32
      %mul3A_43 = arith.constant 3 : i32
      %mul3A_44 = vector.broadcast %mul3A_43 : i32 to vector<16xi32>
      %mul3A_45 = arith.muli %mul3A_44, %iota3A : vector<16xi32>
      %add3A_46 = vector.broadcast %mul3A_42 : i32 to vector<16xi32>
      %add3A_47 = arith.addi %add3A_46, %mul3A_45 : vector<16xi32>
      %gather3A = tpu.vector_load_idx %arg19[%add3A_47] : memref<6000xf32, #tpu.memory_space<vmem>>[vector<16xi32>], vector<16xf32>,
      %add3A_48 = arith.addi %mul3A_0, %mul3A_40 : i32
      %swap3A = arith.index_cast %add3A_48 : i32 to index
      %swap3A_49 = tpu.vector_load %arg8[%swap3A] {strides = array<i32>} : memref<10240xf32, #tpu.memory_space<vmem>>, vector<16xf32>,
      tpu.vector_store %arg8[%swap3A], %gather3A {strides = array<i32>} : memref<10240xf32, #tpu.memory_space<vmem>>, vector<16xf32>,
      %add3A_50 = arith.constant 1 : i32
      %add3A_51 = vector.broadcast %add3A_50 : i32 to vector<16xi32>
      %add3A_52 = arith.addi %add3A_47, %add3A_51 : vector<16xi32>
      %gather3A_53 = tpu.vector_load_idx %arg19[%add3A_52] : memref<6000xf32, #tpu.memory_space<vmem>>[vector<16xi32>], vector<16xf32>,
      %add3A_54 = arith.addi %mul3A_0, %mul3A_40 : i32
      %swap3A_55 = arith.index_cast %add3A_54 : i32 to index
      %swap3A_56 = tpu.vector_load %arg9[%swap3A_55] {strides = array<i32>} : memref<10240xf32, #tpu.memory_space<vmem>>, vector<16xf32>,
      tpu.vector_store %arg9[%swap3A_55], %gather3A_53 {strides = array<i32>} : memref<10240xf32, #tpu.memory_space<vmem>>, vector<16xf32>,
      %add3A_57 = arith.constant 2 : i32
      %add3A_58 = vector.broadcast %add3A_57 : i32 to vector<16xi32>
      %add3A_59 = arith.addi %add3A_47, %add3A_58 : vector<16xi32>
      %gather3A_60 = tpu.vector_load_idx %arg19[%add3A_59] : memref<6000xf32, #tpu.memory_space<vmem>>[vector<16xi32>], vector<16xf32>,
      %add3A_61 = arith.addi %mul3A_0, %mul3A_40 : i32
      %swap3A_62 = arith.index_cast %add3A_61 : i32 to index
      %swap3A_63 = tpu.vector_load %arg10[%swap3A_62] {strides = array<i32>} : memref<10240xf32, #tpu.memory_space<vmem>>, vector<16xf32>,
      tpu.vector_store %arg10[%swap3A_62], %gather3A_60 {strides = array<i32>} : memref<10240xf32, #tpu.memory_space<vmem>>, vector<16xf32>,
    }
    %scan3A_12 = arith.constant 40 : i32
    %scan3A_13 = arith.constant 0 : i32
    %scan3A_14 = arith.constant 0 : i32
    %scan3A_15 = arith.constant 640 : i32
    %scan3A_16 = arith.addi %scan3A_14, %scan3A_15 : i32
    %scan3A_17 = arith.constant 1 : i32
    scf.for %scan3A_38 = %scan3A_14 to %scan3A_16 step %scan3A_17  : i32 {
      %mul3A_39 = arith.constant 16 : i32
      %mul3A_40 = arith.muli %scan3A_38, %mul3A_39 : i32
      %swap3A = arith.index_cast %mul3A_40 : i32 to index
      %swap3A_41 = tpu.vector_load %arg11[%swap3A] {strides = array<i32>} : memref<10240xf32, #tpu.memory_space<vmem>>, vector<16xf32>,
      tpu.vector_store %arg11[%swap3A], %broadcast_in_dim3A_1 {strides = array<i32>} : memref<10240xf32, #tpu.memory_space<vmem>>, vector<16xf32>,
      %swap3A_42 = arith.index_cast %mul3A_40 : i32 to index
      %swap3A_43 = tpu.vector_load %arg12[%swap3A_42] {strides = array<i32>} : memref<10240xf32, #tpu.memory_space<vmem>>, vector<16xf32>,
      tpu.vector_store %arg12[%swap3A_42], %broadcast_in_dim3A_1 {strides = array<i32>} : memref<10240xf32, #tpu.memory_space<vmem>>, vector<16xf32>,
      %swap3A_44 = arith.index_cast %mul3A_40 : i32 to index
      %swap3A_45 = tpu.vector_load %arg13[%swap3A_44] {strides = array<i32>} : memref<10240xf32, #tpu.memory_space<vmem>>, vector<16xf32>,
      tpu.vector_store %arg13[%swap3A_44], %broadcast_in_dim3A_1 {strides = array<i32>} : memref<10240xf32, #tpu.memory_space<vmem>>, vector<16xf32>,
      %add3A_46 = vector.broadcast %mul3A_40 : i32 to vector<16xi32>
      %add3A_47 = arith.addi %add3A_46, %iota3A : vector<16xi32>
      %swap3A_48 = arith.index_cast %mul3A_40 : i32 to index
      %swap3A_49 = tpu.vector_load %arg20[%swap3A_48] {strides = array<i32>} : memref<10240xi32, #tpu.memory_space<vmem>>, vector<16xi32>,
      tpu.vector_store %arg20[%swap3A_48], %add3A_47 {strides = array<i32>} : memref<10240xi32, #tpu.memory_space<vmem>>, vector<16xi32>,
    }
    %scan3A_18 = arith.constant 640 : i32
    %scan3A_19 = arith.constant 0 : i32
    %scan3A_20 = arith.constant 0 : i32
    %scan3A_21 = arith.constant 40 : i32
    %scan3A_22 = arith.addi %scan3A_20, %scan3A_21 : i32
    %scan3A_23 = arith.constant 1 : i32
    scf.for %scan3A_38 = %scan3A_20 to %scan3A_22 step %scan3A_23  : i32 {
      %mul3A_39 = arith.constant 16 : i32
      %mul3A_40 = arith.muli %scan3A_38, %mul3A_39 : i32
      %swap3A = arith.index_cast %mul3A_40 : i32 to index
      %swap3A_41 = tpu.vector_load %arg25[%swap3A] {strides = array<i32>} : memref<640xf32, #tpu.memory_space<vmem>>, vector<16xf32>,
      tpu.vector_store %arg25[%swap3A], %broadcast_in_dim3A_1 {strides = array<i32>} : memref<640xf32, #tpu.memory_space<vmem>>, vector<16xf32>,
    }
    %scan3A_24 = arith.constant 40 : i32
    "tpu.region"() ({
      %run_scoped3A = tpu.sem_alloc : memref<!tpu.dma_semaphore, #tpu.memory_space<semaphore_mem>>
      %dma_start3A = tpu.memref_slice %arg33[%mul3A_0] : memref<10240xf32, #tpu.memory_space<vmem_shared>> -> memref<640xf32, #tpu.memory_space<vmem_shared>>
      %dma_start3A_38 = tpu.memref_slice %arg33[%mul3A_0] : memref<10240xf32, #tpu.memory_space<vmem_shared>> -> memref<640xf32, #tpu.memory_space<vmem_shared>>
      tpu.enqueue_dma source(%arg25 : memref<640xf32, #tpu.memory_space<vmem>>) target(%dma_start3A_38 : memref<640xf32, #tpu.memory_space<vmem_shared>>) target_semaphore(%run_scoped3A : memref<!tpu.dma_semaphore, #tpu.memory_space<semaphore_mem>>)
      %dma_wait3A = tpu.memref_slice %arg33[%mul3A_0] : memref<10240xf32, #tpu.memory_space<vmem_shared>> -> memref<640xf32, #tpu.memory_space<vmem_shared>>
      %dma_wait3A_39 = tpu.memref_slice %arg33[%mul3A_0] : memref<10240xf32, #tpu.memory_space<vmem_shared>> -> memref<640xf32, #tpu.memory_space<vmem_shared>>
      tpu.wait_dma2 semaphore(%run_scoped3A : memref<!tpu.dma_semaphore, #tpu.memory_space<semaphore_mem>>) src(%arg25 : memref<640xf32, #tpu.memory_space<vmem>>) dst(%dma_wait3A_39 : memref<640xf32, #tpu.memory_space<vmem_shared>>)
      tpu.yield
    }) : () -> ()
    %add3A = arith.constant 0 : i32
    %add3A_25 = arith.addi %add3A, %mul3A_0 : i32
    "tpu.region"() ({
      %run_scoped3A = tpu.sem_alloc : memref<!tpu.dma_semaphore, #tpu.memory_space<semaphore_mem>>
      %dma_start3A = tpu.memref_slice %arg8[%mul3A_0] : memref<10240xf32, #tpu.memory_space<vmem>> -> memref<640xf32, #tpu.memory_space<vmem>>
      %dma_start3A_38 = tpu.memref_slice %arg32[%add3A_25] : memref<61440xf32, #tpu.memory_space<vmem_shared>> -> memref<640xf32, #tpu.memory_space<vmem_shared>>
      %dma_start3A_39 = tpu.memref_slice %arg32[%add3A_25] : memref<61440xf32, #tpu.memory_space<vmem_shared>> -> memref<640xf32, #tpu.memory_space<vmem_shared>>
      %dma_start3A_40 = tpu.memref_slice %arg8[%mul3A_0] : memref<10240xf32, #tpu.memory_space<vmem>> -> memref<640xf32, #tpu.memory_space<vmem>>
      tpu.enqueue_dma source(%dma_start3A_40 : memref<640xf32, #tpu.memory_space<vmem>>) target(%dma_start3A_39 : memref<640xf32, #tpu.memory_space<vmem_shared>>) target_semaphore(%run_scoped3A : memref<!tpu.dma_semaphore, #tpu.memory_space<semaphore_mem>>)
      %dma_wait3A = tpu.memref_slice %arg8[%mul3A_0] : memref<10240xf32, #tpu.memory_space<vmem>> -> memref<640xf32, #tpu.memory_space<vmem>>
      %dma_wait3A_41 = tpu.memref_slice %arg32[%add3A_25] : memref<61440xf32, #tpu.memory_space<vmem_shared>> -> memref<640xf32, #tpu.memory_space<vmem_shared>>
      %dma_wait3A_42 = tpu.memref_slice %arg32[%add3A_25] : memref<61440xf32, #tpu.memory_space<vmem_shared>> -> memref<640xf32, #tpu.memory_space<vmem_shared>>
      %dma_wait3A_43 = tpu.memref_slice %arg8[%mul3A_0] : memref<10240xf32, #tpu.memory_space<vmem>> -> memref<640xf32, #tpu.memory_space<vmem>>
      tpu.wait_dma2 semaphore(%run_scoped3A : memref<!tpu.dma_semaphore, #tpu.memory_space<semaphore_mem>>) src(%dma_wait3A_43 : memref<640xf32, #tpu.memory_space<vmem>>) dst(%dma_wait3A_42 : memref<640xf32, #tpu.memory_space<vmem_shared>>)
      tpu.yield
    }) : () -> ()
    %add3A_26 = arith.constant 10240 : i32
    %add3A_27 = arith.addi %add3A_26, %mul3A_0 : i32
    "tpu.region"() ({
      %run_scoped3A = tpu.sem_alloc : memref<!tpu.dma_semaphore, #tpu.memory_space<semaphore_mem>>
      %dma_start3A = tpu.memref_slice %arg9[%mul3A_0] : memref<10240xf32, #tpu.memory_space<vmem>> -> memref<640xf32, #tpu.memory_space<vmem>>
      %dma_start3A_38 = tpu.memref_slice %arg32[%add3A_27] : memref<61440xf32, #tpu.memory_space<vmem_shared>> -> memref<640xf32, #tpu.memory_space<vmem_shared>>
      %dma_start3A_39 = tpu.memref_slice %arg32[%add3A_27] : memref<61440xf32, #tpu.memory_space<vmem_shared>> -> memref<640xf32, #tpu.memory_space<vmem_shared>>
      %dma_start3A_40 = tpu.memref_slice %arg9[%mul3A_0] : memref<10240xf32, #tpu.memory_space<vmem>> -> memref<640xf32, #tpu.memory_space<vmem>>
      tpu.enqueue_dma source(%dma_start3A_40 : memref<640xf32, #tpu.memory_space<vmem>>) target(%dma_start3A_39 : memref<640xf32, #tpu.memory_space<vmem_shared>>) target_semaphore(%run_scoped3A : memref<!tpu.dma_semaphore, #tpu.memory_space<semaphore_mem>>)
      %dma_wait3A = tpu.memref_slice %arg9[%mul3A_0] : memref<10240xf32, #tpu.memory_space<vmem>> -> memref<640xf32, #tpu.memory_space<vmem>>
      %dma_wait3A_41 = tpu.memref_slice %arg32[%add3A_27] : memref<61440xf32, #tpu.memory_space<vmem_shared>> -> memref<640xf32, #tpu.memory_space<vmem_shared>>
      %dma_wait3A_42 = tpu.memref_slice %arg32[%add3A_27] : memref<61440xf32, #tpu.memory_space<vmem_shared>> -> memref<640xf32, #tpu.memory_space<vmem_shared>>
      %dma_wait3A_43 = tpu.memref_slice %arg9[%mul3A_0] : memref<10240xf32, #tpu.memory_space<vmem>> -> memref<640xf32, #tpu.memory_space<vmem>>
      tpu.wait_dma2 semaphore(%run_scoped3A : memref<!tpu.dma_semaphore, #tpu.memory_space<semaphore_mem>>) src(%dma_wait3A_43 : memref<640xf32, #tpu.memory_space<vmem>>) dst(%dma_wait3A_42 : memref<640xf32, #tpu.memory_space<vmem_shared>>)
      tpu.yield
    }) : () -> ()
    %add3A_28 = arith.constant 20480 : i32
    %add3A_29 = arith.addi %add3A_28, %mul3A_0 : i32
    "tpu.region"() ({
      %run_scoped3A = tpu.sem_alloc : memref<!tpu.dma_semaphore, #tpu.memory_space<semaphore_mem>>
      %dma_start3A = tpu.memref_slice %arg10[%mul3A_0] : memref<10240xf32, #tpu.memory_space<vmem>> -> memref<640xf32, #tpu.memory_space<vmem>>
      %dma_start3A_38 = tpu.memref_slice %arg32[%add3A_29] : memref<61440xf32, #tpu.memory_space<vmem_shared>> -> memref<640xf32, #tpu.memory_space<vmem_shared>>
      %dma_start3A_39 = tpu.memref_slice %arg32[%add3A_29] : memref<61440xf32, #tpu.memory_space<vmem_shared>> -> memref<640xf32, #tpu.memory_space<vmem_shared>>
      %dma_start3A_40 = tpu.memref_slice %arg10[%mul3A_0] : memref<10240xf32, #tpu.memory_space<vmem>> -> memref<640xf32, #tpu.memory_space<vmem>>
      tpu.enqueue_dma source(%dma_start3A_40 : memref<640xf32, #tpu.memory_space<vmem>>) target(%dma_start3A_39 : memref<640xf32, #tpu.memory_space<vmem_shared>>) target_semaphore(%run_scoped3A : memref<!tpu.dma_semaphore, #tpu.memory_space<semaphore_mem>>)
      %dma_wait3A = tpu.memref_slice %arg10[%mul3A_0] : memref<10240xf32, #tpu.memory_space<vmem>> -> memref<640xf32, #tpu.memory_space<vmem>>
      %dma_wait3A_41 = tpu.memref_slice %arg32[%add3A_29] : memref<61440xf32, #tpu.memory_space<vmem_shared>> -> memref<640xf32, #tpu.memory_space<vmem_shared>>
      %dma_wait3A_42 = tpu.memref_slice %arg32[%add3A_29] : memref<61440xf32, #tpu.memory_space<vmem_shared>> -> memref<640xf32, #tpu.memory_space<vmem_shared>>
      %dma_wait3A_43 = tpu.memref_slice %arg10[%mul3A_0] : memref<10240xf32, #tpu.memory_space<vmem>> -> memref<640xf32, #tpu.memory_space<vmem>>
      tpu.wait_dma2 semaphore(%run_scoped3A : memref<!tpu.dma_semaphore, #tpu.memory_space<semaphore_mem>>) src(%dma_wait3A_43 : memref<640xf32, #tpu.memory_space<vmem>>) dst(%dma_wait3A_42 : memref<640xf32, #tpu.memory_space<vmem_shared>>)
      tpu.yield
    }) : () -> ()
    %barrier3A = arith.constant 0 : index
    tpu.barrier barrier_id(%barrier3A)
    "tpu.region"() ({
      %run_scoped3A = tpu.sem_alloc : memref<!tpu.dma_semaphore, #tpu.memory_space<semaphore_mem>>
      %dma_start3A = arith.constant 0 : i32
      %dma_start3A_38 = tpu.memref_slice %arg32[%dma_start3A] : memref<61440xf32, #tpu.memory_space<vmem_shared>> -> memref<10240xf32, #tpu.memory_space<vmem_shared>>
      %dma_start3A_39 = arith.constant 0 : i32
      %dma_start3A_40 = tpu.memref_slice %arg32[%dma_start3A_39] : memref<61440xf32, #tpu.memory_space<vmem_shared>> -> memref<10240xf32, #tpu.memory_space<vmem_shared>>
      tpu.enqueue_dma source(%dma_start3A_40 : memref<10240xf32, #tpu.memory_space<vmem_shared>>) target(%arg8 : memref<10240xf32, #tpu.memory_space<vmem>>) target_semaphore(%run_scoped3A : memref<!tpu.dma_semaphore, #tpu.memory_space<semaphore_mem>>)
      %dma_wait3A = arith.constant 0 : i32
      %dma_wait3A_41 = tpu.memref_slice %arg32[%dma_wait3A] : memref<61440xf32, #tpu.memory_space<vmem_shared>> -> memref<10240xf32, #tpu.memory_space<vmem_shared>>
      %dma_wait3A_42 = arith.constant 0 : i32
      %dma_wait3A_43 = tpu.memref_slice %arg32[%dma_wait3A_42] : memref<61440xf32, #tpu.memory_space<vmem_shared>> -> memref<10240xf32, #tpu.memory_space<vmem_shared>>
      tpu.wait_dma2 semaphore(%run_scoped3A : memref<!tpu.dma_semaphore, #tpu.memory_space<semaphore_mem>>) src(%dma_wait3A_43 : memref<10240xf32, #tpu.memory_space<vmem_shared>>) dst(%arg8 : memref<10240xf32, #tpu.memory_space<vmem>>)
      tpu.yield
    }) : () -> ()
    "tpu.region"() ({
      %run_scoped3A = tpu.sem_alloc : memref<!tpu.dma_semaphore, #tpu.memory_space<semaphore_mem>>
      %dma_start3A = arith.constant 10240 : i32
      %dma_start3A_38 = tpu.memref_slice %arg32[%dma_start3A] : memref<61440xf32, #tpu.memory_space<vmem_shared>> -> memref<10240xf32, #tpu.memory_space<vmem_shared>>
      %dma_start3A_39 = arith.constant 10240 : i32
      %dma_start3A_40 = tpu.memref_slice %arg32[%dma_start3A_39] : memref<61440xf32, #tpu.memory_space<vmem_shared>> -> memref<10240xf32, #tpu.memory_space<vmem_shared>>
      tpu.enqueue_dma source(%dma_start3A_40 : memref<10240xf32, #tpu.memory_space<vmem_shared>>) target(%arg9 : memref<10240xf32, #tpu.memory_space<vmem>>) target_semaphore(%run_scoped3A : memref<!tpu.dma_semaphore, #tpu.memory_space<semaphore_mem>>)
      %dma_wait3A = arith.constant 10240 : i32
      %dma_wait3A_41 = tpu.memref_slice %arg32[%dma_wait3A] : memref<61440xf32, #tpu.memory_space<vmem_shared>> -> memref<10240xf32, #tpu.memory_space<vmem_shared>>
      %dma_wait3A_42 = arith.constant 10240 : i32
      %dma_wait3A_43 = tpu.memref_slice %arg32[%dma_wait3A_42] : memref<61440xf32, #tpu.memory_space<vmem_shared>> -> memref<10240xf32, #tpu.memory_space<vmem_shared>>
      tpu.wait_dma2 semaphore(%run_scoped3A : memref<!tpu.dma_semaphore, #tpu.memory_space<semaphore_mem>>) src(%dma_wait3A_43 : memref<10240xf32, #tpu.memory_space<vmem_shared>>) dst(%arg9 : memref<10240xf32, #tpu.memory_space<vmem>>)
      tpu.yield
    }) : () -> ()
    "tpu.region"() ({
      %run_scoped3A = tpu.sem_alloc : memref<!tpu.dma_semaphore, #tpu.memory_space<semaphore_mem>>
      %dma_start3A = arith.constant 20480 : i32
      %dma_start3A_38 = tpu.memref_slice %arg32[%dma_start3A] : memref<61440xf32, #tpu.memory_space<vmem_shared>> -> memref<10240xf32, #tpu.memory_space<vmem_shared>>
      %dma_start3A_39 = arith.constant 20480 : i32
      %dma_start3A_40 = tpu.memref_slice %arg32[%dma_start3A_39] : memref<61440xf32, #tpu.memory_space<vmem_shared>> -> memref<10240xf32, #tpu.memory_space<vmem_shared>>
      tpu.enqueue_dma source(%dma_start3A_40 : memref<10240xf32, #tpu.memory_space<vmem_shared>>) target(%arg10 : memref<10240xf32, #tpu.memory_space<vmem>>) target_semaphore(%run_scoped3A : memref<!tpu.dma_semaphore, #tpu.memory_space<semaphore_mem>>)
      %dma_wait3A = arith.constant 20480 : i32
      %dma_wait3A_41 = tpu.memref_slice %arg32[%dma_wait3A] : memref<61440xf32, #tpu.memory_space<vmem_shared>> -> memref<10240xf32, #tpu.memory_space<vmem_shared>>
      %dma_wait3A_42 = arith.constant 20480 : i32
      %dma_wait3A_43 = tpu.memref_slice %arg32[%dma_wait3A_42] : memref<61440xf32, #tpu.memory_space<vmem_shared>> -> memref<10240xf32, #tpu.memory_space<vmem_shared>>
      tpu.wait_dma2 semaphore(%run_scoped3A : memref<!tpu.dma_semaphore, #tpu.memory_space<semaphore_mem>>) src(%dma_wait3A_43 : memref<10240xf32, #tpu.memory_space<vmem_shared>>) dst(%arg10 : memref<10240xf32, #tpu.memory_space<vmem>>)
      tpu.yield
    }) : () -> ()
    %mul3A_30 = arith.constant 20000 : i32
    %mul3A_31 = arith.muli %arg1, %mul3A_30 : i32
    %scan3A_32 = arith.constant 0 : i32
    %scan3A_33 = arith.constant 0 : i32
    %scan3A_34 = arith.constant 10 : i32
    %scan3A_35 = arith.addi %scan3A_33, %scan3A_34 : i32
    %scan3A_36 = arith.constant 1 : i32
    scf.for %scan3A_38 = %scan3A_33 to %scan3A_35 step %scan3A_36  : i32 {
      %eq3A_39 = arith.constant 9 : i32
      %eq3A_40 = arith.cmpi eq, %scan3A_38, %eq3A_39 : i32
      %dma_start3A = tpu.memref_slice %arg29[%mul3A_0] : memref<10240xf32, #tpu.memory_space<vmem_shared>> -> memref<640xf32, #tpu.memory_space<vmem_shared>>
      %dma_start3A_41 = tpu.memref_slice %arg29[%mul3A_0] : memref<10240xf32, #tpu.memory_space<vmem_shared>> -> memref<640xf32, #tpu.memory_space<vmem_shared>>
      tpu.enqueue_dma source(%arg25 : memref<640xf32, #tpu.memory_space<vmem>>) target(%dma_start3A_41 : memref<640xf32, #tpu.memory_space<vmem_shared>>) target_semaphore(%arg28 : memref<!tpu.dma_semaphore, #tpu.memory_space<semaphore_mem>>)
      %dma_start3A_42 = tpu.memref_slice %arg30[%mul3A_0] : memref<10240xf32, #tpu.memory_space<vmem_shared>> -> memref<640xf32, #tpu.memory_space<vmem_shared>>
      %dma_start3A_43 = tpu.memref_slice %arg30[%mul3A_0] : memref<10240xf32, #tpu.memory_space<vmem_shared>> -> memref<640xf32, #tpu.memory_space<vmem_shared>>
      tpu.enqueue_dma source(%arg25 : memref<640xf32, #tpu.memory_space<vmem>>) target(%dma_start3A_43 : memref<640xf32, #tpu.memory_space<vmem_shared>>) target_semaphore(%arg28 : memref<!tpu.dma_semaphore, #tpu.memory_space<semaphore_mem>>)
      %dma_start3A_44 = tpu.memref_slice %arg31[%mul3A_0] : memref<10240xf32, #tpu.memory_space<vmem_shared>> -> memref<640xf32, #tpu.memory_space<vmem_shared>>
      %dma_start3A_45 = tpu.memref_slice %arg31[%mul3A_0] : memref<10240xf32, #tpu.memory_space<vmem_shared>> -> memref<640xf32, #tpu.memory_space<vmem_shared>>
      tpu.enqueue_dma source(%arg25 : memref<640xf32, #tpu.memory_space<vmem>>) target(%dma_start3A_45 : memref<640xf32, #tpu.memory_space<vmem_shared>>) target_semaphore(%arg28 : memref<!tpu.dma_semaphore, #tpu.memory_space<semaphore_mem>>)
      tpu.enqueue_dma source(%arg33 : memref<10240xf32, #tpu.memory_space<vmem_shared>>) target(%arg14 : memref<10240xf32, #tpu.memory_space<vmem>>) target_semaphore(%arg28 : memref<!tpu.dma_semaphore, #tpu.memory_space<semaphore_mem>>)
      tpu.enqueue_dma source(%arg33 : memref<10240xf32, #tpu.memory_space<vmem_shared>>) target(%arg15 : memref<10240xf32, #tpu.memory_space<vmem>>) target_semaphore(%arg28 : memref<!tpu.dma_semaphore, #tpu.memory_space<semaphore_mem>>)
      tpu.enqueue_dma source(%arg33 : memref<10240xf32, #tpu.memory_space<vmem_shared>>) target(%arg16 : memref<10240xf32, #tpu.memory_space<vmem>>) target_semaphore(%arg28 : memref<!tpu.dma_semaphore, #tpu.memory_space<semaphore_mem>>)
      %mul3A_46 = arith.constant 2 : i32
      %mul3A_47 = arith.muli %mul3A_31, %mul3A_46 : i32
      %dma_start3A_48 = arith.constant 0 : i32
      %dma_start3A_49 = tpu.memref_slice %arg17[%dma_start3A_48] : memref<8000xi32, #tpu.memory_space<vmem>> -> memref<4000xi32, #tpu.memory_space<vmem>>
      %dma_start3A_50 = tpu.memref_slice %arg3[%mul3A_47] : memref<640000xi32, #tpu.memory_space<hbm>> -> memref<4000xi32, #tpu.memory_space<hbm>>
      %dma_start3A_51 = arith.constant 0 : i32
      %dma_start3A_52 = tpu.memref_slice %arg17[%dma_start3A_51] : memref<8000xi32, #tpu.memory_space<vmem>> -> memref<4000xi32, #tpu.memory_space<vmem>>
      %dma_start3A_53 = tpu.memref_slice %arg3[%mul3A_47] : memref<640000xi32, #tpu.memory_space<hbm>> -> memref<4000xi32, #tpu.memory_space<hbm>>
      tpu.enqueue_dma source(%dma_start3A_53 : memref<4000xi32, #tpu.memory_space<hbm>>) target(%dma_start3A_52 : memref<4000xi32, #tpu.memory_space<vmem>>) target_semaphore(%arg26 : memref<!tpu.dma_semaphore, #tpu.memory_space<semaphore_mem>>)
      %dma_start3A_54 = arith.constant 0 : i32
      %dma_start3A_55 = tpu.memref_slice %arg18[%dma_start3A_54] : memref<4000xf32, #tpu.memory_space<vmem>> -> memref<2000xf32, #tpu.memory_space<vmem>>
      %dma_start3A_56 = tpu.memref_slice %arg4[%mul3A_31] : memref<320000xf32, #tpu.memory_space<hbm>> -> memref<2000xf32, #tpu.memory_space<hbm>>
      %dma_start3A_57 = arith.constant 0 : i32
      %dma_start3A_58 = tpu.memref_slice %arg18[%dma_start3A_57] : memref<4000xf32, #tpu.memory_space<vmem>> -> memref<2000xf32, #tpu.memory_space<vmem>>
      %dma_start3A_59 = tpu.memref_slice %arg4[%mul3A_31] : memref<320000xf32, #tpu.memory_space<hbm>> -> memref<2000xf32, #tpu.memory_space<hbm>>
      tpu.enqueue_dma source(%dma_start3A_59 : memref<2000xf32, #tpu.memory_space<hbm>>) target(%dma_start3A_58 : memref<2000xf32, #tpu.memory_space<vmem>>) target_semaphore(%arg26 : memref<!tpu.dma_semaphore, #tpu.memory_space<semaphore_mem>>)
      %dma_wait3A = tpu.memref_slice %arg29[%mul3A_0] : memref<10240xf32, #tpu.memory_space<vmem_shared>> -> memref<640xf32, #tpu.memory_space<vmem_shared>>
      %dma_wait3A_60 = tpu.memref_slice %arg29[%mul3A_0] : memref<10240xf32, #tpu.memory_space<vmem_shared>> -> memref<640xf32, #tpu.memory_space<vmem_shared>>
      tpu.wait_dma2 semaphore(%arg28 : memref<!tpu.dma_semaphore, #tpu.memory_space<semaphore_mem>>) src(%arg25 : memref<640xf32, #tpu.memory_space<vmem>>) dst(%dma_wait3A_60 : memref<640xf32, #tpu.memory_space<vmem_shared>>)
      %dma_wait3A_61 = tpu.memref_slice %arg30[%mul3A_0] : memref<10240xf32, #tpu.memory_space<vmem_shared>> -> memref<640xf32, #tpu.memory_space<vmem_shared>>
      %dma_wait3A_62 = tpu.memref_slice %arg30[%mul3A_0] : memref<10240xf32, #tpu.memory_space<vmem_shared>> -> memref<640xf32, #tpu.memory_space<vmem_shared>>
      tpu.wait_dma2 semaphore(%arg28 : memref<!tpu.dma_semaphore, #tpu.memory_space<semaphore_mem>>) src(%arg25 : memref<640xf32, #tpu.memory_space<vmem>>) dst(%dma_wait3A_62 : memref<640xf32, #tpu.memory_space<vmem_shared>>)
      %dma_wait3A_63 = tpu.memref_slice %arg31[%mul3A_0] : memref<10240xf32, #tpu.memory_space<vmem_shared>> -> memref<640xf32, #tpu.memory_space<vmem_shared>>
      %dma_wait3A_64 = tpu.memref_slice %arg31[%mul3A_0] : memref<10240xf32, #tpu.memory_space<vmem_shared>> -> memref<640xf32, #tpu.memory_space<vmem_shared>>
      tpu.wait_dma2 semaphore(%arg28 : memref<!tpu.dma_semaphore, #tpu.memory_space<semaphore_mem>>) src(%arg25 : memref<640xf32, #tpu.memory_space<vmem>>) dst(%dma_wait3A_64 : memref<640xf32, #tpu.memory_space<vmem_shared>>)
      tpu.wait_dma2 semaphore(%arg28 : memref<!tpu.dma_semaphore, #tpu.memory_space<semaphore_mem>>) src(%arg33 : memref<10240xf32, #tpu.memory_space<vmem_shared>>) dst(%arg14 : memref<10240xf32, #tpu.memory_space<vmem>>)
      tpu.wait_dma2 semaphore(%arg28 : memref<!tpu.dma_semaphore, #tpu.memory_space<semaphore_mem>>) src(%arg33 : memref<10240xf32, #tpu.memory_space<vmem_shared>>) dst(%arg15 : memref<10240xf32, #tpu.memory_space<vmem>>)
      tpu.wait_dma2 semaphore(%arg28 : memref<!tpu.dma_semaphore, #tpu.memory_space<semaphore_mem>>) src(%arg33 : memref<10240xf32, #tpu.memory_space<vmem_shared>>) dst(%arg16 : memref<10240xf32, #tpu.memory_space<vmem>>)
      %scan3A_65 = arith.constant 0 : i32
      %scan3A_66 = arith.constant 0 : i32
      %scan3A_67 = arith.constant 10 : i32
      %scan3A_68 = arith.addi %scan3A_66, %scan3A_67 : i32
      %scan3A_69 = arith.constant 1 : i32
      scf.for %scan3A_104 = %scan3A_66 to %scan3A_68 step %scan3A_69  : i32 {
        %mul3A_105 = arith.constant 2000 : i32
        %mul3A_106 = arith.muli %scan3A_104, %mul3A_105 : i32
        %add3A_107 = arith.addi %mul3A_31, %mul3A_106 : i32
        %rem3A = arith.constant 2 : i32
        %rem3A_108 = arith.remsi %scan3A_104, %rem3A : i32
        %mul3A_109 = arith.constant 2000 : i32
        %mul3A_110 = arith.muli %rem3A_108, %mul3A_109 : i32
        %eq3A_111 = arith.constant 0 : i32
        %eq3A_112 = arith.cmpi eq, %rem3A_108, %eq3A_111 : i32
        %convert_element_type3A_113 = arith.extui %eq3A_112 : i1 to i32
        %cond3A_114 = arith.constant 0 : i32
        %cond3A_115 = arith.cmpi ne, %convert_element_type3A_113, %cond3A_114 : i32
        scf.if %cond3A_115 {
          %mul3A_136 = arith.constant 2 : i32
          %mul3A_137 = arith.muli %add3A_107, %mul3A_136 : i32
          %dma_wait3A_138 = arith.constant 0 : i32
          %dma_wait3A_139 = tpu.memref_slice %arg17[%dma_wait3A_138] : memref<8000xi32, #tpu.memory_space<vmem>> -> memref<4000xi32, #tpu.memory_space<vmem>>
          %dma_wait3A_140 = tpu.memref_slice %arg3[%mul3A_137] : memref<640000xi32, #tpu.memory_space<hbm>> -> memref<4000xi32, #tpu.memory_space<hbm>>
          %dma_wait3A_141 = arith.constant 0 : i32
          %dma_wait3A_142 = tpu.memref_slice %arg17[%dma_wait3A_141] : memref<8000xi32, #tpu.memory_space<vmem>> -> memref<4000xi32, #tpu.memory_space<vmem>>
          %dma_wait3A_143 = tpu.memref_slice %arg3[%mul3A_137] : memref<640000xi32, #tpu.memory_space<hbm>> -> memref<4000xi32, #tpu.memory_space<hbm>>
          tpu.wait_dma2 semaphore(%arg26 : memref<!tpu.dma_semaphore, #tpu.memory_space<semaphore_mem>>) src(%dma_wait3A_143 : memref<4000xi32, #tpu.memory_space<hbm>>) dst(%dma_wait3A_142 : memref<4000xi32, #tpu.memory_space<vmem>>)
          %dma_wait3A_144 = arith.constant 0 : i32
          %dma_wait3A_145 = tpu.memref_slice %arg18[%dma_wait3A_144] : memref<4000xf32, #tpu.memory_space<vmem>> -> memref<2000xf32, #tpu.memory_space<vmem>>
          %dma_wait3A_146 = tpu.memref_slice %arg4[%add3A_107] : memref<320000xf32, #tpu.memory_space<hbm>> -> memref<2000xf32, #tpu.memory_space<hbm>>
          %dma_wait3A_147 = arith.constant 0 : i32
          %dma_wait3A_148 = tpu.memref_slice %arg18[%dma_wait3A_147] : memref<4000xf32, #tpu.memory_space<vmem>> -> memref<2000xf32, #tpu.memory_space<vmem>>
          %dma_wait3A_149 = tpu.memref_slice %arg4[%add3A_107] : memref<320000xf32, #tpu.memory_space<hbm>> -> memref<2000xf32, #tpu.memory_space<hbm>>
          tpu.wait_dma2 semaphore(%arg26 : memref<!tpu.dma_semaphore, #tpu.memory_space<semaphore_mem>>) src(%dma_wait3A_149 : memref<2000xf32, #tpu.memory_space<hbm>>) dst(%dma_wait3A_148 : memref<2000xf32, #tpu.memory_space<vmem>>)
        } else {
        }
        %eq3A_116 = arith.constant 1 : i32
        %eq3A_117 = arith.cmpi eq, %rem3A_108, %eq3A_116 : i32
        %convert_element_type3A_118 = arith.extui %eq3A_117 : i1 to i32
        %cond3A_119 = arith.constant 0 : i32
        %cond3A_120 = arith.cmpi ne, %convert_element_type3A_118, %cond3A_119 : i32
        scf.if %cond3A_120 {
          %mul3A_136 = arith.constant 2 : i32
          %mul3A_137 = arith.muli %add3A_107, %mul3A_136 : i32
          %dma_wait3A_138 = arith.constant 4000 : i32
          %dma_wait3A_139 = tpu.memref_slice %arg17[%dma_wait3A_138] : memref<8000xi32, #tpu.memory_space<vmem>> -> memref<4000xi32, #tpu.memory_space<vmem>>
          %dma_wait3A_140 = tpu.memref_slice %arg3[%mul3A_137] : memref<640000xi32, #tpu.memory_space<hbm>> -> memref<4000xi32, #tpu.memory_space<hbm>>
          %dma_wait3A_141 = arith.constant 4000 : i32
          %dma_wait3A_142 = tpu.memref_slice %arg17[%dma_wait3A_141] : memref<8000xi32, #tpu.memory_space<vmem>> -> memref<4000xi32, #tpu.memory_space<vmem>>
          %dma_wait3A_143 = tpu.memref_slice %arg3[%mul3A_137] : memref<640000xi32, #tpu.memory_space<hbm>> -> memref<4000xi32, #tpu.memory_space<hbm>>
          tpu.wait_dma2 semaphore(%arg27 : memref<!tpu.dma_semaphore, #tpu.memory_space<semaphore_mem>>) src(%dma_wait3A_143 : memref<4000xi32, #tpu.memory_space<hbm>>) dst(%dma_wait3A_142 : memref<4000xi32, #tpu.memory_space<vmem>>)
          %dma_wait3A_144 = arith.constant 2000 : i32
          %dma_wait3A_145 = tpu.memref_slice %arg18[%dma_wait3A_144] : memref<4000xf32, #tpu.memory_space<vmem>> -> memref<2000xf32, #tpu.memory_space<vmem>>
          %dma_wait3A_146 = tpu.memref_slice %arg4[%add3A_107] : memref<320000xf32, #tpu.memory_space<hbm>> -> memref<2000xf32, #tpu.memory_space<hbm>>
          %dma_wait3A_147 = arith.constant 2000 : i32
          %dma_wait3A_148 = tpu.memref_slice %arg18[%dma_wait3A_147] : memref<4000xf32, #tpu.memory_space<vmem>> -> memref<2000xf32, #tpu.memory_space<vmem>>
          %dma_wait3A_149 = tpu.memref_slice %arg4[%add3A_107] : memref<320000xf32, #tpu.memory_space<hbm>> -> memref<2000xf32, #tpu.memory_space<hbm>>
          tpu.wait_dma2 semaphore(%arg27 : memref<!tpu.dma_semaphore, #tpu.memory_space<semaphore_mem>>) src(%dma_wait3A_149 : memref<2000xf32, #tpu.memory_space<hbm>>) dst(%dma_wait3A_148 : memref<2000xf32, #tpu.memory_space<vmem>>)
        } else {
        }
        %add3A_121 = arith.constant 1 : i32
        %add3A_122 = arith.addi %scan3A_104, %add3A_121 : i32
        %lt3A_123 = arith.constant 10 : i32
        %lt3A_124 = arith.cmpi slt, %add3A_122, %lt3A_123 : i32
        %convert_element_type3A_125 = arith.extui %lt3A_124 : i1 to i32
        %cond3A_126 = arith.constant 0 : i32
        %cond3A_127 = arith.cmpi ne, %convert_element_type3A_125, %cond3A_126 : i32
        scf.if %cond3A_127 {
          %add3A_136 = arith.constant 2000 : i32
          %add3A_137 = arith.addi %add3A_107, %add3A_136 : i32
          %eq3A_138 = arith.constant 0 : i32
          %eq3A_139 = arith.cmpi eq, %rem3A_108, %eq3A_138 : i32
          %convert_element_type3A_140 = arith.extui %eq3A_139 : i1 to i32
          %cond3A_141 = arith.constant 0 : i32
          %cond3A_142 = arith.cmpi ne, %convert_element_type3A_140, %cond3A_141 : i32
          scf.if %cond3A_142 {
            %mul3A_148 = arith.constant 2 : i32
            %mul3A_149 = arith.muli %add3A_137, %mul3A_148 : i32
            %dma_start3A_150 = arith.constant 4000 : i32
            %dma_start3A_151 = tpu.memref_slice %arg17[%dma_start3A_150] : memref<8000xi32, #tpu.memory_space<vmem>> -> memref<4000xi32, #tpu.memory_space<vmem>>
            %dma_start3A_152 = tpu.memref_slice %arg3[%mul3A_149] : memref<640000xi32, #tpu.memory_space<hbm>> -> memref<4000xi32, #tpu.memory_space<hbm>>
            %dma_start3A_153 = arith.constant 4000 : i32
            %dma_start3A_154 = tpu.memref_slice %arg17[%dma_start3A_153] : memref<8000xi32, #tpu.memory_space<vmem>> -> memref<4000xi32, #tpu.memory_space<vmem>>
            %dma_start3A_155 = tpu.memref_slice %arg3[%mul3A_149] : memref<640000xi32, #tpu.memory_space<hbm>> -> memref<4000xi32, #tpu.memory_space<hbm>>
            tpu.enqueue_dma source(%dma_start3A_155 : memref<4000xi32, #tpu.memory_space<hbm>>) target(%dma_start3A_154 : memref<4000xi32, #tpu.memory_space<vmem>>) target_semaphore(%arg27 : memref<!tpu.dma_semaphore, #tpu.memory_space<semaphore_mem>>)
            %dma_start3A_156 = arith.constant 2000 : i32
            %dma_start3A_157 = tpu.memref_slice %arg18[%dma_start3A_156] : memref<4000xf32, #tpu.memory_space<vmem>> -> memref<2000xf32, #tpu.memory_space<vmem>>
            %dma_start3A_158 = tpu.memref_slice %arg4[%add3A_137] : memref<320000xf32, #tpu.memory_space<hbm>> -> memref<2000xf32, #tpu.memory_space<hbm>>
            %dma_start3A_159 = arith.constant 2000 : i32
            %dma_start3A_160 = tpu.memref_slice %arg18[%dma_start3A_159] : memref<4000xf32, #tpu.memory_space<vmem>> -> memref<2000xf32, #tpu.memory_space<vmem>>
            %dma_start3A_161 = tpu.memref_slice %arg4[%add3A_137] : memref<320000xf32, #tpu.memory_space<hbm>> -> memref<2000xf32, #tpu.memory_space<hbm>>
            tpu.enqueue_dma source(%dma_start3A_161 : memref<2000xf32, #tpu.memory_space<hbm>>) target(%dma_start3A_160 : memref<2000xf32, #tpu.memory_space<vmem>>) target_semaphore(%arg27 : memref<!tpu.dma_semaphore, #tpu.memory_space<semaphore_mem>>)
          } else {
          }
          %eq3A_143 = arith.constant 1 : i32
          %eq3A_144 = arith.cmpi eq, %rem3A_108, %eq3A_143 : i32
          %convert_element_type3A_145 = arith.extui %eq3A_144 : i1 to i32
          %cond3A_146 = arith.constant 0 : i32
          %cond3A_147 = arith.cmpi ne, %convert_element_type3A_145, %cond3A_146 : i32
          scf.if %cond3A_147 {
            %mul3A_148 = arith.constant 2 : i32
            %mul3A_149 = arith.muli %add3A_137, %mul3A_148 : i32
            %dma_start3A_150 = arith.constant 0 : i32
            %dma_start3A_151 = tpu.memref_slice %arg17[%dma_start3A_150] : memref<8000xi32, #tpu.memory_space<vmem>> -> memref<4000xi32, #tpu.memory_space<vmem>>
            %dma_start3A_152 = tpu.memref_slice %arg3[%mul3A_149] : memref<640000xi32, #tpu.memory_space<hbm>> -> memref<4000xi32, #tpu.memory_space<hbm>>
            %dma_start3A_153 = arith.constant 0 : i32
            %dma_start3A_154 = tpu.memref_slice %arg17[%dma_start3A_153] : memref<8000xi32, #tpu.memory_space<vmem>> -> memref<4000xi32, #tpu.memory_space<vmem>>
            %dma_start3A_155 = tpu.memref_slice %arg3[%mul3A_149] : memref<640000xi32, #tpu.memory_space<hbm>> -> memref<4000xi32, #tpu.memory_space<hbm>>
            tpu.enqueue_dma source(%dma_start3A_155 : memref<4000xi32, #tpu.memory_space<hbm>>) target(%dma_start3A_154 : memref<4000xi32, #tpu.memory_space<vmem>>) target_semaphore(%arg26 : memref<!tpu.dma_semaphore, #tpu.memory_space<semaphore_mem>>)
            %dma_start3A_156 = arith.constant 0 : i32
            %dma_start3A_157 = tpu.memref_slice %arg18[%dma_start3A_156] : memref<4000xf32, #tpu.memory_space<vmem>> -> memref<2000xf32, #tpu.memory_space<vmem>>
            %dma_start3A_158 = tpu.memref_slice %arg4[%add3A_137] : memref<320000xf32, #tpu.memory_space<hbm>> -> memref<2000xf32, #tpu.memory_space<hbm>>
            %dma_start3A_159 = arith.constant 0 : i32
            %dma_start3A_160 = tpu.memref_slice %arg18[%dma_start3A_159] : memref<4000xf32, #tpu.memory_space<vmem>> -> memref<2000xf32, #tpu.memory_space<vmem>>
            %dma_start3A_161 = tpu.memref_slice %arg4[%add3A_137] : memref<320000xf32, #tpu.memory_space<hbm>> -> memref<2000xf32, #tpu.memory_space<hbm>>
            tpu.enqueue_dma source(%dma_start3A_161 : memref<2000xf32, #tpu.memory_space<hbm>>) target(%dma_start3A_160 : memref<2000xf32, #tpu.memory_space<vmem>>) target_semaphore(%arg26 : memref<!tpu.dma_semaphore, #tpu.memory_space<semaphore_mem>>)
          } else {
          }
        } else {
        }
        %not3A_128 = arith.constant true
        %not3A_129 = arith.xori %eq3A_40, %not3A_128 : i1
        %convert_element_type3A_130 = arith.extui %not3A_129 : i1 to i32
        %cond3A_131 = arith.constant 0 : i32
        %cond3A_132 = arith.cmpi ne, %convert_element_type3A_130, %cond3A_131 : i32
        scf.if %cond3A_132 {
          %parallel_loop3A = arith.constant 0 : i32
          %parallel_loop3A_136 = arith.constant 125 : i32
          %parallel_loop3A_137 = arith.constant 1 : i32
          scf.for %parallel_loop3A_138 = %parallel_loop3A to %parallel_loop3A_136 step %parallel_loop3A_137  : i32 {
            %parallel_loop3A_139 = arith.constant 16 : i32
            %parallel_loop3A_140 = arith.muli %parallel_loop3A_138, %parallel_loop3A_139 : i32
            %parallel_loop3A_141 = arith.constant 2 : i32
            %parallel_loop3A_142 = arith.muli %parallel_loop3A_141, %mul3A_110 : i32
            %parallel_loop3A_143 = arith.constant 2 : i32
            %parallel_loop3A_144 = arith.muli %parallel_loop3A_143, %parallel_loop3A_140 : i32
            %parallel_loop3A_145 = arith.addi %parallel_loop3A_142, %parallel_loop3A_144 : i32
            %parallel_loop3A_146 = arith.constant 2 : i32
            %parallel_loop3A_147 = vector.broadcast %parallel_loop3A_146 : i32 to vector<16xi32>
            %parallel_loop3A_148 = arith.muli %parallel_loop3A_147, %iota3A : vector<16xi32>
            %parallel_loop3A_149 = vector.broadcast %parallel_loop3A_145 : i32 to vector<16xi32>
            %parallel_loop3A_150 = arith.addi %parallel_loop3A_149, %parallel_loop3A_148 : vector<16xi32>
            %parallel_loop3A_151 = tpu.vector_load_idx %arg17[%parallel_loop3A_150] : memref<8000xi32, #tpu.memory_space<vmem>>[vector<16xi32>], vector<16xi32>,
            %parallel_loop3A_152 = arith.constant 1 : i32
            %parallel_loop3A_153 = vector.broadcast %parallel_loop3A_152 : i32 to vector<16xi32>
            %parallel_loop3A_154 = arith.addi %parallel_loop3A_150, %parallel_loop3A_153 : vector<16xi32>
            %parallel_loop3A_155 = tpu.vector_load_idx %arg17[%parallel_loop3A_154] : memref<8000xi32, #tpu.memory_space<vmem>>[vector<16xi32>], vector<16xi32>,
            %parallel_loop3A_156 = tpu.vector_load_idx %arg8[%parallel_loop3A_151] : memref<10240xf32, #tpu.memory_space<vmem>>[vector<16xi32>], vector<16xf32>,
            %parallel_loop3A_157 = tpu.vector_load_idx %arg9[%parallel_loop3A_151] : memref<10240xf32, #tpu.memory_space<vmem>>[vector<16xi32>], vector<16xf32>,
            %parallel_loop3A_158 = tpu.vector_load_idx %arg10[%parallel_loop3A_151] : memref<10240xf32, #tpu.memory_space<vmem>>[vector<16xi32>], vector<16xf32>,
            %parallel_loop3A_159 = tpu.vector_load_idx %arg8[%parallel_loop3A_155] : memref<10240xf32, #tpu.memory_space<vmem>>[vector<16xi32>], vector<16xf32>,
            %parallel_loop3A_160 = tpu.vector_load_idx %arg9[%parallel_loop3A_155] : memref<10240xf32, #tpu.memory_space<vmem>>[vector<16xi32>], vector<16xf32>,
            %parallel_loop3A_161 = tpu.vector_load_idx %arg10[%parallel_loop3A_155] : memref<10240xf32, #tpu.memory_space<vmem>>[vector<16xi32>], vector<16xf32>,
            %parallel_loop3A_162 = arith.subf %parallel_loop3A_159, %parallel_loop3A_156 : vector<16xf32>
            %parallel_loop3A_163 = arith.subf %parallel_loop3A_160, %parallel_loop3A_157 : vector<16xf32>
            %parallel_loop3A_164 = arith.subf %parallel_loop3A_161, %parallel_loop3A_158 : vector<16xf32>
            %parallel_loop3A_165 = arith.mulf %parallel_loop3A_162, %parallel_loop3A_162 : vector<16xf32>
            %parallel_loop3A_166 = arith.mulf %parallel_loop3A_163, %parallel_loop3A_163 : vector<16xf32>
            %parallel_loop3A_167 = arith.addf %parallel_loop3A_165, %parallel_loop3A_166 : vector<16xf32>
            %parallel_loop3A_168 = arith.mulf %parallel_loop3A_164, %parallel_loop3A_164 : vector<16xf32>
            %parallel_loop3A_169 = arith.addf %parallel_loop3A_167, %parallel_loop3A_168 : vector<16xf32>
            %parallel_loop3A_170 = vector.bitcast %parallel_loop3A_169 : vector<16xf32> to vector<16xi32>
            %parallel_loop3A_171 = arith.constant 1 : i32
            %parallel_loop3A_172 = vector.broadcast %parallel_loop3A_171 : i32 to vector<16xi32>
            %parallel_loop3A_173 = arith.shrsi %parallel_loop3A_170, %parallel_loop3A_172 : vector<16xi32>
            %parallel_loop3A_174 = arith.constant 1597463007 : i32
            %parallel_loop3A_175 = vector.broadcast %parallel_loop3A_174 : i32 to vector<16xi32>
            %parallel_loop3A_176 = arith.subi %parallel_loop3A_175, %parallel_loop3A_173 : vector<16xi32>
            %parallel_loop3A_177 = vector.bitcast %parallel_loop3A_176 : vector<16xi32> to vector<16xf32>
            %parallel_loop3A_178 = arith.constant 5.000000e-01 : f32
            %parallel_loop3A_179 = vector.broadcast %parallel_loop3A_178 : f32 to vector<16xf32>
            %parallel_loop3A_180 = arith.mulf %parallel_loop3A_179, %parallel_loop3A_169 : vector<16xf32>
            %parallel_loop3A_181 = arith.mulf %parallel_loop3A_180, %parallel_loop3A_177 : vector<16xf32>
            %parallel_loop3A_182 = arith.mulf %parallel_loop3A_181, %parallel_loop3A_177 : vector<16xf32>
            %parallel_loop3A_183 = arith.constant 1.500000e+00 : f32
            %parallel_loop3A_184 = vector.broadcast %parallel_loop3A_183 : f32 to vector<16xf32>
            %parallel_loop3A_185 = arith.subf %parallel_loop3A_184, %parallel_loop3A_182 : vector<16xf32>
            %parallel_loop3A_186 = arith.mulf %parallel_loop3A_177, %parallel_loop3A_185 : vector<16xf32>
            %parallel_loop3A_187 = arith.mulf %parallel_loop3A_180, %parallel_loop3A_186 : vector<16xf32>
            %parallel_loop3A_188 = arith.mulf %parallel_loop3A_187, %parallel_loop3A_186 : vector<16xf32>
            %parallel_loop3A_189 = arith.constant 1.500000e+00 : f32
            %parallel_loop3A_190 = vector.broadcast %parallel_loop3A_189 : f32 to vector<16xf32>
            %parallel_loop3A_191 = arith.subf %parallel_loop3A_190, %parallel_loop3A_188 : vector<16xf32>
            %parallel_loop3A_192 = arith.mulf %parallel_loop3A_186, %parallel_loop3A_191 : vector<16xf32>
            %parallel_loop3A_193 = arith.mulf %parallel_loop3A_180, %parallel_loop3A_192 : vector<16xf32>
            %parallel_loop3A_194 = arith.mulf %parallel_loop3A_193, %parallel_loop3A_192 : vector<16xf32>
            %parallel_loop3A_195 = arith.constant 1.500000e+00 : f32
            %parallel_loop3A_196 = vector.broadcast %parallel_loop3A_195 : f32 to vector<16xf32>
            %parallel_loop3A_197 = arith.subf %parallel_loop3A_196, %parallel_loop3A_194 : vector<16xf32>
            %parallel_loop3A_198 = arith.mulf %parallel_loop3A_192, %parallel_loop3A_197 : vector<16xf32>
            %parallel_loop3A_199 = arith.constant 1.000000e-30 : f32
            %parallel_loop3A_200 = vector.broadcast %parallel_loop3A_199 : f32 to vector<16xf32>
            %parallel_loop3A_201 = arith.cmpf ogt, %parallel_loop3A_169, %parallel_loop3A_200 : vector<16xf32>
            %parallel_loop3A_202 = arith.mulf %parallel_loop3A_169, %parallel_loop3A_198 : vector<16xf32>
            %parallel_loop3A_203 = arith.constant 0.000000e+00 : f32
            %parallel_loop3A_204 = vector.broadcast %parallel_loop3A_203 : f32 to vector<16xf32>
            %parallel_loop3A_205 = arith.select %parallel_loop3A_201, %parallel_loop3A_202, %parallel_loop3A_204 : vector<16xi1>, vector<16xf32>
            %parallel_loop3A_206 = arith.constant 9.99999971E-10 : f32
            %parallel_loop3A_207 = vector.broadcast %parallel_loop3A_206 : f32 to vector<16xf32>
            %parallel_loop3A_208 = arith.addf %parallel_loop3A_205, %parallel_loop3A_207 : vector<16xf32>
            %parallel_loop3A_209 = arith.constant 1.000000e+00 : f32
            %parallel_loop3A_210 = vector.broadcast %parallel_loop3A_209 : f32 to vector<16xf32>
            %parallel_loop3A_211 = arith.divf %parallel_loop3A_210, %parallel_loop3A_208 : vector<16xf32>
            %parallel_loop3A_212 = arith.mulf %parallel_loop3A_162, %parallel_loop3A_211 : vector<16xf32>
            %parallel_loop3A_213 = arith.mulf %parallel_loop3A_163, %parallel_loop3A_211 : vector<16xf32>
            %parallel_loop3A_214 = arith.mulf %parallel_loop3A_164, %parallel_loop3A_211 : vector<16xf32>
            %parallel_loop3A_215 = arith.addi %mul3A_110, %parallel_loop3A_140 : i32
            %parallel_loop3A_216 = arith.index_cast %parallel_loop3A_215 : i32 to index
            %parallel_loop3A_217 = tpu.vector_load %arg18[%parallel_loop3A_216] {strides = array<i32>} : memref<4000xf32, #tpu.memory_space<vmem>>, vector<16xf32>,
            %parallel_loop3A_218 = arith.divf %parallel_loop3A_205, %parallel_loop3A_217 : vector<16xf32>
            %parallel_loop3A_219 = arith.constant 1.000000e+00 : f32
            %parallel_loop3A_220 = vector.broadcast %parallel_loop3A_219 : f32 to vector<16xf32>
            %parallel_loop3A_221 = arith.subf %parallel_loop3A_218, %parallel_loop3A_220 : vector<16xf32>
            %parallel_loop3A_222 = arith.constant 3.000000e+04 : f32
            %parallel_loop3A_223 = vector.broadcast %parallel_loop3A_222 : f32 to vector<16xf32>
            %parallel_loop3A_224 = arith.mulf %parallel_loop3A_223, %parallel_loop3A_221 : vector<16xf32>
            %parallel_loop3A_225 = tpu.vector_load_idx %arg11[%parallel_loop3A_151] : memref<10240xf32, #tpu.memory_space<vmem>>[vector<16xi32>], vector<16xf32>,
            %parallel_loop3A_226 = tpu.vector_load_idx %arg12[%parallel_loop3A_151] : memref<10240xf32, #tpu.memory_space<vmem>>[vector<16xi32>], vector<16xf32>,
            %parallel_loop3A_227 = tpu.vector_load_idx %arg13[%parallel_loop3A_151] : memref<10240xf32, #tpu.memory_space<vmem>>[vector<16xi32>], vector<16xf32>,
            %parallel_loop3A_228 = tpu.vector_load_idx %arg11[%parallel_loop3A_155] : memref<10240xf32, #tpu.memory_space<vmem>>[vector<16xi32>], vector<16xf32>,
            %parallel_loop3A_229 = tpu.vector_load_idx %arg12[%parallel_loop3A_155] : memref<10240xf32, #tpu.memory_space<vmem>>[vector<16xi32>], vector<16xf32>,
            %parallel_loop3A_230 = tpu.vector_load_idx %arg13[%parallel_loop3A_155] : memref<10240xf32, #tpu.memory_space<vmem>>[vector<16xi32>], vector<16xf32>,
            %parallel_loop3A_231 = arith.subf %parallel_loop3A_228, %parallel_loop3A_225 : vector<16xf32>
            %parallel_loop3A_232 = arith.mulf %parallel_loop3A_231, %parallel_loop3A_212 : vector<16xf32>
            %parallel_loop3A_233 = arith.subf %parallel_loop3A_229, %parallel_loop3A_226 : vector<16xf32>
            %parallel_loop3A_234 = arith.mulf %parallel_loop3A_233, %parallel_loop3A_213 : vector<16xf32>
            %parallel_loop3A_235 = arith.addf %parallel_loop3A_232, %parallel_loop3A_234 : vector<16xf32>
            %parallel_loop3A_236 = arith.subf %parallel_loop3A_230, %parallel_loop3A_227 : vector<16xf32>
            %parallel_loop3A_237 = arith.mulf %parallel_loop3A_236, %parallel_loop3A_214 : vector<16xf32>
            %parallel_loop3A_238 = arith.addf %parallel_loop3A_235, %parallel_loop3A_237 : vector<16xf32>
            %parallel_loop3A_239 = arith.constant 1.000000e+02 : f32
            %parallel_loop3A_240 = vector.broadcast %parallel_loop3A_239 : f32 to vector<16xf32>
            %parallel_loop3A_241 = arith.mulf %parallel_loop3A_240, %parallel_loop3A_238 : vector<16xf32>
            %parallel_loop3A_242 = arith.addf %parallel_loop3A_224, %parallel_loop3A_241 : vector<16xf32>
            %parallel_loop3A_243 = arith.mulf %parallel_loop3A_242, %parallel_loop3A_212 : vector<16xf32>
            %parallel_loop3A_244 = arith.mulf %parallel_loop3A_242, %parallel_loop3A_213 : vector<16xf32>
            %parallel_loop3A_245 = arith.mulf %parallel_loop3A_242, %parallel_loop3A_214 : vector<16xf32>
            tpu.vector_store_idx %arg14[%parallel_loop3A_151], %parallel_loop3A_243 {add = true} : memref<10240xf32, #tpu.memory_space<vmem>>[vector<16xi32>], vector<16xf32>,
            tpu.vector_store_idx %arg15[%parallel_loop3A_151], %parallel_loop3A_244 {add = true} : memref<10240xf32, #tpu.memory_space<vmem>>[vector<16xi32>], vector<16xf32>,
            tpu.vector_store_idx %arg16[%parallel_loop3A_151], %parallel_loop3A_245 {add = true} : memref<10240xf32, #tpu.memory_space<vmem>>[vector<16xi32>], vector<16xf32>,
            %parallel_loop3A_246 = arith.constant 0.000000e+00 : f32
            %parallel_loop3A_247 = vector.broadcast %parallel_loop3A_246 : f32 to vector<16xf32>
            %parallel_loop3A_248 = arith.subf %parallel_loop3A_247, %parallel_loop3A_243 : vector<16xf32>
            tpu.vector_store_idx %arg14[%parallel_loop3A_155], %parallel_loop3A_248 {add = true} : memref<10240xf32, #tpu.memory_space<vmem>>[vector<16xi32>], vector<16xf32>,
            %parallel_loop3A_249 = arith.constant 0.000000e+00 : f32
            %parallel_loop3A_250 = vector.broadcast %parallel_loop3A_249 : f32 to vector<16xf32>
            %parallel_loop3A_251 = arith.subf %parallel_loop3A_250, %parallel_loop3A_244 : vector<16xf32>
            tpu.vector_store_idx %arg15[%parallel_loop3A_155], %parallel_loop3A_251 {add = true} : memref<10240xf32, #tpu.memory_space<vmem>>[vector<16xi32>], vector<16xf32>,
            %parallel_loop3A_252 = arith.constant 0.000000e+00 : f32
            %parallel_loop3A_253 = vector.broadcast %parallel_loop3A_252 : f32 to vector<16xf32>
            %parallel_loop3A_254 = arith.subf %parallel_loop3A_253, %parallel_loop3A_245 : vector<16xf32>
            tpu.vector_store_idx %arg16[%parallel_loop3A_155], %parallel_loop3A_254 {add = true} : memref<10240xf32, #tpu.memory_space<vmem>>[vector<16xi32>], vector<16xf32>,
          } {sc.loop_unroll_factor = 4 : i64, sc.parallel_access}
        } else {
        }
        %convert_element_type3A_133 = arith.extui %eq3A_40 : i1 to i32
        %cond3A_134 = arith.constant 0 : i32
        %cond3A_135 = arith.cmpi ne, %convert_element_type3A_133, %cond3A_134 : i32
        scf.if %cond3A_135 {
          %parallel_loop3A = arith.constant 0 : i32
          %parallel_loop3A_136 = arith.constant 125 : i32
          %parallel_loop3A_137 = arith.constant 1 : i32
          scf.for %parallel_loop3A_140 = %parallel_loop3A to %parallel_loop3A_136 step %parallel_loop3A_137  : i32 {
            %parallel_loop3A_141 = arith.constant 16 : i32
            %parallel_loop3A_142 = arith.muli %parallel_loop3A_140, %parallel_loop3A_141 : i32
            %parallel_loop3A_143 = arith.constant 2 : i32
            %parallel_loop3A_144 = arith.muli %parallel_loop3A_143, %mul3A_110 : i32
            %parallel_loop3A_145 = arith.constant 2 : i32
            %parallel_loop3A_146 = arith.muli %parallel_loop3A_145, %parallel_loop3A_142 : i32
            %parallel_loop3A_147 = arith.addi %parallel_loop3A_144, %parallel_loop3A_146 : i32
            %parallel_loop3A_148 = arith.constant 2 : i32
            %parallel_loop3A_149 = vector.broadcast %parallel_loop3A_148 : i32 to vector<16xi32>
            %parallel_loop3A_150 = arith.muli %parallel_loop3A_149, %iota3A : vector<16xi32>
            %parallel_loop3A_151 = vector.broadcast %parallel_loop3A_147 : i32 to vector<16xi32>
            %parallel_loop3A_152 = arith.addi %parallel_loop3A_151, %parallel_loop3A_150 : vector<16xi32>
            %parallel_loop3A_153 = tpu.vector_load_idx %arg17[%parallel_loop3A_152] : memref<8000xi32, #tpu.memory_space<vmem>>[vector<16xi32>], vector<16xi32>,
            %parallel_loop3A_154 = arith.constant 1 : i32
            %parallel_loop3A_155 = vector.broadcast %parallel_loop3A_154 : i32 to vector<16xi32>
            %parallel_loop3A_156 = arith.addi %parallel_loop3A_152, %parallel_loop3A_155 : vector<16xi32>
            %parallel_loop3A_157 = tpu.vector_load_idx %arg17[%parallel_loop3A_156] : memref<8000xi32, #tpu.memory_space<vmem>>[vector<16xi32>], vector<16xi32>,
            %parallel_loop3A_158 = tpu.vector_load_idx %arg8[%parallel_loop3A_153] : memref<10240xf32, #tpu.memory_space<vmem>>[vector<16xi32>], vector<16xf32>,
            %parallel_loop3A_159 = tpu.vector_load_idx %arg9[%parallel_loop3A_153] : memref<10240xf32, #tpu.memory_space<vmem>>[vector<16xi32>], vector<16xf32>,
            %parallel_loop3A_160 = tpu.vector_load_idx %arg10[%parallel_loop3A_153] : memref<10240xf32, #tpu.memory_space<vmem>>[vector<16xi32>], vector<16xf32>,
            %parallel_loop3A_161 = tpu.vector_load_idx %arg8[%parallel_loop3A_157] : memref<10240xf32, #tpu.memory_space<vmem>>[vector<16xi32>], vector<16xf32>,
            %parallel_loop3A_162 = tpu.vector_load_idx %arg9[%parallel_loop3A_157] : memref<10240xf32, #tpu.memory_space<vmem>>[vector<16xi32>], vector<16xf32>,
            %parallel_loop3A_163 = tpu.vector_load_idx %arg10[%parallel_loop3A_157] : memref<10240xf32, #tpu.memory_space<vmem>>[vector<16xi32>], vector<16xf32>,
            %parallel_loop3A_164 = arith.subf %parallel_loop3A_161, %parallel_loop3A_158 : vector<16xf32>
            %parallel_loop3A_165 = arith.subf %parallel_loop3A_162, %parallel_loop3A_159 : vector<16xf32>
            %parallel_loop3A_166 = arith.subf %parallel_loop3A_163, %parallel_loop3A_160 : vector<16xf32>
            %parallel_loop3A_167 = arith.mulf %parallel_loop3A_164, %parallel_loop3A_164 : vector<16xf32>
            %parallel_loop3A_168 = arith.mulf %parallel_loop3A_165, %parallel_loop3A_165 : vector<16xf32>
            %parallel_loop3A_169 = arith.addf %parallel_loop3A_167, %parallel_loop3A_168 : vector<16xf32>
            %parallel_loop3A_170 = arith.mulf %parallel_loop3A_166, %parallel_loop3A_166 : vector<16xf32>
            %parallel_loop3A_171 = arith.addf %parallel_loop3A_169, %parallel_loop3A_170 : vector<16xf32>
            %parallel_loop3A_172 = vector.bitcast %parallel_loop3A_171 : vector<16xf32> to vector<16xi32>
            %parallel_loop3A_173 = arith.constant 1 : i32
            %parallel_loop3A_174 = vector.broadcast %parallel_loop3A_173 : i32 to vector<16xi32>
            %parallel_loop3A_175 = arith.shrsi %parallel_loop3A_172, %parallel_loop3A_174 : vector<16xi32>
            %parallel_loop3A_176 = arith.constant 1597463007 : i32
            %parallel_loop3A_177 = vector.broadcast %parallel_loop3A_176 : i32 to vector<16xi32>
            %parallel_loop3A_178 = arith.subi %parallel_loop3A_177, %parallel_loop3A_175 : vector<16xi32>
            %parallel_loop3A_179 = vector.bitcast %parallel_loop3A_178 : vector<16xi32> to vector<16xf32>
            %parallel_loop3A_180 = arith.constant 5.000000e-01 : f32
            %parallel_loop3A_181 = vector.broadcast %parallel_loop3A_180 : f32 to vector<16xf32>
            %parallel_loop3A_182 = arith.mulf %parallel_loop3A_181, %parallel_loop3A_171 : vector<16xf32>
            %parallel_loop3A_183 = arith.mulf %parallel_loop3A_182, %parallel_loop3A_179 : vector<16xf32>
            %parallel_loop3A_184 = arith.mulf %parallel_loop3A_183, %parallel_loop3A_179 : vector<16xf32>
            %parallel_loop3A_185 = arith.constant 1.500000e+00 : f32
            %parallel_loop3A_186 = vector.broadcast %parallel_loop3A_185 : f32 to vector<16xf32>
            %parallel_loop3A_187 = arith.subf %parallel_loop3A_186, %parallel_loop3A_184 : vector<16xf32>
            %parallel_loop3A_188 = arith.mulf %parallel_loop3A_179, %parallel_loop3A_187 : vector<16xf32>
            %parallel_loop3A_189 = arith.mulf %parallel_loop3A_182, %parallel_loop3A_188 : vector<16xf32>
            %parallel_loop3A_190 = arith.mulf %parallel_loop3A_189, %parallel_loop3A_188 : vector<16xf32>
            %parallel_loop3A_191 = arith.constant 1.500000e+00 : f32
            %parallel_loop3A_192 = vector.broadcast %parallel_loop3A_191 : f32 to vector<16xf32>
            %parallel_loop3A_193 = arith.subf %parallel_loop3A_192, %parallel_loop3A_190 : vector<16xf32>
            %parallel_loop3A_194 = arith.mulf %parallel_loop3A_188, %parallel_loop3A_193 : vector<16xf32>
            %parallel_loop3A_195 = arith.mulf %parallel_loop3A_182, %parallel_loop3A_194 : vector<16xf32>
            %parallel_loop3A_196 = arith.mulf %parallel_loop3A_195, %parallel_loop3A_194 : vector<16xf32>
            %parallel_loop3A_197 = arith.constant 1.500000e+00 : f32
            %parallel_loop3A_198 = vector.broadcast %parallel_loop3A_197 : f32 to vector<16xf32>
            %parallel_loop3A_199 = arith.subf %parallel_loop3A_198, %parallel_loop3A_196 : vector<16xf32>
            %parallel_loop3A_200 = arith.mulf %parallel_loop3A_194, %parallel_loop3A_199 : vector<16xf32>
            %parallel_loop3A_201 = arith.constant 1.000000e-30 : f32
            %parallel_loop3A_202 = vector.broadcast %parallel_loop3A_201 : f32 to vector<16xf32>
            %parallel_loop3A_203 = arith.cmpf ogt, %parallel_loop3A_171, %parallel_loop3A_202 : vector<16xf32>
            %parallel_loop3A_204 = arith.mulf %parallel_loop3A_171, %parallel_loop3A_200 : vector<16xf32>
            %parallel_loop3A_205 = arith.constant 0.000000e+00 : f32
            %parallel_loop3A_206 = vector.broadcast %parallel_loop3A_205 : f32 to vector<16xf32>
            %parallel_loop3A_207 = arith.select %parallel_loop3A_203, %parallel_loop3A_204, %parallel_loop3A_206 : vector<16xi1>, vector<16xf32>
            %parallel_loop3A_208 = arith.constant 9.99999971E-10 : f32
            %parallel_loop3A_209 = vector.broadcast %parallel_loop3A_208 : f32 to vector<16xf32>
            %parallel_loop3A_210 = arith.addf %parallel_loop3A_207, %parallel_loop3A_209 : vector<16xf32>
            %parallel_loop3A_211 = arith.constant 1.000000e+00 : f32
            %parallel_loop3A_212 = vector.broadcast %parallel_loop3A_211 : f32 to vector<16xf32>
            %parallel_loop3A_213 = arith.divf %parallel_loop3A_212, %parallel_loop3A_210 : vector<16xf32>
            %parallel_loop3A_214 = arith.mulf %parallel_loop3A_164, %parallel_loop3A_213 : vector<16xf32>
            %parallel_loop3A_215 = arith.mulf %parallel_loop3A_165, %parallel_loop3A_213 : vector<16xf32>
            %parallel_loop3A_216 = arith.mulf %parallel_loop3A_166, %parallel_loop3A_213 : vector<16xf32>
            %parallel_loop3A_217 = arith.addi %mul3A_110, %parallel_loop3A_142 : i32
            %parallel_loop3A_218 = arith.index_cast %parallel_loop3A_217 : i32 to index
            %parallel_loop3A_219 = tpu.vector_load %arg18[%parallel_loop3A_218] {strides = array<i32>} : memref<4000xf32, #tpu.memory_space<vmem>>, vector<16xf32>,
            %parallel_loop3A_220 = arith.divf %parallel_loop3A_207, %parallel_loop3A_219 : vector<16xf32>
            %parallel_loop3A_221 = arith.constant 1.000000e+00 : f32
            %parallel_loop3A_222 = vector.broadcast %parallel_loop3A_221 : f32 to vector<16xf32>
            %parallel_loop3A_223 = arith.subf %parallel_loop3A_220, %parallel_loop3A_222 : vector<16xf32>
            %parallel_loop3A_224 = arith.constant 3.000000e+04 : f32
            %parallel_loop3A_225 = vector.broadcast %parallel_loop3A_224 : f32 to vector<16xf32>
            %parallel_loop3A_226 = arith.mulf %parallel_loop3A_225, %parallel_loop3A_223 : vector<16xf32>
            %parallel_loop3A_227 = tpu.vector_load_idx %arg11[%parallel_loop3A_153] : memref<10240xf32, #tpu.memory_space<vmem>>[vector<16xi32>], vector<16xf32>,
            %parallel_loop3A_228 = tpu.vector_load_idx %arg12[%parallel_loop3A_153] : memref<10240xf32, #tpu.memory_space<vmem>>[vector<16xi32>], vector<16xf32>,
            %parallel_loop3A_229 = tpu.vector_load_idx %arg13[%parallel_loop3A_153] : memref<10240xf32, #tpu.memory_space<vmem>>[vector<16xi32>], vector<16xf32>,
            %parallel_loop3A_230 = tpu.vector_load_idx %arg11[%parallel_loop3A_157] : memref<10240xf32, #tpu.memory_space<vmem>>[vector<16xi32>], vector<16xf32>,
            %parallel_loop3A_231 = tpu.vector_load_idx %arg12[%parallel_loop3A_157] : memref<10240xf32, #tpu.memory_space<vmem>>[vector<16xi32>], vector<16xf32>,
            %parallel_loop3A_232 = tpu.vector_load_idx %arg13[%parallel_loop3A_157] : memref<10240xf32, #tpu.memory_space<vmem>>[vector<16xi32>], vector<16xf32>,
            %parallel_loop3A_233 = arith.subf %parallel_loop3A_230, %parallel_loop3A_227 : vector<16xf32>
            %parallel_loop3A_234 = arith.mulf %parallel_loop3A_233, %parallel_loop3A_214 : vector<16xf32>
            %parallel_loop3A_235 = arith.subf %parallel_loop3A_231, %parallel_loop3A_228 : vector<16xf32>
            %parallel_loop3A_236 = arith.mulf %parallel_loop3A_235, %parallel_loop3A_215 : vector<16xf32>
            %parallel_loop3A_237 = arith.addf %parallel_loop3A_234, %parallel_loop3A_236 : vector<16xf32>
            %parallel_loop3A_238 = arith.subf %parallel_loop3A_232, %parallel_loop3A_229 : vector<16xf32>
            %parallel_loop3A_239 = arith.mulf %parallel_loop3A_238, %parallel_loop3A_216 : vector<16xf32>
            %parallel_loop3A_240 = arith.addf %parallel_loop3A_237, %parallel_loop3A_239 : vector<16xf32>
            %parallel_loop3A_241 = arith.constant 1.000000e+02 : f32
            %parallel_loop3A_242 = vector.broadcast %parallel_loop3A_241 : f32 to vector<16xf32>
            %parallel_loop3A_243 = arith.mulf %parallel_loop3A_242, %parallel_loop3A_240 : vector<16xf32>
            %parallel_loop3A_244 = arith.addf %parallel_loop3A_226, %parallel_loop3A_243 : vector<16xf32>
            %parallel_loop3A_245 = arith.mulf %parallel_loop3A_244, %parallel_loop3A_214 : vector<16xf32>
            %parallel_loop3A_246 = arith.mulf %parallel_loop3A_244, %parallel_loop3A_215 : vector<16xf32>
            %parallel_loop3A_247 = arith.mulf %parallel_loop3A_244, %parallel_loop3A_216 : vector<16xf32>
            tpu.vector_store_idx %arg14[%parallel_loop3A_153], %parallel_loop3A_245 {add = true} : memref<10240xf32, #tpu.memory_space<vmem>>[vector<16xi32>], vector<16xf32>,
            tpu.vector_store_idx %arg15[%parallel_loop3A_153], %parallel_loop3A_246 {add = true} : memref<10240xf32, #tpu.memory_space<vmem>>[vector<16xi32>], vector<16xf32>,
            tpu.vector_store_idx %arg16[%parallel_loop3A_153], %parallel_loop3A_247 {add = true} : memref<10240xf32, #tpu.memory_space<vmem>>[vector<16xi32>], vector<16xf32>,
            %parallel_loop3A_248 = arith.constant 0.000000e+00 : f32
            %parallel_loop3A_249 = vector.broadcast %parallel_loop3A_248 : f32 to vector<16xf32>
            %parallel_loop3A_250 = arith.subf %parallel_loop3A_249, %parallel_loop3A_245 : vector<16xf32>
            tpu.vector_store_idx %arg14[%parallel_loop3A_157], %parallel_loop3A_250 {add = true} : memref<10240xf32, #tpu.memory_space<vmem>>[vector<16xi32>], vector<16xf32>,
            %parallel_loop3A_251 = arith.constant 0.000000e+00 : f32
            %parallel_loop3A_252 = vector.broadcast %parallel_loop3A_251 : f32 to vector<16xf32>
            %parallel_loop3A_253 = arith.subf %parallel_loop3A_252, %parallel_loop3A_246 : vector<16xf32>
            tpu.vector_store_idx %arg15[%parallel_loop3A_157], %parallel_loop3A_253 {add = true} : memref<10240xf32, #tpu.memory_space<vmem>>[vector<16xi32>], vector<16xf32>,
            %parallel_loop3A_254 = arith.constant 0.000000e+00 : f32
            %parallel_loop3A_255 = vector.broadcast %parallel_loop3A_254 : f32 to vector<16xf32>
            %parallel_loop3A_256 = arith.subf %parallel_loop3A_255, %parallel_loop3A_247 : vector<16xf32>
            tpu.vector_store_idx %arg16[%parallel_loop3A_157], %parallel_loop3A_256 {add = true} : memref<10240xf32, #tpu.memory_space<vmem>>[vector<16xi32>], vector<16xf32>,
            %parallel_loop3A_257 = vector.broadcast %parallel_loop3A_142 : i32 to vector<16xi32>
            %parallel_loop3A_258 = arith.addi %parallel_loop3A_257, %iota3A : vector<16xi32>
            %parallel_loop3A_259 = arith.constant 3 : i32
            %parallel_loop3A_260 = vector.broadcast %parallel_loop3A_259 : i32 to vector<16xi32>
            %parallel_loop3A_261 = arith.muli %parallel_loop3A_258, %parallel_loop3A_260 : vector<16xi32>
            %parallel_loop3A_262 = arith.mulf %parallel_loop3A_226, %parallel_loop3A_214 : vector<16xf32>
            tpu.vector_store_idx %arg19[%parallel_loop3A_261], %parallel_loop3A_262 : memref<6000xf32, #tpu.memory_space<vmem>>[vector<16xi32>], vector<16xf32>,
            %parallel_loop3A_263 = arith.constant 1 : i32
            %parallel_loop3A_264 = vector.broadcast %parallel_loop3A_263 : i32 to vector<16xi32>
            %parallel_loop3A_265 = arith.addi %parallel_loop3A_261, %parallel_loop3A_264 : vector<16xi32>
            %parallel_loop3A_266 = arith.mulf %parallel_loop3A_226, %parallel_loop3A_215 : vector<16xf32>
            tpu.vector_store_idx %arg19[%parallel_loop3A_265], %parallel_loop3A_266 : memref<6000xf32, #tpu.memory_space<vmem>>[vector<16xi32>], vector<16xf32>,
            %parallel_loop3A_267 = arith.constant 2 : i32
            %parallel_loop3A_268 = vector.broadcast %parallel_loop3A_267 : i32 to vector<16xi32>
            %parallel_loop3A_269 = arith.addi %parallel_loop3A_261, %parallel_loop3A_268 : vector<16xi32>
            %parallel_loop3A_270 = arith.mulf %parallel_loop3A_226, %parallel_loop3A_216 : vector<16xf32>
            tpu.vector_store_idx %arg19[%parallel_loop3A_269], %parallel_loop3A_270 : memref<6000xf32, #tpu.memory_space<vmem>>[vector<16xi32>], vector<16xf32>,
          } {sc.loop_unroll_factor = 4 : i64, sc.parallel_access}
          %mul3A_138 = arith.constant 3 : i32
          %mul3A_139 = arith.muli %add3A_107, %mul3A_138 : i32
          "tpu.region"() ({
            %run_scoped3A = tpu.sem_alloc : memref<!tpu.dma_semaphore, #tpu.memory_space<semaphore_mem>>
            %dma_start3A_140 = tpu.memref_slice %arg7[%mul3A_139] : memref<960000xf32, #tpu.memory_space<hbm>> -> memref<6000xf32, #tpu.memory_space<hbm>>
            %dma_start3A_141 = tpu.memref_slice %arg7[%mul3A_139] : memref<960000xf32, #tpu.memory_space<hbm>> -> memref<6000xf32, #tpu.memory_space<hbm>>
            tpu.enqueue_dma source(%arg19 : memref<6000xf32, #tpu.memory_space<vmem>>) target(%dma_start3A_141 : memref<6000xf32, #tpu.memory_space<hbm>>) target_semaphore(%run_scoped3A : memref<!tpu.dma_semaphore, #tpu.memory_space<semaphore_mem>>)
            %dma_wait3A_142 = tpu.memref_slice %arg7[%mul3A_139] : memref<960000xf32, #tpu.memory_space<hbm>> -> memref<6000xf32, #tpu.memory_space<hbm>>
            %dma_wait3A_143 = tpu.memref_slice %arg7[%mul3A_139] : memref<960000xf32, #tpu.memory_space<hbm>> -> memref<6000xf32, #tpu.memory_space<hbm>>
            tpu.wait_dma2 semaphore(%run_scoped3A : memref<!tpu.dma_semaphore, #tpu.memory_space<semaphore_mem>>) src(%arg19 : memref<6000xf32, #tpu.memory_space<vmem>>) dst(%dma_wait3A_143 : memref<6000xf32, #tpu.memory_space<hbm>>)
            tpu.yield
          }) : () -> ()
        } else {
        }
      }
      %scan3A_70 = arith.constant 10 : i32
      %barrier3A_71 = arith.constant 0 : index
      tpu.barrier barrier_id(%barrier3A_71)
      "tpu.region"() ({
        %run_scoped3A = tpu.sem_alloc : memref<!tpu.dma_semaphore, #tpu.memory_space<semaphore_mem>>
        %dma_start3A_104 = arith.constant 0 : i32
        %dma_start3A_105 = tpu.memref_slice %arg29[%dma_start3A_104] : memref<10240xf32, #tpu.memory_space<vmem_shared>> -> memref<10240xf32, #tpu.memory_space<vmem_shared>>
        tpu.enqueue_indirect_dma source(%arg14 : memref<10240xf32, #tpu.memory_space<vmem>>) target(%dma_start3A_105 : memref<10240xf32, #tpu.memory_space<vmem_shared>>) offsets(%arg20 : memref<10240xi32, #tpu.memory_space<vmem>>) semaphore(%run_scoped3A : memref<!tpu.dma_semaphore, #tpu.memory_space<semaphore_mem>>) {add = true}
        %dma_wait3A_106 = arith.constant 0 : i32
        %dma_wait3A_107 = tpu.memref_slice %arg29[%dma_wait3A_106] : memref<10240xf32, #tpu.memory_space<vmem_shared>> -> memref<10240xf32, #tpu.memory_space<vmem_shared>>
        tpu.wait_indirect_dma semaphore(%run_scoped3A : memref<!tpu.dma_semaphore, #tpu.memory_space<semaphore_mem>>) src(%arg14 : memref<10240xf32, #tpu.memory_space<vmem>>) dst(%dma_wait3A_107 : memref<10240xf32, #tpu.memory_space<vmem_shared>>)
        tpu.yield
      }) : () -> ()
      "tpu.region"() ({
        %run_scoped3A = tpu.sem_alloc : memref<!tpu.dma_semaphore, #tpu.memory_space<semaphore_mem>>
        %dma_start3A_104 = arith.constant 0 : i32
        %dma_start3A_105 = tpu.memref_slice %arg30[%dma_start3A_104] : memref<10240xf32, #tpu.memory_space<vmem_shared>> -> memref<10240xf32, #tpu.memory_space<vmem_shared>>
        tpu.enqueue_indirect_dma source(%arg15 : memref<10240xf32, #tpu.memory_space<vmem>>) target(%dma_start3A_105 : memref<10240xf32, #tpu.memory_space<vmem_shared>>) offsets(%arg20 : memref<10240xi32, #tpu.memory_space<vmem>>) semaphore(%run_scoped3A : memref<!tpu.dma_semaphore, #tpu.memory_space<semaphore_mem>>) {add = true}
        %dma_wait3A_106 = arith.constant 0 : i32
        %dma_wait3A_107 = tpu.memref_slice %arg30[%dma_wait3A_106] : memref<10240xf32, #tpu.memory_space<vmem_shared>> -> memref<10240xf32, #tpu.memory_space<vmem_shared>>
        tpu.wait_indirect_dma semaphore(%run_scoped3A : memref<!tpu.dma_semaphore, #tpu.memory_space<semaphore_mem>>) src(%arg15 : memref<10240xf32, #tpu.memory_space<vmem>>) dst(%dma_wait3A_107 : memref<10240xf32, #tpu.memory_space<vmem_shared>>)
        tpu.yield
      }) : () -> ()
      "tpu.region"() ({
        %run_scoped3A = tpu.sem_alloc : memref<!tpu.dma_semaphore, #tpu.memory_space<semaphore_mem>>
        %dma_start3A_104 = arith.constant 0 : i32
        %dma_start3A_105 = tpu.memref_slice %arg31[%dma_start3A_104] : memref<10240xf32, #tpu.memory_space<vmem_shared>> -> memref<10240xf32, #tpu.memory_space<vmem_shared>>
        tpu.enqueue_indirect_dma source(%arg16 : memref<10240xf32, #tpu.memory_space<vmem>>) target(%dma_start3A_105 : memref<10240xf32, #tpu.memory_space<vmem_shared>>) offsets(%arg20 : memref<10240xi32, #tpu.memory_space<vmem>>) semaphore(%run_scoped3A : memref<!tpu.dma_semaphore, #tpu.memory_space<semaphore_mem>>) {add = true}
        %dma_wait3A_106 = arith.constant 0 : i32
        %dma_wait3A_107 = tpu.memref_slice %arg31[%dma_wait3A_106] : memref<10240xf32, #tpu.memory_space<vmem_shared>> -> memref<10240xf32, #tpu.memory_space<vmem_shared>>
        tpu.wait_indirect_dma semaphore(%run_scoped3A : memref<!tpu.dma_semaphore, #tpu.memory_space<semaphore_mem>>) src(%arg16 : memref<10240xf32, #tpu.memory_space<vmem>>) dst(%dma_wait3A_107 : memref<10240xf32, #tpu.memory_space<vmem_shared>>)
        tpu.yield
      }) : () -> ()
      %barrier3A_72 = arith.constant 0 : index
      tpu.barrier barrier_id(%barrier3A_72)
      %dma_start3A_73 = tpu.memref_slice %arg29[%mul3A_0] : memref<10240xf32, #tpu.memory_space<vmem_shared>> -> memref<640xf32, #tpu.memory_space<vmem_shared>>
      %dma_start3A_74 = tpu.memref_slice %arg29[%mul3A_0] : memref<10240xf32, #tpu.memory_space<vmem_shared>> -> memref<640xf32, #tpu.memory_space<vmem_shared>>
      tpu.enqueue_dma source(%dma_start3A_74 : memref<640xf32, #tpu.memory_space<vmem_shared>>) target(%arg21 : memref<640xf32, #tpu.memory_space<vmem>>) target_semaphore(%arg28 : memref<!tpu.dma_semaphore, #tpu.memory_space<semaphore_mem>>)
      %dma_start3A_75 = tpu.memref_slice %arg30[%mul3A_0] : memref<10240xf32, #tpu.memory_space<vmem_shared>> -> memref<640xf32, #tpu.memory_space<vmem_shared>>
      %dma_start3A_76 = tpu.memref_slice %arg30[%mul3A_0] : memref<10240xf32, #tpu.memory_space<vmem_shared>> -> memref<640xf32, #tpu.memory_space<vmem_shared>>
      tpu.enqueue_dma source(%dma_start3A_76 : memref<640xf32, #tpu.memory_space<vmem_shared>>) target(%arg22 : memref<640xf32, #tpu.memory_space<vmem>>) target_semaphore(%arg28 : memref<!tpu.dma_semaphore, #tpu.memory_space<semaphore_mem>>)
      %dma_start3A_77 = tpu.memref_slice %arg31[%mul3A_0] : memref<10240xf32, #tpu.memory_space<vmem_shared>> -> memref<640xf32, #tpu.memory_space<vmem_shared>>
      %dma_start3A_78 = tpu.memref_slice %arg31[%mul3A_0] : memref<10240xf32, #tpu.memory_space<vmem_shared>> -> memref<640xf32, #tpu.memory_space<vmem_shared>>
      tpu.enqueue_dma source(%dma_start3A_78 : memref<640xf32, #tpu.memory_space<vmem_shared>>) target(%arg23 : memref<640xf32, #tpu.memory_space<vmem>>) target_semaphore(%arg28 : memref<!tpu.dma_semaphore, #tpu.memory_space<semaphore_mem>>)
      %dma_wait3A_79 = tpu.memref_slice %arg29[%mul3A_0] : memref<10240xf32, #tpu.memory_space<vmem_shared>> -> memref<640xf32, #tpu.memory_space<vmem_shared>>
      %dma_wait3A_80 = tpu.memref_slice %arg29[%mul3A_0] : memref<10240xf32, #tpu.memory_space<vmem_shared>> -> memref<640xf32, #tpu.memory_space<vmem_shared>>
      tpu.wait_dma2 semaphore(%arg28 : memref<!tpu.dma_semaphore, #tpu.memory_space<semaphore_mem>>) src(%dma_wait3A_80 : memref<640xf32, #tpu.memory_space<vmem_shared>>) dst(%arg21 : memref<640xf32, #tpu.memory_space<vmem>>)
      %dma_wait3A_81 = tpu.memref_slice %arg30[%mul3A_0] : memref<10240xf32, #tpu.memory_space<vmem_shared>> -> memref<640xf32, #tpu.memory_space<vmem_shared>>
      %dma_wait3A_82 = tpu.memref_slice %arg30[%mul3A_0] : memref<10240xf32, #tpu.memory_space<vmem_shared>> -> memref<640xf32, #tpu.memory_space<vmem_shared>>
      tpu.wait_dma2 semaphore(%arg28 : memref<!tpu.dma_semaphore, #tpu.memory_space<semaphore_mem>>) src(%dma_wait3A_82 : memref<640xf32, #tpu.memory_space<vmem_shared>>) dst(%arg22 : memref<640xf32, #tpu.memory_space<vmem>>)
      %dma_wait3A_83 = tpu.memref_slice %arg31[%mul3A_0] : memref<10240xf32, #tpu.memory_space<vmem_shared>> -> memref<640xf32, #tpu.memory_space<vmem_shared>>
      %dma_wait3A_84 = tpu.memref_slice %arg31[%mul3A_0] : memref<10240xf32, #tpu.memory_space<vmem_shared>> -> memref<640xf32, #tpu.memory_space<vmem_shared>>
      tpu.wait_dma2 semaphore(%arg28 : memref<!tpu.dma_semaphore, #tpu.memory_space<semaphore_mem>>) src(%dma_wait3A_84 : memref<640xf32, #tpu.memory_space<vmem_shared>>) dst(%arg23 : memref<640xf32, #tpu.memory_space<vmem>>)
      %scan3A_85 = arith.constant 0 : i32
      %scan3A_86 = arith.constant 0 : i32
      %scan3A_87 = arith.constant 40 : i32
      %scan3A_88 = arith.addi %scan3A_86, %scan3A_87 : i32
      %scan3A_89 = arith.constant 1 : i32
      scf.for %scan3A_104 = %scan3A_86 to %scan3A_88 step %scan3A_89  : i32 {
        %mul3A_105 = arith.constant 16 : i32
        %mul3A_106 = arith.muli %scan3A_104, %mul3A_105 : i32
        %add3A_107 = arith.addi %mul3A_0, %mul3A_106 : i32
        %get3A = arith.index_cast %mul3A_106 : i32 to index
        %get3A_108 = tpu.vector_load %arg24[%get3A] {strides = array<i32>} : memref<640xf32, #tpu.memory_space<vmem>>, vector<16xf32>,
        %get3A_109 = arith.index_cast %mul3A_106 : i32 to index
        %get3A_110 = tpu.vector_load %arg21[%get3A_109] {strides = array<i32>} : memref<640xf32, #tpu.memory_space<vmem>>, vector<16xf32>,
        %get3A_111 = arith.index_cast %mul3A_106 : i32 to index
        %get3A_112 = tpu.vector_load %arg22[%get3A_111] {strides = array<i32>} : memref<640xf32, #tpu.memory_space<vmem>>, vector<16xf32>,
        %get3A_113 = arith.index_cast %mul3A_106 : i32 to index
        %get3A_114 = tpu.vector_load %arg23[%get3A_113] {strides = array<i32>} : memref<640xf32, #tpu.memory_space<vmem>>, vector<16xf32>,
        %mul3A_115 = arith.constant 9.800000e+00 : f32
        %mul3A_116 = vector.broadcast %mul3A_115 : f32 to vector<16xf32>
        %mul3A_117 = arith.mulf %mul3A_116, %get3A_108 : vector<16xf32>
        %sub3A = arith.subf %get3A_114, %mul3A_117 : vector<16xf32>
        %get3A_118 = arith.index_cast %add3A_107 : i32 to index
        %get3A_119 = tpu.vector_load %arg11[%get3A_118] {strides = array<i32>} : memref<10240xf32, #tpu.memory_space<vmem>>, vector<16xf32>,
        %mul3A_120 = arith.constant 5.000000e-05 : f32
        %mul3A_121 = vector.broadcast %mul3A_120 : f32 to vector<16xf32>
        %mul3A_122 = arith.mulf %mul3A_121, %get3A_110 : vector<16xf32>
        %div3A = arith.divf %mul3A_122, %get3A_108 : vector<16xf32>
        %add3A_123 = arith.addf %get3A_119, %div3A : vector<16xf32>
        %mul3A_124 = arith.constant 0.999949991 : f32
        %mul3A_125 = vector.broadcast %mul3A_124 : f32 to vector<16xf32>
        %mul3A_126 = arith.mulf %add3A_123, %mul3A_125 : vector<16xf32>
        %get3A_127 = arith.index_cast %add3A_107 : i32 to index
        %get3A_128 = tpu.vector_load %arg12[%get3A_127] {strides = array<i32>} : memref<10240xf32, #tpu.memory_space<vmem>>, vector<16xf32>,
        %mul3A_129 = arith.constant 5.000000e-05 : f32
        %mul3A_130 = vector.broadcast %mul3A_129 : f32 to vector<16xf32>
        %mul3A_131 = arith.mulf %mul3A_130, %get3A_112 : vector<16xf32>
        %div3A_132 = arith.divf %mul3A_131, %get3A_108 : vector<16xf32>
        %add3A_133 = arith.addf %get3A_128, %div3A_132 : vector<16xf32>
        %mul3A_134 = arith.constant 0.999949991 : f32
        %mul3A_135 = vector.broadcast %mul3A_134 : f32 to vector<16xf32>
        %mul3A_136 = arith.mulf %add3A_133, %mul3A_135 : vector<16xf32>
        %get3A_137 = arith.index_cast %add3A_107 : i32 to index
        %get3A_138 = tpu.vector_load %arg13[%get3A_137] {strides = array<i32>} : memref<10240xf32, #tpu.memory_space<vmem>>, vector<16xf32>,
        %mul3A_139 = arith.constant 5.000000e-05 : f32
        %mul3A_140 = vector.broadcast %mul3A_139 : f32 to vector<16xf32>
        %mul3A_141 = arith.mulf %mul3A_140, %sub3A : vector<16xf32>
        %div3A_142 = arith.divf %mul3A_141, %get3A_108 : vector<16xf32>
        %add3A_143 = arith.addf %get3A_138, %div3A_142 : vector<16xf32>
        %mul3A_144 = arith.constant 0.999949991 : f32
        %mul3A_145 = vector.broadcast %mul3A_144 : f32 to vector<16xf32>
        %mul3A_146 = arith.mulf %add3A_143, %mul3A_145 : vector<16xf32>
        %get3A_147 = arith.index_cast %add3A_107 : i32 to index
        %get3A_148 = tpu.vector_load %arg8[%get3A_147] {strides = array<i32>} : memref<10240xf32, #tpu.memory_space<vmem>>, vector<16xf32>,
        %mul3A_149 = arith.constant 5.000000e-05 : f32
        %mul3A_150 = vector.broadcast %mul3A_149 : f32 to vector<16xf32>
        %mul3A_151 = arith.mulf %mul3A_150, %mul3A_126 : vector<16xf32>
        %add3A_152 = arith.addf %get3A_148, %mul3A_151 : vector<16xf32>
        %get3A_153 = arith.index_cast %add3A_107 : i32 to index
        %get3A_154 = tpu.vector_load %arg9[%get3A_153] {strides = array<i32>} : memref<10240xf32, #tpu.memory_space<vmem>>, vector<16xf32>,
        %mul3A_155 = arith.constant 5.000000e-05 : f32
        %mul3A_156 = vector.broadcast %mul3A_155 : f32 to vector<16xf32>
        %mul3A_157 = arith.mulf %mul3A_156, %mul3A_136 : vector<16xf32>
        %add3A_158 = arith.addf %get3A_154, %mul3A_157 : vector<16xf32>
        %get3A_159 = arith.index_cast %add3A_107 : i32 to index
        %get3A_160 = tpu.vector_load %arg10[%get3A_159] {strides = array<i32>} : memref<10240xf32, #tpu.memory_space<vmem>>, vector<16xf32>,
        %mul3A_161 = arith.constant 5.000000e-05 : f32
        %mul3A_162 = vector.broadcast %mul3A_161 : f32 to vector<16xf32>
        %mul3A_163 = arith.mulf %mul3A_162, %mul3A_146 : vector<16xf32>
        %add3A_164 = arith.addf %get3A_160, %mul3A_163 : vector<16xf32>
        %max3A = arith.constant 0.000000e+00 : f32
        %max3A_165 = vector.broadcast %max3A : f32 to vector<16xf32>
        %max3A_166 = arith.maximumf %add3A_164, %max3A_165 : vector<16xf32>
        %eq3A_167 = arith.constant 0.000000e+00 : f32
        %eq3A_168 = vector.broadcast %eq3A_167 : f32 to vector<16xf32>
        %eq3A_169 = arith.cmpf oeq, %max3A_166, %eq3A_168 : vector<16xf32>
        %jit3A = arith.constant 0.000000e+00 : f32
        %broadcast_in_dim3A_170 = vector.broadcast %jit3A : f32 to vector<16xf32>
        %select_n3A = arith.select %eq3A_169, %broadcast_in_dim3A_170, %mul3A_146 : vector<16xi1>, vector<16xf32>
        %swap3A = arith.index_cast %add3A_107 : i32 to index
        %swap3A_171 = tpu.vector_load %arg11[%swap3A] {strides = array<i32>} : memref<10240xf32, #tpu.memory_space<vmem>>, vector<16xf32>,
        tpu.vector_store %arg11[%swap3A], %mul3A_126 {strides = array<i32>} : memref<10240xf32, #tpu.memory_space<vmem>>, vector<16xf32>,
        %swap3A_172 = arith.index_cast %add3A_107 : i32 to index
        %swap3A_173 = tpu.vector_load %arg12[%swap3A_172] {strides = array<i32>} : memref<10240xf32, #tpu.memory_space<vmem>>, vector<16xf32>,
        tpu.vector_store %arg12[%swap3A_172], %mul3A_136 {strides = array<i32>} : memref<10240xf32, #tpu.memory_space<vmem>>, vector<16xf32>,
        %swap3A_174 = arith.index_cast %add3A_107 : i32 to index
        %swap3A_175 = tpu.vector_load %arg13[%swap3A_174] {strides = array<i32>} : memref<10240xf32, #tpu.memory_space<vmem>>, vector<16xf32>,
        tpu.vector_store %arg13[%swap3A_174], %select_n3A {strides = array<i32>} : memref<10240xf32, #tpu.memory_space<vmem>>, vector<16xf32>,
        %swap3A_176 = arith.index_cast %add3A_107 : i32 to index
        %swap3A_177 = tpu.vector_load %arg8[%swap3A_176] {strides = array<i32>} : memref<10240xf32, #tpu.memory_space<vmem>>, vector<16xf32>,
        tpu.vector_store %arg8[%swap3A_176], %add3A_152 {strides = array<i32>} : memref<10240xf32, #tpu.memory_space<vmem>>, vector<16xf32>,
        %swap3A_178 = arith.index_cast %add3A_107 : i32 to index
        %swap3A_179 = tpu.vector_load %arg9[%swap3A_178] {strides = array<i32>} : memref<10240xf32, #tpu.memory_space<vmem>>, vector<16xf32>,
        tpu.vector_store %arg9[%swap3A_178], %add3A_158 {strides = array<i32>} : memref<10240xf32, #tpu.memory_space<vmem>>, vector<16xf32>,
        %swap3A_180 = arith.index_cast %add3A_107 : i32 to index
        %swap3A_181 = tpu.vector_load %arg10[%swap3A_180] {strides = array<i32>} : memref<10240xf32, #tpu.memory_space<vmem>>, vector<16xf32>,
        tpu.vector_store %arg10[%swap3A_180], %max3A_166 {strides = array<i32>} : memref<10240xf32, #tpu.memory_space<vmem>>, vector<16xf32>,
      }
      %scan3A_90 = arith.constant 40 : i32
      %not3A = arith.constant true
      %not3A_91 = arith.xori %eq3A_40, %not3A : i1
      %convert_element_type3A_92 = arith.extui %not3A_91 : i1 to i32
      %cond3A_93 = arith.constant 0 : i32
      %cond3A_94 = arith.cmpi ne, %convert_element_type3A_92, %cond3A_93 : i32
      scf.if %cond3A_94 {
        %add3A_104 = arith.constant 0 : i32
        %add3A_105 = arith.addi %add3A_104, %mul3A_0 : i32
        %dma_start3A_106 = tpu.memref_slice %arg8[%mul3A_0] : memref<10240xf32, #tpu.memory_space<vmem>> -> memref<640xf32, #tpu.memory_space<vmem>>
        %dma_start3A_107 = tpu.memref_slice %arg32[%add3A_105] : memref<61440xf32, #tpu.memory_space<vmem_shared>> -> memref<640xf32, #tpu.memory_space<vmem_shared>>
        %dma_start3A_108 = tpu.memref_slice %arg32[%add3A_105] : memref<61440xf32, #tpu.memory_space<vmem_shared>> -> memref<640xf32, #tpu.memory_space<vmem_shared>>
        %dma_start3A_109 = tpu.memref_slice %arg8[%mul3A_0] : memref<10240xf32, #tpu.memory_space<vmem>> -> memref<640xf32, #tpu.memory_space<vmem>>
        tpu.enqueue_dma source(%dma_start3A_109 : memref<640xf32, #tpu.memory_space<vmem>>) target(%dma_start3A_108 : memref<640xf32, #tpu.memory_space<vmem_shared>>) target_semaphore(%arg28 : memref<!tpu.dma_semaphore, #tpu.memory_space<semaphore_mem>>)
        %add3A_110 = arith.constant 10240 : i32
        %add3A_111 = arith.addi %add3A_110, %mul3A_0 : i32
        %dma_start3A_112 = tpu.memref_slice %arg9[%mul3A_0] : memref<10240xf32, #tpu.memory_space<vmem>> -> memref<640xf32, #tpu.memory_space<vmem>>
        %dma_start3A_113 = tpu.memref_slice %arg32[%add3A_111] : memref<61440xf32, #tpu.memory_space<vmem_shared>> -> memref<640xf32, #tpu.memory_space<vmem_shared>>
        %dma_start3A_114 = tpu.memref_slice %arg32[%add3A_111] : memref<61440xf32, #tpu.memory_space<vmem_shared>> -> memref<640xf32, #tpu.memory_space<vmem_shared>>
        %dma_start3A_115 = tpu.memref_slice %arg9[%mul3A_0] : memref<10240xf32, #tpu.memory_space<vmem>> -> memref<640xf32, #tpu.memory_space<vmem>>
        tpu.enqueue_dma source(%dma_start3A_115 : memref<640xf32, #tpu.memory_space<vmem>>) target(%dma_start3A_114 : memref<640xf32, #tpu.memory_space<vmem_shared>>) target_semaphore(%arg28 : memref<!tpu.dma_semaphore, #tpu.memory_space<semaphore_mem>>)
        %add3A_116 = arith.constant 20480 : i32
        %add3A_117 = arith.addi %add3A_116, %mul3A_0 : i32
        %dma_start3A_118 = tpu.memref_slice %arg10[%mul3A_0] : memref<10240xf32, #tpu.memory_space<vmem>> -> memref<640xf32, #tpu.memory_space<vmem>>
        %dma_start3A_119 = tpu.memref_slice %arg32[%add3A_117] : memref<61440xf32, #tpu.memory_space<vmem_shared>> -> memref<640xf32, #tpu.memory_space<vmem_shared>>
        %dma_start3A_120 = tpu.memref_slice %arg32[%add3A_117] : memref<61440xf32, #tpu.memory_space<vmem_shared>> -> memref<640xf32, #tpu.memory_space<vmem_shared>>
        %dma_start3A_121 = tpu.memref_slice %arg10[%mul3A_0] : memref<10240xf32, #tpu.memory_space<vmem>> -> memref<640xf32, #tpu.memory_space<vmem>>
        tpu.enqueue_dma source(%dma_start3A_121 : memref<640xf32, #tpu.memory_space<vmem>>) target(%dma_start3A_120 : memref<640xf32, #tpu.memory_space<vmem_shared>>) target_semaphore(%arg28 : memref<!tpu.dma_semaphore, #tpu.memory_space<semaphore_mem>>)
        %add3A_122 = arith.constant 30720 : i32
        %add3A_123 = arith.addi %add3A_122, %mul3A_0 : i32
        %dma_start3A_124 = tpu.memref_slice %arg11[%mul3A_0] : memref<10240xf32, #tpu.memory_space<vmem>> -> memref<640xf32, #tpu.memory_space<vmem>>
        %dma_start3A_125 = tpu.memref_slice %arg32[%add3A_123] : memref<61440xf32, #tpu.memory_space<vmem_shared>> -> memref<640xf32, #tpu.memory_space<vmem_shared>>
        %dma_start3A_126 = tpu.memref_slice %arg32[%add3A_123] : memref<61440xf32, #tpu.memory_space<vmem_shared>> -> memref<640xf32, #tpu.memory_space<vmem_shared>>
        %dma_start3A_127 = tpu.memref_slice %arg11[%mul3A_0] : memref<10240xf32, #tpu.memory_space<vmem>> -> memref<640xf32, #tpu.memory_space<vmem>>
        tpu.enqueue_dma source(%dma_start3A_127 : memref<640xf32, #tpu.memory_space<vmem>>) target(%dma_start3A_126 : memref<640xf32, #tpu.memory_space<vmem_shared>>) target_semaphore(%arg28 : memref<!tpu.dma_semaphore, #tpu.memory_space<semaphore_mem>>)
        %add3A_128 = arith.constant 40960 : i32
        %add3A_129 = arith.addi %add3A_128, %mul3A_0 : i32
        %dma_start3A_130 = tpu.memref_slice %arg12[%mul3A_0] : memref<10240xf32, #tpu.memory_space<vmem>> -> memref<640xf32, #tpu.memory_space<vmem>>
        %dma_start3A_131 = tpu.memref_slice %arg32[%add3A_129] : memref<61440xf32, #tpu.memory_space<vmem_shared>> -> memref<640xf32, #tpu.memory_space<vmem_shared>>
        %dma_start3A_132 = tpu.memref_slice %arg32[%add3A_129] : memref<61440xf32, #tpu.memory_space<vmem_shared>> -> memref<640xf32, #tpu.memory_space<vmem_shared>>
        %dma_start3A_133 = tpu.memref_slice %arg12[%mul3A_0] : memref<10240xf32, #tpu.memory_space<vmem>> -> memref<640xf32, #tpu.memory_space<vmem>>
        tpu.enqueue_dma source(%dma_start3A_133 : memref<640xf32, #tpu.memory_space<vmem>>) target(%dma_start3A_132 : memref<640xf32, #tpu.memory_space<vmem_shared>>) target_semaphore(%arg28 : memref<!tpu.dma_semaphore, #tpu.memory_space<semaphore_mem>>)
        %add3A_134 = arith.constant 51200 : i32
        %add3A_135 = arith.addi %add3A_134, %mul3A_0 : i32
        %dma_start3A_136 = tpu.memref_slice %arg13[%mul3A_0] : memref<10240xf32, #tpu.memory_space<vmem>> -> memref<640xf32, #tpu.memory_space<vmem>>
        %dma_start3A_137 = tpu.memref_slice %arg32[%add3A_135] : memref<61440xf32, #tpu.memory_space<vmem_shared>> -> memref<640xf32, #tpu.memory_space<vmem_shared>>
        %dma_start3A_138 = tpu.memref_slice %arg32[%add3A_135] : memref<61440xf32, #tpu.memory_space<vmem_shared>> -> memref<640xf32, #tpu.memory_space<vmem_shared>>
        %dma_start3A_139 = tpu.memref_slice %arg13[%mul3A_0] : memref<10240xf32, #tpu.memory_space<vmem>> -> memref<640xf32, #tpu.memory_space<vmem>>
        tpu.enqueue_dma source(%dma_start3A_139 : memref<640xf32, #tpu.memory_space<vmem>>) target(%dma_start3A_138 : memref<640xf32, #tpu.memory_space<vmem_shared>>) target_semaphore(%arg28 : memref<!tpu.dma_semaphore, #tpu.memory_space<semaphore_mem>>)
        %dma_wait3A_140 = tpu.memref_slice %arg8[%mul3A_0] : memref<10240xf32, #tpu.memory_space<vmem>> -> memref<640xf32, #tpu.memory_space<vmem>>
        %dma_wait3A_141 = tpu.memref_slice %arg32[%add3A_105] : memref<61440xf32, #tpu.memory_space<vmem_shared>> -> memref<640xf32, #tpu.memory_space<vmem_shared>>
        %dma_wait3A_142 = tpu.memref_slice %arg32[%add3A_105] : memref<61440xf32, #tpu.memory_space<vmem_shared>> -> memref<640xf32, #tpu.memory_space<vmem_shared>>
        %dma_wait3A_143 = tpu.memref_slice %arg8[%mul3A_0] : memref<10240xf32, #tpu.memory_space<vmem>> -> memref<640xf32, #tpu.memory_space<vmem>>
        tpu.wait_dma2 semaphore(%arg28 : memref<!tpu.dma_semaphore, #tpu.memory_space<semaphore_mem>>) src(%dma_wait3A_143 : memref<640xf32, #tpu.memory_space<vmem>>) dst(%dma_wait3A_142 : memref<640xf32, #tpu.memory_space<vmem_shared>>)
        %dma_wait3A_144 = tpu.memref_slice %arg9[%mul3A_0] : memref<10240xf32, #tpu.memory_space<vmem>> -> memref<640xf32, #tpu.memory_space<vmem>>
        %dma_wait3A_145 = tpu.memref_slice %arg32[%add3A_111] : memref<61440xf32, #tpu.memory_space<vmem_shared>> -> memref<640xf32, #tpu.memory_space<vmem_shared>>
        %dma_wait3A_146 = tpu.memref_slice %arg32[%add3A_111] : memref<61440xf32, #tpu.memory_space<vmem_shared>> -> memref<640xf32, #tpu.memory_space<vmem_shared>>
        %dma_wait3A_147 = tpu.memref_slice %arg9[%mul3A_0] : memref<10240xf32, #tpu.memory_space<vmem>> -> memref<640xf32, #tpu.memory_space<vmem>>
        tpu.wait_dma2 semaphore(%arg28 : memref<!tpu.dma_semaphore, #tpu.memory_space<semaphore_mem>>) src(%dma_wait3A_147 : memref<640xf32, #tpu.memory_space<vmem>>) dst(%dma_wait3A_146 : memref<640xf32, #tpu.memory_space<vmem_shared>>)
        %dma_wait3A_148 = tpu.memref_slice %arg10[%mul3A_0] : memref<10240xf32, #tpu.memory_space<vmem>> -> memref<640xf32, #tpu.memory_space<vmem>>
        %dma_wait3A_149 = tpu.memref_slice %arg32[%add3A_117] : memref<61440xf32, #tpu.memory_space<vmem_shared>> -> memref<640xf32, #tpu.memory_space<vmem_shared>>
        %dma_wait3A_150 = tpu.memref_slice %arg32[%add3A_117] : memref<61440xf32, #tpu.memory_space<vmem_shared>> -> memref<640xf32, #tpu.memory_space<vmem_shared>>
        %dma_wait3A_151 = tpu.memref_slice %arg10[%mul3A_0] : memref<10240xf32, #tpu.memory_space<vmem>> -> memref<640xf32, #tpu.memory_space<vmem>>
        tpu.wait_dma2 semaphore(%arg28 : memref<!tpu.dma_semaphore, #tpu.memory_space<semaphore_mem>>) src(%dma_wait3A_151 : memref<640xf32, #tpu.memory_space<vmem>>) dst(%dma_wait3A_150 : memref<640xf32, #tpu.memory_space<vmem_shared>>)
        %dma_wait3A_152 = tpu.memref_slice %arg11[%mul3A_0] : memref<10240xf32, #tpu.memory_space<vmem>> -> memref<640xf32, #tpu.memory_space<vmem>>
        %dma_wait3A_153 = tpu.memref_slice %arg32[%add3A_123] : memref<61440xf32, #tpu.memory_space<vmem_shared>> -> memref<640xf32, #tpu.memory_space<vmem_shared>>
        %dma_wait3A_154 = tpu.memref_slice %arg32[%add3A_123] : memref<61440xf32, #tpu.memory_space<vmem_shared>> -> memref<640xf32, #tpu.memory_space<vmem_shared>>
        %dma_wait3A_155 = tpu.memref_slice %arg11[%mul3A_0] : memref<10240xf32, #tpu.memory_space<vmem>> -> memref<640xf32, #tpu.memory_space<vmem>>
        tpu.wait_dma2 semaphore(%arg28 : memref<!tpu.dma_semaphore, #tpu.memory_space<semaphore_mem>>) src(%dma_wait3A_155 : memref<640xf32, #tpu.memory_space<vmem>>) dst(%dma_wait3A_154 : memref<640xf32, #tpu.memory_space<vmem_shared>>)
        %dma_wait3A_156 = tpu.memref_slice %arg12[%mul3A_0] : memref<10240xf32, #tpu.memory_space<vmem>> -> memref<640xf32, #tpu.memory_space<vmem>>
        %dma_wait3A_157 = tpu.memref_slice %arg32[%add3A_129] : memref<61440xf32, #tpu.memory_space<vmem_shared>> -> memref<640xf32, #tpu.memory_space<vmem_shared>>
        %dma_wait3A_158 = tpu.memref_slice %arg32[%add3A_129] : memref<61440xf32, #tpu.memory_space<vmem_shared>> -> memref<640xf32, #tpu.memory_space<vmem_shared>>
        %dma_wait3A_159 = tpu.memref_slice %arg12[%mul3A_0] : memref<10240xf32, #tpu.memory_space<vmem>> -> memref<640xf32, #tpu.memory_space<vmem>>
        tpu.wait_dma2 semaphore(%arg28 : memref<!tpu.dma_semaphore, #tpu.memory_space<semaphore_mem>>) src(%dma_wait3A_159 : memref<640xf32, #tpu.memory_space<vmem>>) dst(%dma_wait3A_158 : memref<640xf32, #tpu.memory_space<vmem_shared>>)
        %dma_wait3A_160 = tpu.memref_slice %arg13[%mul3A_0] : memref<10240xf32, #tpu.memory_space<vmem>> -> memref<640xf32, #tpu.memory_space<vmem>>
        %dma_wait3A_161 = tpu.memref_slice %arg32[%add3A_135] : memref<61440xf32, #tpu.memory_space<vmem_shared>> -> memref<640xf32, #tpu.memory_space<vmem_shared>>
        %dma_wait3A_162 = tpu.memref_slice %arg32[%add3A_135] : memref<61440xf32, #tpu.memory_space<vmem_shared>> -> memref<640xf32, #tpu.memory_space<vmem_shared>>
        %dma_wait3A_163 = tpu.memref_slice %arg13[%mul3A_0] : memref<10240xf32, #tpu.memory_space<vmem>> -> memref<640xf32, #tpu.memory_space<vmem>>
        tpu.wait_dma2 semaphore(%arg28 : memref<!tpu.dma_semaphore, #tpu.memory_space<semaphore_mem>>) src(%dma_wait3A_163 : memref<640xf32, #tpu.memory_space<vmem>>) dst(%dma_wait3A_162 : memref<640xf32, #tpu.memory_space<vmem_shared>>)
      } else {
      }
      %barrier3A_95 = arith.constant 0 : index
      tpu.barrier barrier_id(%barrier3A_95)
      %not3A_96 = arith.constant true
      %not3A_97 = arith.xori %eq3A_40, %not3A_96 : i1
      %convert_element_type3A_98 = arith.extui %not3A_97 : i1 to i32
      %cond3A_99 = arith.constant 0 : i32
      %cond3A_100 = arith.cmpi ne, %convert_element_type3A_98, %cond3A_99 : i32
      scf.if %cond3A_100 {
        %dma_start3A_104 = arith.constant 0 : i32
        %dma_start3A_105 = tpu.memref_slice %arg32[%dma_start3A_104] : memref<61440xf32, #tpu.memory_space<vmem_shared>> -> memref<10240xf32, #tpu.memory_space<vmem_shared>>
        %dma_start3A_106 = arith.constant 0 : i32
        %dma_start3A_107 = tpu.memref_slice %arg32[%dma_start3A_106] : memref<61440xf32, #tpu.memory_space<vmem_shared>> -> memref<10240xf32, #tpu.memory_space<vmem_shared>>
        tpu.enqueue_dma source(%dma_start3A_107 : memref<10240xf32, #tpu.memory_space<vmem_shared>>) target(%arg8 : memref<10240xf32, #tpu.memory_space<vmem>>) target_semaphore(%arg28 : memref<!tpu.dma_semaphore, #tpu.memory_space<semaphore_mem>>)
        %dma_start3A_108 = arith.constant 10240 : i32
        %dma_start3A_109 = tpu.memref_slice %arg32[%dma_start3A_108] : memref<61440xf32, #tpu.memory_space<vmem_shared>> -> memref<10240xf32, #tpu.memory_space<vmem_shared>>
        %dma_start3A_110 = arith.constant 10240 : i32
        %dma_start3A_111 = tpu.memref_slice %arg32[%dma_start3A_110] : memref<61440xf32, #tpu.memory_space<vmem_shared>> -> memref<10240xf32, #tpu.memory_space<vmem_shared>>
        tpu.enqueue_dma source(%dma_start3A_111 : memref<10240xf32, #tpu.memory_space<vmem_shared>>) target(%arg9 : memref<10240xf32, #tpu.memory_space<vmem>>) target_semaphore(%arg28 : memref<!tpu.dma_semaphore, #tpu.memory_space<semaphore_mem>>)
        %dma_start3A_112 = arith.constant 20480 : i32
        %dma_start3A_113 = tpu.memref_slice %arg32[%dma_start3A_112] : memref<61440xf32, #tpu.memory_space<vmem_shared>> -> memref<10240xf32, #tpu.memory_space<vmem_shared>>
        %dma_start3A_114 = arith.constant 20480 : i32
        %dma_start3A_115 = tpu.memref_slice %arg32[%dma_start3A_114] : memref<61440xf32, #tpu.memory_space<vmem_shared>> -> memref<10240xf32, #tpu.memory_space<vmem_shared>>
        tpu.enqueue_dma source(%dma_start3A_115 : memref<10240xf32, #tpu.memory_space<vmem_shared>>) target(%arg10 : memref<10240xf32, #tpu.memory_space<vmem>>) target_semaphore(%arg28 : memref<!tpu.dma_semaphore, #tpu.memory_space<semaphore_mem>>)
        %dma_start3A_116 = arith.constant 30720 : i32
        %dma_start3A_117 = tpu.memref_slice %arg32[%dma_start3A_116] : memref<61440xf32, #tpu.memory_space<vmem_shared>> -> memref<10240xf32, #tpu.memory_space<vmem_shared>>
        %dma_start3A_118 = arith.constant 30720 : i32
        %dma_start3A_119 = tpu.memref_slice %arg32[%dma_start3A_118] : memref<61440xf32, #tpu.memory_space<vmem_shared>> -> memref<10240xf32, #tpu.memory_space<vmem_shared>>
        tpu.enqueue_dma source(%dma_start3A_119 : memref<10240xf32, #tpu.memory_space<vmem_shared>>) target(%arg11 : memref<10240xf32, #tpu.memory_space<vmem>>) target_semaphore(%arg28 : memref<!tpu.dma_semaphore, #tpu.memory_space<semaphore_mem>>)
        %dma_start3A_120 = arith.constant 40960 : i32
        %dma_start3A_121 = tpu.memref_slice %arg32[%dma_start3A_120] : memref<61440xf32, #tpu.memory_space<vmem_shared>> -> memref<10240xf32, #tpu.memory_space<vmem_shared>>
        %dma_start3A_122 = arith.constant 40960 : i32
        %dma_start3A_123 = tpu.memref_slice %arg32[%dma_start3A_122] : memref<61440xf32, #tpu.memory_space<vmem_shared>> -> memref<10240xf32, #tpu.memory_space<vmem_shared>>
        tpu.enqueue_dma source(%dma_start3A_123 : memref<10240xf32, #tpu.memory_space<vmem_shared>>) target(%arg12 : memref<10240xf32, #tpu.memory_space<vmem>>) target_semaphore(%arg28 : memref<!tpu.dma_semaphore, #tpu.memory_space<semaphore_mem>>)
        %dma_start3A_124 = arith.constant 51200 : i32
        %dma_start3A_125 = tpu.memref_slice %arg32[%dma_start3A_124] : memref<61440xf32, #tpu.memory_space<vmem_shared>> -> memref<10240xf32, #tpu.memory_space<vmem_shared>>
        %dma_start3A_126 = arith.constant 51200 : i32
        %dma_start3A_127 = tpu.memref_slice %arg32[%dma_start3A_126] : memref<61440xf32, #tpu.memory_space<vmem_shared>> -> memref<10240xf32, #tpu.memory_space<vmem_shared>>
        tpu.enqueue_dma source(%dma_start3A_127 : memref<10240xf32, #tpu.memory_space<vmem_shared>>) target(%arg13 : memref<10240xf32, #tpu.memory_space<vmem>>) target_semaphore(%arg28 : memref<!tpu.dma_semaphore, #tpu.memory_space<semaphore_mem>>)
        %dma_wait3A_128 = arith.constant 0 : i32
        %dma_wait3A_129 = tpu.memref_slice %arg32[%dma_wait3A_128] : memref<61440xf32, #tpu.memory_space<vmem_shared>> -> memref<10240xf32, #tpu.memory_space<vmem_shared>>
        %dma_wait3A_130 = arith.constant 0 : i32
        %dma_wait3A_131 = tpu.memref_slice %arg32[%dma_wait3A_130] : memref<61440xf32, #tpu.memory_space<vmem_shared>> -> memref<10240xf32, #tpu.memory_space<vmem_shared>>
        tpu.wait_dma2 semaphore(%arg28 : memref<!tpu.dma_semaphore, #tpu.memory_space<semaphore_mem>>) src(%dma_wait3A_131 : memref<10240xf32, #tpu.memory_space<vmem_shared>>) dst(%arg8 : memref<10240xf32, #tpu.memory_space<vmem>>)
        %dma_wait3A_132 = arith.constant 10240 : i32
        %dma_wait3A_133 = tpu.memref_slice %arg32[%dma_wait3A_132] : memref<61440xf32, #tpu.memory_space<vmem_shared>> -> memref<10240xf32, #tpu.memory_space<vmem_shared>>
        %dma_wait3A_134 = arith.constant 10240 : i32
        %dma_wait3A_135 = tpu.memref_slice %arg32[%dma_wait3A_134] : memref<61440xf32, #tpu.memory_space<vmem_shared>> -> memref<10240xf32, #tpu.memory_space<vmem_shared>>
        tpu.wait_dma2 semaphore(%arg28 : memref<!tpu.dma_semaphore, #tpu.memory_space<semaphore_mem>>) src(%dma_wait3A_135 : memref<10240xf32, #tpu.memory_space<vmem_shared>>) dst(%arg9 : memref<10240xf32, #tpu.memory_space<vmem>>)
        %dma_wait3A_136 = arith.constant 20480 : i32
        %dma_wait3A_137 = tpu.memref_slice %arg32[%dma_wait3A_136] : memref<61440xf32, #tpu.memory_space<vmem_shared>> -> memref<10240xf32, #tpu.memory_space<vmem_shared>>
        %dma_wait3A_138 = arith.constant 20480 : i32
        %dma_wait3A_139 = tpu.memref_slice %arg32[%dma_wait3A_138] : memref<61440xf32, #tpu.memory_space<vmem_shared>> -> memref<10240xf32, #tpu.memory_space<vmem_shared>>
        tpu.wait_dma2 semaphore(%arg28 : memref<!tpu.dma_semaphore, #tpu.memory_space<semaphore_mem>>) src(%dma_wait3A_139 : memref<10240xf32, #tpu.memory_space<vmem_shared>>) dst(%arg10 : memref<10240xf32, #tpu.memory_space<vmem>>)
        %dma_wait3A_140 = arith.constant 30720 : i32
        %dma_wait3A_141 = tpu.memref_slice %arg32[%dma_wait3A_140] : memref<61440xf32, #tpu.memory_space<vmem_shared>> -> memref<10240xf32, #tpu.memory_space<vmem_shared>>
        %dma_wait3A_142 = arith.constant 30720 : i32
        %dma_wait3A_143 = tpu.memref_slice %arg32[%dma_wait3A_142] : memref<61440xf32, #tpu.memory_space<vmem_shared>> -> memref<10240xf32, #tpu.memory_space<vmem_shared>>
        tpu.wait_dma2 semaphore(%arg28 : memref<!tpu.dma_semaphore, #tpu.memory_space<semaphore_mem>>) src(%dma_wait3A_143 : memref<10240xf32, #tpu.memory_space<vmem_shared>>) dst(%arg11 : memref<10240xf32, #tpu.memory_space<vmem>>)
        %dma_wait3A_144 = arith.constant 40960 : i32
        %dma_wait3A_145 = tpu.memref_slice %arg32[%dma_wait3A_144] : memref<61440xf32, #tpu.memory_space<vmem_shared>> -> memref<10240xf32, #tpu.memory_space<vmem_shared>>
        %dma_wait3A_146 = arith.constant 40960 : i32
        %dma_wait3A_147 = tpu.memref_slice %arg32[%dma_wait3A_146] : memref<61440xf32, #tpu.memory_space<vmem_shared>> -> memref<10240xf32, #tpu.memory_space<vmem_shared>>
        tpu.wait_dma2 semaphore(%arg28 : memref<!tpu.dma_semaphore, #tpu.memory_space<semaphore_mem>>) src(%dma_wait3A_147 : memref<10240xf32, #tpu.memory_space<vmem_shared>>) dst(%arg12 : memref<10240xf32, #tpu.memory_space<vmem>>)
        %dma_wait3A_148 = arith.constant 51200 : i32
        %dma_wait3A_149 = tpu.memref_slice %arg32[%dma_wait3A_148] : memref<61440xf32, #tpu.memory_space<vmem_shared>> -> memref<10240xf32, #tpu.memory_space<vmem_shared>>
        %dma_wait3A_150 = arith.constant 51200 : i32
        %dma_wait3A_151 = tpu.memref_slice %arg32[%dma_wait3A_150] : memref<61440xf32, #tpu.memory_space<vmem_shared>> -> memref<10240xf32, #tpu.memory_space<vmem_shared>>
        tpu.wait_dma2 semaphore(%arg28 : memref<!tpu.dma_semaphore, #tpu.memory_space<semaphore_mem>>) src(%dma_wait3A_151 : memref<10240xf32, #tpu.memory_space<vmem_shared>>) dst(%arg13 : memref<10240xf32, #tpu.memory_space<vmem>>)
      } else {
      }
      %convert_element_type3A_101 = arith.extui %eq3A_40 : i1 to i32
      %cond3A_102 = arith.constant 0 : i32
      %cond3A_103 = arith.cmpi ne, %convert_element_type3A_101, %cond3A_102 : i32
      scf.if %cond3A_103 {
        %scan3A_104 = arith.constant 0 : i32
        %scan3A_105 = arith.constant 0 : i32
        %scan3A_106 = arith.constant 40 : i32
        %scan3A_107 = arith.addi %scan3A_105, %scan3A_106 : i32
        %scan3A_108 = arith.constant 1 : i32
        scf.for %scan3A_120 = %scan3A_105 to %scan3A_107 step %scan3A_108  : i32 {
          %mul3A_121 = arith.constant 16 : i32
          %mul3A_122 = arith.muli %scan3A_120, %mul3A_121 : i32
          %add3A_123 = vector.broadcast %mul3A_122 : i32 to vector<16xi32>
          %add3A_124 = arith.addi %add3A_123, %iota3A : vector<16xi32>
          %mul3A_125 = arith.constant 3 : i32
          %mul3A_126 = vector.broadcast %mul3A_125 : i32 to vector<16xi32>
          %mul3A_127 = arith.muli %add3A_124, %mul3A_126 : vector<16xi32>
          %add3A_128 = arith.addi %mul3A_0, %mul3A_122 : i32
          %get3A = arith.index_cast %add3A_128 : i32 to index
          %get3A_129 = tpu.vector_load %arg8[%get3A] {strides = array<i32>} : memref<10240xf32, #tpu.memory_space<vmem>>, vector<16xf32>,
          tpu.vector_store_idx %arg19[%mul3A_127], %get3A_129 : memref<6000xf32, #tpu.memory_space<vmem>>[vector<16xi32>], vector<16xf32>,
          %add3A_130 = arith.constant 1 : i32
          %add3A_131 = vector.broadcast %add3A_130 : i32 to vector<16xi32>
          %add3A_132 = arith.addi %mul3A_127, %add3A_131 : vector<16xi32>
          %add3A_133 = arith.addi %mul3A_0, %mul3A_122 : i32
          %get3A_134 = arith.index_cast %add3A_133 : i32 to index
          %get3A_135 = tpu.vector_load %arg9[%get3A_134] {strides = array<i32>} : memref<10240xf32, #tpu.memory_space<vmem>>, vector<16xf32>,
          tpu.vector_store_idx %arg19[%add3A_132], %get3A_135 : memref<6000xf32, #tpu.memory_space<vmem>>[vector<16xi32>], vector<16xf32>,
          %add3A_136 = arith.constant 2 : i32
          %add3A_137 = vector.broadcast %add3A_136 : i32 to vector<16xi32>
          %add3A_138 = arith.addi %mul3A_127, %add3A_137 : vector<16xi32>
          %add3A_139 = arith.addi %mul3A_0, %mul3A_122 : i32
          %get3A_140 = arith.index_cast %add3A_139 : i32 to index
          %get3A_141 = tpu.vector_load %arg10[%get3A_140] {strides = array<i32>} : memref<10240xf32, #tpu.memory_space<vmem>>, vector<16xf32>,
          tpu.vector_store_idx %arg19[%add3A_138], %get3A_141 : memref<6000xf32, #tpu.memory_space<vmem>>[vector<16xi32>], vector<16xf32>,
        }
        %scan3A_109 = arith.constant 40 : i32
        %lt3A_110 = arith.constant 15 : i32
        %lt3A_111 = arith.cmpi slt, %arg1, %lt3A_110 : i32
        %convert_element_type3A_112 = arith.extui %lt3A_111 : i1 to i32
        %cond3A_113 = arith.constant 0 : i32
        %cond3A_114 = arith.cmpi ne, %convert_element_type3A_112, %cond3A_113 : i32
        scf.if %cond3A_114 {
          %mul3A_120 = arith.constant 3 : i32
          %mul3A_121 = arith.muli %mul3A_0, %mul3A_120 : i32
          "tpu.region"() ({
            %run_scoped3A = tpu.sem_alloc : memref<!tpu.dma_semaphore, #tpu.memory_space<semaphore_mem>>
            %dma_start3A_122 = arith.constant 0 : i32
            %dma_start3A_123 = tpu.memref_slice %arg19[%dma_start3A_122] : memref<6000xf32, #tpu.memory_space<vmem>> -> memref<1920xf32, #tpu.memory_space<vmem>>
            %dma_start3A_124 = tpu.memref_slice %arg6[%mul3A_121] : memref<30000xf32, #tpu.memory_space<hbm>> -> memref<1920xf32, #tpu.memory_space<hbm>>
            %dma_start3A_125 = tpu.memref_slice %arg6[%mul3A_121] : memref<30000xf32, #tpu.memory_space<hbm>> -> memref<1920xf32, #tpu.memory_space<hbm>>
            %dma_start3A_126 = arith.constant 0 : i32
            %dma_start3A_127 = tpu.memref_slice %arg19[%dma_start3A_126] : memref<6000xf32, #tpu.memory_space<vmem>> -> memref<1920xf32, #tpu.memory_space<vmem>>
            tpu.enqueue_dma source(%dma_start3A_127 : memref<1920xf32, #tpu.memory_space<vmem>>) target(%dma_start3A_125 : memref<1920xf32, #tpu.memory_space<hbm>>) target_semaphore(%run_scoped3A : memref<!tpu.dma_semaphore, #tpu.memory_space<semaphore_mem>>)
            %dma_wait3A_128 = arith.constant 0 : i32
            %dma_wait3A_129 = tpu.memref_slice %arg19[%dma_wait3A_128] : memref<6000xf32, #tpu.memory_space<vmem>> -> memref<1920xf32, #tpu.memory_space<vmem>>
            %dma_wait3A_130 = tpu.memref_slice %arg6[%mul3A_121] : memref<30000xf32, #tpu.memory_space<hbm>> -> memref<1920xf32, #tpu.memory_space<hbm>>
            %dma_wait3A_131 = tpu.memref_slice %arg6[%mul3A_121] : memref<30000xf32, #tpu.memory_space<hbm>> -> memref<1920xf32, #tpu.memory_space<hbm>>
            %dma_wait3A_132 = arith.constant 0 : i32
            %dma_wait3A_133 = tpu.memref_slice %arg19[%dma_wait3A_132] : memref<6000xf32, #tpu.memory_space<vmem>> -> memref<1920xf32, #tpu.memory_space<vmem>>
            tpu.wait_dma2 semaphore(%run_scoped3A : memref<!tpu.dma_semaphore, #tpu.memory_space<semaphore_mem>>) src(%dma_wait3A_133 : memref<1920xf32, #tpu.memory_space<vmem>>) dst(%dma_wait3A_131 : memref<1920xf32, #tpu.memory_space<hbm>>)
            tpu.yield
          }) : () -> ()
        } else {
        }
        %eq3A_115 = arith.constant 15 : i32
        %eq3A_116 = arith.cmpi eq, %arg1, %eq3A_115 : i32
        %convert_element_type3A_117 = arith.extui %eq3A_116 : i1 to i32
        %cond3A_118 = arith.constant 0 : i32
        %cond3A_119 = arith.cmpi ne, %convert_element_type3A_117, %cond3A_118 : i32
        scf.if %cond3A_119 {
          "tpu.region"() ({
            %run_scoped3A = tpu.sem_alloc : memref<!tpu.dma_semaphore, #tpu.memory_space<semaphore_mem>>
            %dma_start3A_120 = arith.constant 0 : i32
            %dma_start3A_121 = tpu.memref_slice %arg19[%dma_start3A_120] : memref<6000xf32, #tpu.memory_space<vmem>> -> memref<1200xf32, #tpu.memory_space<vmem>>
            %dma_start3A_122 = arith.constant 28800 : i32
            %dma_start3A_123 = tpu.memref_slice %arg6[%dma_start3A_122] : memref<30000xf32, #tpu.memory_space<hbm>> -> memref<1200xf32, #tpu.memory_space<hbm>>
            %dma_start3A_124 = arith.constant 28800 : i32
            %dma_start3A_125 = tpu.memref_slice %arg6[%dma_start3A_124] : memref<30000xf32, #tpu.memory_space<hbm>> -> memref<1200xf32, #tpu.memory_space<hbm>>
            %dma_start3A_126 = arith.constant 0 : i32
            %dma_start3A_127 = tpu.memref_slice %arg19[%dma_start3A_126] : memref<6000xf32, #tpu.memory_space<vmem>> -> memref<1200xf32, #tpu.memory_space<vmem>>
            tpu.enqueue_dma source(%dma_start3A_127 : memref<1200xf32, #tpu.memory_space<vmem>>) target(%dma_start3A_125 : memref<1200xf32, #tpu.memory_space<hbm>>) target_semaphore(%run_scoped3A : memref<!tpu.dma_semaphore, #tpu.memory_space<semaphore_mem>>)
            %dma_wait3A_128 = arith.constant 0 : i32
            %dma_wait3A_129 = tpu.memref_slice %arg19[%dma_wait3A_128] : memref<6000xf32, #tpu.memory_space<vmem>> -> memref<1200xf32, #tpu.memory_space<vmem>>
            %dma_wait3A_130 = arith.constant 28800 : i32
            %dma_wait3A_131 = tpu.memref_slice %arg6[%dma_wait3A_130] : memref<30000xf32, #tpu.memory_space<hbm>> -> memref<1200xf32, #tpu.memory_space<hbm>>
            %dma_wait3A_132 = arith.constant 28800 : i32
            %dma_wait3A_133 = tpu.memref_slice %arg6[%dma_wait3A_132] : memref<30000xf32, #tpu.memory_space<hbm>> -> memref<1200xf32, #tpu.memory_space<hbm>>
            %dma_wait3A_134 = arith.constant 0 : i32
            %dma_wait3A_135 = tpu.memref_slice %arg19[%dma_wait3A_134] : memref<6000xf32, #tpu.memory_space<vmem>> -> memref<1200xf32, #tpu.memory_space<vmem>>
            tpu.wait_dma2 semaphore(%run_scoped3A : memref<!tpu.dma_semaphore, #tpu.memory_space<semaphore_mem>>) src(%dma_wait3A_135 : memref<1200xf32, #tpu.memory_space<vmem>>) dst(%dma_wait3A_133 : memref<1200xf32, #tpu.memory_space<hbm>>)
            tpu.yield
          }) : () -> ()
        } else {
        }
      } else {
      }
    }
    %scan3A_37 = arith.constant 10 : i32
    return
  }
}

</mosaic_0001>

<sc_bundles>
// kernel: kernel.3.cloned.1.call-start
scs
__scs_entry_jumppad:
0x0: {  	(pc) =	sbr.rel $0x88, $3  }
0x1: {  	(tag) =	ssettag $0x0;
	lr =	simm.s32 $0x1  }
0x2: {  	[smem:$0x3F9D] =	sst lr;
	_ =	strace $0xD0000000  }
0x3: {  	_ = 	snop  }
0x4: {  	_ = 	snop  }
0x5: {  	_ = 	snop  }
0x6: {  	_ = 	snop  }
0x7: {  	_ = 	snop  }
__scs_overlays_trampoline_lowered:
0x8: {  	[smem:$0x3FAC] =	sst s0  }
0x9: {  	[smem:$0x3FAD] =	sst s1  }
0xa: {  	[smem:$0x3FAE] =	sst s2  }
0xb: {  	[smem:$0x3FAF] =	sst s3  }
0xc: {  	[smem:$0x3FB0] =	sst s4  }
0xd: {  	[smem:$0x3FB1] =	sst s5  }
0xe: {  	[smem:$0x3FB2] =	sst s6  }
0xf: {  	[smem:$0x3FB3] =	sst s7  }
0x10: {  	[smem:$0x3FB4] =	sst s8  }
0x11: {  	[smem:$0x3FB5] =	sst s9;
	s0 =	simm.s32 @!p0 $0x0  }
0x12: {  	s1 =	sld [smem:$0x3F9B];
	s0 =	simm.s32 @p0 $0x1  }
0x13: {  	[smem:$0x3FB6] =	sst s0;
	s0 =	simm.s32 @!p1 $0x0  }
0x14: {  	s2 =	sld [smem:$0x3F9A];
	s0 =	simm.s32 @p1 $0x1  }
0x15: {  	[smem:$0x3FB7] =	sst s0;
	s0 =	simm.s32 @!p2 $0x0  }
0x16: {  	s3 =	sld [smem:$0x3FDB];
	s0 =	simm.s32 @p2 $0x1  }
0x17: {  	s4 =	simm.s32 $0x1BF5;
	[smem:$0x3FB9] =	sst s0  }
0x18: {  	s0 =	sld [smem:$0x3F9C];
	_ =	swait.ge [sflag:s4], $0x0  }
0x19: {  	s7 =	sld [smem:$0x3F9D]  }
0x1a: {  	s8 =	sadd.s32 $0xFFFFE003, lr  }
0x1b: {  	s9 =	sadd.s32 $0xFFFFFEF7, lr;
	s5 =	simm.s32 $0xFFFFFFFF;
	p2 =	slt.u32 s8, $0xFFFFF086  }
0x1c: {  	p1 =	slt.u32 s9, $0xF7A;
	s5 =	simm.s32 @!p2 $0x0  }
0x1d: {  	s5 =	simm.s32 @p1 $0x1;
	p0 =	seq.s32 s7, s2  }
0x1e: {  	s7 =	smul.u32 @!p0 $0xF7A, s2;
	p2 =	seq.s32 @!p0 s5, $0x0  }
0x1f: {  	s9 =	smul.u32 $0xF7A, s1;
	s8 =	simm.s32 @!p0 $0x1BF5;
	p2 =	por !p2, p0  }
0x20: {  	[sflag:s8] =	ssyncset.s32 @!p0 $0xFFFFF086;
	s6 =	sadd.s32 @!p0 s3, s7;
	s7 =	simm.s32 @!p0 $0x108  }
0x21: {  	s3 =	sadd.s32 s3, s9;
	s6 =	sadd.s32 @!p0 $0x88, s6;
	s7 =	simm.s32 @p2 $0x1082  }
0x22: {  	[simem:s7], [sflag:s8] =	dma.local @!p0 [hbm:s6], $0xF7A  }
0x23: {  	s9 =	sor.u32 $0xD0000000, s2;
	s6 =	simm.s32 $0x108;
	_ =	swait.ge @!p0 [sflag:s8], $0x0  }
0x24: {  	s3 =	sadd.s32 $0x88, s3;
	s6 =	simm.s32 @!p1 $0x1082;
	[sflag:s4] =	ssyncset.s32 $0xFFFFF086  }
0x25: {  	[simem:s6], [sflag:s4] =	dma.local [hbm:s3], $0xF7A  }
0x26: {  	[smem:$0x3F9D] =	sst s1;
	(tag) =	ssettag s2;
	_ =	strace s9  }
0x27: {  	s1 =	sld [smem:$0x3FAD]  }
0x28: {  	s2 =	sld [smem:$0x3FAE]  }
0x29: {  	s4 =	sld [smem:$0x3FB0]  }
0x2a: {  	p0 =	seq.s32 s5, $0x0;
	s5 =	sld [smem:$0x3FB1]  }
0x2b: {  	s6 =	sld [smem:$0x3FB2]  }
0x2c: {  	s7 =	sld [smem:$0x3FB3]  }
0x2d: {  	s3 =	simm.s32 $0x108;
	s8 =	sld [smem:$0x3FB4]  }
0x2e: {  	s3 =	simm.s32 @!p0 $0x1082;
	s9 =	sld [smem:$0x3FB5]  }
0x2f: {  	lr =	sadd.s32 s0, s3;
	s0 =	sld [smem:$0x3FAC]  }
0x30: {  	s3 =	sld [smem:$0x3FAF]  }
0x31: {  	[smem:$0x3FB8] =	sst s10  }
0x32: {  	s10 =	sld [smem:$0x3FB6];
	_ =	sdelay $0x3  }
0x33: {  	p0 =	seq.s32 s10, $0x1;
	s10 =	sld [smem:$0x3FB8];
	_ =	sdelay $0x3  }
0x34: {  	[smem:$0x3FB8] =	sst s10  }
0x35: {  	s10 =	sld [smem:$0x3FB7];
	_ =	sdelay $0x3  }
0x36: {  	p1 =	seq.s32 s10, $0x1;
	s10 =	sld [smem:$0x3FB8];
	_ =	sdelay $0x3  }
0x37: {  	[smem:$0x3FB8] =	sst s10  }
0x38: {  	s10 =	sld [smem:$0x3FB9]  }
0x39: {  	_ = 	snop;
	(pc) =	sbr.ind lr, $3  }
0x3a: {  	_ = 	snop  }
0x3b: {  	_ = 	snop  }
0x3c: {  	p2 =	seq.s32 s10, $0x1;
	s10 =	sld [smem:$0x3FB8]  }
0x3d: {  	_ =	shalt  }
0x3e: {  	_ =	shalt  }
0x3f: {  	_ =	shalt  }
0x40: {  	_ =	shalt  }
0x41: {  	_ =	shalt  }
0x42: {  	_ =	shalt  }
0x43: {  	_ =	shalt  }
0x44: {  	_ =	shalt  }
0x45: {  	_ =	shalt  }
0x46: {  	_ =	shalt  }
0x47: {  	_ =	shalt  }
0x48: {  	_ =	shalt  }
0x49: {  	_ =	shalt  }
0x4a: {  	_ =	shalt  }
0x4b: {  	_ =	shalt  }
0x4c: {  	_ =	shalt  }
0x4d: {  	_ =	shalt  }
0x4e: {  	_ =	shalt  }
0x4f: {  	_ =	shalt  }
0x50: {  	_ =	shalt  }
0x51: {  	_ =	shalt  }
0x52: {  	_ =	shalt  }
0x53: {  	_ =	shalt  }
0x54: {  	_ =	shalt  }
0x55: {  	_ =	shalt  }
0x56: {  	_ =	shalt  }
0x57: {  	_ =	shalt  }
0x58: {  	_ =	shalt  }
0x59: {  	_ =	shalt  }
0x5a: {  	_ =	shalt  }
0x5b: {  	_ =	shalt  }
0x5c: {  	_ =	shalt  }
0x5d: {  	_ =	shalt  }
0x5e: {  	_ =	shalt  }
0x5f: {  	_ =	shalt  }
0x60: {  	_ =	shalt  }
0x61: {  	_ =	shalt  }
0x62: {  	_ =	shalt  }
0x63: {  	_ =	shalt  }
0x64: {  	_ =	shalt  }
0x65: {  	_ =	shalt  }
0x66: {  	_ =	shalt  }
0x67: {  	_ =	shalt  }
0x68: {  	_ =	shalt  }
0x69: {  	_ =	shalt  }
0x6a: {  	_ =	shalt  }
0x6b: {  	_ =	shalt  }
0x6c: {  	_ =	shalt  }
0x6d: {  	_ =	shalt  }
0x6e: {  	_ =	shalt  }
0x6f: {  	_ =	shalt  }
0x70: {  	_ =	shalt  }
0x71: {  	_ =	shalt  }
0x72: {  	_ =	shalt  }
0x73: {  	_ =	shalt  }
0x74: {  	_ =	shalt  }
0x75: {  	_ =	shalt  }
0x76: {  	_ =	shalt  }
0x77: {  	_ =	shalt  }
0x78: {  	_ =	shalt  }
0x79: {  	_ =	shalt  }
0x7a: {  	_ =	shalt  }
0x7b: {  	_ =	shalt  }
0x7c: {  	_ =	shalt  }
0x7d: {  	_ =	shalt  }
0x7e: {  	_ =	shalt  }
0x7f: {  	_ =	shalt  }
0x80: {  	_ =	shalt  }
0x81: {  	_ =	shalt  }
0x82: {  	_ =	shalt  }
0x83: {  	_ =	shalt  }
0x84: {  	_ =	shalt  }
0x85: {  	_ =	shalt  }
0x86: {  	_ =	shalt  }
0x87: {  	_ =	shalt  }
.Lfunc_end0:
.L_simem_size_0:
called_computation_lowered:
.L_overlay_start_0:
0x88: {  	s0 =	sld [smem:$0x3FD9]  }
0x89: {  	s1 =	sld [smem:$0x3FFE];
	_ =	sdelay $0x3  }
0x8a: {  	s0 =	sadd.s32 s1, s0  }
0x8b: {  	[smem:$0x3FC4] =	sst s0  }
0x8c: {  	_ = 	snop  }
0x8d: {  	s0 =	sld [smem:$0x3FD0];
	_ =	sdelay $0x1  }
0x8e: {  	s14 =	sld [smem:$0x3FC7]  }
0x8f: {  	s3 =	simm.s32 $0xA;
	s4 =	simm.s32 $0x10;
	s2 =	sld [smem:$0x3FC6]  }
0x90: {  	[smem:s4], [sflag:s3] =	dma.local [hbm:s0], $0x1  }
0x91: {  	_ =	swait.eq [sflag:s3], $0x1  }
0x92: {  	s15 =	sld [smem:$0x10]  }
0x93: {  	s16 =	sld [smem:$0x11];
	[sflag:s3] =	ssyncset.done $0x0  }
0x94: {  	s5 =	sld [smem:$0x12];
	[sflag:s3] =	ssyncadd.s32 $0xFFFFFFFF  }
0x95: {  	s17 =	sld [smem:$0x13];
	(tm) =	ssettm $0x1  }
0x96: {  	s6 =	sld [smem:$0x3FFB];
	_ =	sdelay $0x3  }
0x97: {  	_ =	strace s6  }
0x98: {  	s6 =	sld [smem:$0x3FFC];
	_ =	sdelay $0x3  }
0x99: {  	_ =	strace s6  }
0x9a: {  	s6 =	sld [smem:$0x3FFD];
	_ =	sdelay $0x3  }
0x9b: {  	_ =	strace s6  }
0x9c: {  	_ =	strace $0x8FFFFFFF  }
0x9d: {  	s18 =	sld [smem:$0x3FDB];
	_ =	sdelay $0x1  }
0x9e: {  	s7 =	simm.s32 $_scs_section_size  }
0x9f: {  	s8 =	simm.s32 $_size__tile_overlayer_lowered;
	s9 =	simm.s32 $_tile_overlayer_lowered  }
0xa0: {  	s21 =	simm.s32 $0x1BFF;
	s20 =	sshll.u32 s9, $0x1;
	s6 =	sadd.s32 s7, s18  }
0xa1: {  	s10 =	simm.s32 $0x0;
	s19 =	sshll.u32 s8, $0x1;
	s8 =	sadd.s32 s20, s6  }
0xa2: {  	[timem:s10], [sflag:s21] =	dma.local [hbm:s8], s19  }
0xa3: {  	_ =	swait.ge [sflag:s21], s19  }
0xa4: {  	s7 =	ssub.s32 $0x0, s19;
	[sflag:s21] =	ssyncset.done $0x0  }
0xa5: {  	[sflag:s21] =	ssyncadd.s32 s7;
	_ =	sdelay $0x1  }
0xa6: {  	s22 =	simm.s32 $0x1B8B  }
0xa7: {  	_ =	swait.ge [sflag:s22], $0x1  }
0xa8: {  	[sflag:s22] =	ssyncset.done $0x0  }
0xa9: {  	s23 =	simm.s32 $0x1B8E;
	[sflag:s22] =	ssyncadd.s32 $0xFFFFFFFF  }
0xaa: {  	s24 =	simm.s32 $execute0_lowered;
	[smem:$0x3FD2] =	sst s23  }
0xab: {  	s7 =	sshll.u32 s24, $0x1;
	_ =	strace $0x80000046;
	[dreg:$0x1] =	wrdreg $0xFFFFFFFF  }
0xac: {  	s25 =	simm.s32 $_size_execute0_lowered;
	s6 =	sadd.s32 s6, s7;
	[dreg:$0x0] =	wrdreg $0x0  }
0xad: {  	s7 =	sshll.u32 s25, $0x1;
	[dreg:$0x2] =	wrdreg s6  }
0xae: {  	[dreg:$0x3] =	wrdreg s7  }
0xaf: {  	[dreg:$0x4] =	wrdreg $0xC0  }
0xb0: {  	_ =	task [dreg:s10], $0x5FFFF  }
0xb1: {  	[dreg:$0x1] =	wrdreg $0xFFFFFFFF  }
0xb2: {  	[dreg:$0x0] =	wrdreg $0x60  }
0xb3: {  	[dreg:$0x2] =	wrdreg s15  }
0xb4: {  	[dreg:$0x3] =	wrdreg s16  }
0xb5: {  	[dreg:$0x4] =	wrdreg s14  }
0xb6: {  	[dreg:$0x5] =	wrdreg s2  }
0xb7: {  	[dreg:$0x6] =	wrdreg s5  }
0xb8: {  	[dreg:$0x7] =	wrdreg s17  }
0xb9: {  	[dreg:$0x8] =	wrdreg $0x1FA000  }
0xba: {  	[dreg:$0x9] =	wrdreg $0x1EB000  }
0xbb: {  	[dreg:$0xa] =	wrdreg $0x1E3800  }
0xbc: {  	[dreg:$0xb] =	wrdreg $0x1E6000  }
0xbd: {  	[dreg:$0xc] =	wrdreg $0x1E8800  }
0xbe: {  	[dreg:$0xd] =	wrdreg $0x9  }
0xbf: {  	_ =	task.clear_ibuf [dreg:s10], $0xEFFFF;
	_ =	strace $0x90000046  }
0xc0: {  	s26 =	simm.s32 $0x9;
	_ =	strace $0x80000048  }
0xc1: {  	_ =	swait.ge [sflag:s26], $0x1  }
0xc2: {  	[sflag:s26] =	ssyncadd.s32 $0xFFFFFFFF  }
0xc3: {  	_ =	strace $0x90000048  }
0xc4: {  	_ =	sfence  }
0xc5: {  	s28 =	sld [smem:$0x0];
	_ =	sdelay $0x1  }
0xc6: {  	s29 =	srdreg.scid  }
0xc7: {  	s30 =	sshll.u32 s29, $0xD;
	s31 =	sshrl.u32 s29, $0x2  }
0xc8: {  	s1 =	sand.u32 $0x1, s29;
	s2 =	sand.u32 $0x4000, s30;
	s0 =	sadd.s32 s31, s28  }
0xc9: {  	s1 =	sor.u32 s2, s1;
	s0 =	sshll.u32 s0, $0x11  }
0xca: {  	s0 =	sor.u32 s0, s1  }
0xcb: {  	s0 =	sadd.s32 $0x8F2B, s0  }
0xcc: {  	[sflag:s0] =	ssyncadd.remote.s32 $0x1  }
0xcd: {  	_ =	sfence.sel $0xFFFF  }
0xce: {  	[dreg:$0x0] =	wrdreg $0xFFFFFFFF;
	(pc) =	sbr.abs _section_cstart, $3  }
0xcf: {  	[dreg:$0x1] =	wrdreg $0xFFFFFFFF  }
0xd0: {  	_ =	task.clear_ibuf [dreg:s10], $0x2FFFF;
	_ =	strace $0x9FFFFFFF  }
0xd1: {  	(tm) =	ssettm $0x7FFFFFFF  }
tec
execute0_lowered:
.L_overlay_start_1:
0x0: {  	(tag) =	ssettag $0x1  }
0x1: {  	s0 =	rddreg [dreg:$0x0]  }
0x2: {  	s5 =	rddreg [dreg:$0x1]  }
0x3: {  	s6 =	rddreg [dreg:$0x2]  }
0x4: {  	s3 =	rddreg [dreg:$0x3]  }
0x5: {  	s4 =	rddreg [dreg:$0x4]  }
0x6: {  	s7 =	rddreg [dreg:$0x5]  }
0x7: {  	s12 =	rddreg [dreg:$0x6]  }
0x8: {  	s13 =	rddreg [dreg:$0x7]  }
0x9: {  	s14 =	rddreg [dreg:$0x8]  }
0xa: {  	s15 =	rddreg [dreg:$0x9];
	s1 =	simm.s32 $0x0  }
0xb: {  	s11 =	stileid.u32;
	[smem:$0x7FF] =	sst s1  }
0xc: {  	s17 =	rddreg [dreg:$0xa];
	p0 =	seq.s32 s11, $0xF;
	_ =	strace $0x80000047  }
0xd: {  	s2 =	sadd.s32 @p0 $0xE10, s0;
	s8 =	simm.s32 @p0 $0x0;
	s9 =	simm.s32 @p0 $0x19780  }
0xe: {  	[tilespmem:s9], [sflag:$0x4] =	stream.linear.gather @p0 [hbm4b:s2+s8], $0x4B0, $0x38;
	[tilespmem:$0x1FC80] =	vst v63  }
0xf: {  	s2 =	simm.s32 @p0 $0x4  }
0x10: {  	_ =	swait.ge @p0 [sflag:s2], $0x4B0  }
0x11: {  	[sflag:s2] =	ssyncset.done @p0 $0x0  }
0x12: {  	s10 =	simm.s32 @p0 $0x1DE80;
	s9 =	sadd.s32 @p0 $0x4B0, s3;
	[sflag:s2] =	ssyncadd.s32 @p0 $0xFFFFFB50  }
0x13: {  	[tilespmem:s10], [sflag:$0x4] =	stream.linear.gather @p0 [hbm4b:s9+s8], $0x190, $0x38;
	[tilespmem:$0x1FC80] =	vst v63  }
0x14: {  	s9 =	smul.u32 $0xF0, s11;
	_ =	swait.ge @p0 [sflag:s2], $0x190  }
0x15: {  	s16 =	smul.u32 $0x4E20, s11;
	s8 =	simm.s32 @!p0 $0x0;
	[sflag:s2] =	ssyncset.done @p0 $0x0  }
0x16: {  	s0 =	sadd.s32 @!p0 s0, s9;
	[sflag:s2] =	ssyncadd.s32 @p0 $0xFFFFFE70;
	s2 =	simm.s32 @!p0 $0x19780  }
0x17: {  	[tilespmem:s2], [sflag:$0x4] =	stream.linear.gather @!p0 [hbm4b:s0+s8], $0x780, $0x38;
	[tilespmem:$0x1FC80] =	vst v63  }
0x18: {  	s2 =	smul.u32 $0x280, s11;
	s0 =	simm.s32 @!p0 $0x4  }
0x19: {  	s11 =	smul.u32 $0x1388, s11;
	_ =	swait.ge @!p0 [sflag:s0], $0x780  }
0x1a: {  	s10 =	sshrl.u32 @!p0 s2, $0x3;
	[sflag:s0] =	ssyncset.done @!p0 $0x0;
	s25 =	sadd.s32 $0x2800, s2  }
0x1b: {  	v0 =	vlaneseq.u32;
	s3 =	sadd.s32 @!p0 s3, s10;
	[sflag:s0] =	ssyncadd.s32 @!p0 $0xFFFFF880;
	s10 =	simm.s32 @!p0 $0x1DE80  }
0x1c: {  	v0 =	vmul.u32 $0x3, v0;
	[tilespmem:s10], [sflag:$0x4] =	stream.linear.gather @!p0 [hbm4b:s3+s8], $0x280, $0x38;
	[tilespmem:$0x1FC80] =	vst v63  }
0x1d: {  	s29 =	sadd.s32 $0x5000, s2;
	_ =	swait.ge @!p0 [sflag:s0], $0x280;
	[dreg:$0x10] =	wrdreg s25  }
0x1e: {  	s30 =	sadd.s32 $0x2800, s13;
	v2 =	vadd.s32 s1, v0;
	[dreg:$0x12] =	wrdreg s29  }
0x1f: {  	s31 =	sshrl.u32 s16, $0x3;
	s11 =	sadd.s32 s5, s11;
	[dreg:$0x13] =	wrdreg s30  }
0x20: {  	s9 =	sadd.s32 s4, s9;
	s10 =	sadd.s32 s6, s31;
	[dreg:$0x14] =	wrdreg s11  }
0x21: {  	s4 =	sadd.s32 $0xE10, s4;
	[dreg:$0x15] =	wrdreg s10;
	[sflag:s0] =	ssyncset.done @!p0 $0x0  }
0x22: {  	s3 =	simm.s32 $0x19780;
	[dreg:$0xc] =	wrdreg s9;
	[sflag:s0] =	ssyncadd.s32 @!p0 $0xFFFFFD80  }
0x23: {  	s28 =	sand.u32 $0x70, s1;
	v1 =	vadd.s32 $0x1, v0;
	s20 =	sadd.s32 $0x7800, s2;
	[dreg:$0xd] =	wrdreg s4;
	v2 =	vld.idx.msk [tilespmem:v2+s3+$0x0], $0xffff  }
0x24: {  	v3 =	vadd.s32 s1, v1;
	s26 =	sadd.s32 $0x0, s2;
	s22 =	sadd.s32 $0xA000, s2;
	[dreg:$0x18] =	wrdreg s20  }
0x25: {  	s8 =	sand.u32 $0x7F80, s26;
	s31 =	sadd.s32 $0xC800, s13;
	[dreg:$0x1a] =	wrdreg s22  }
0x26: {  	s8 =	sor.u32 s28, s8;
	s28 =	sadd.s32 $0xC800, s2;
	[dreg:$0x1f] =	wrdreg s31  }
0x27: {  	s29 =	sadd.s32 $0x7800, s13;
	[dreg:$0x1c] =	wrdreg s28  }
0x28: {  	s30 =	sadd.s32 $0xA000, s13;
	[dreg:$0x1d] =	wrdreg s29;
	[tilespmem:s8+$0x0] =	vst v2  }
0x29: {  	[dreg:$0x1e] =	wrdreg s30;
	s0 =	sadd.s32 s2, s12;
	s12 =	sadd.s32 s2, s13;
	v2 =	vadd.s32 $0x2, v0;
	v3 =	vld.idx.msk [tilespmem:v3+s3+$0x0], $0xffff  }
0x2a: {  	s24 =	sadd.s32 $0x2800, s12;
	[dreg:$0xe] =	wrdreg s12;
	v4 =	vadd.s32 s1, v2  }
0x2b: {  	s23 =	sadd.s32 s2, s14;
	s18 =	sadd.s32 $0x5000, s12;
	[dreg:$0xf] =	wrdreg s24  }
0x2c: {  	s25 =	sadd.s32 s2, s17;
	s19 =	sadd.s32 $0x7800, s12;
	[dreg:$0x11] =	wrdreg s18  }
0x2d: {  	s9 =	simm.s32 $0x30;
	s21 =	sadd.s32 $0xA000, s12;
	[dreg:$0x17] =	wrdreg s19  }
0x2e: {  	s4 =	simm.s32 $0x10;
	s26 =	sadd.s32 $0xC800, s12;
	[dreg:$0x19] =	wrdreg s21;
	[tilespmem:s8+$0x2800] =	vst v3  }
0x2f: {  	s11 =	simm.s32 $0x20;
	s18 =	sadd.s32 $0x5000, s13;
	[dreg:$0x1b] =	wrdreg s26;
	v3 =	vld.idx.msk [tilespmem:v4+s3+$0x0], $0xffff  }
0x30: {  	s10 =	simm.s32 $0x10;
	s24 =	sadd.s32 s2, s15;
	[dreg:$0x16] =	wrdreg s18;
	v4 =	vadd.s32 s9, v0  }
.LBB2_1:
0x31: {  	p1 =	sne.s32 s11, $0x270;
	_ =	sdelay $0x2  }
0x32: {  	[tilespmem:s8+$0x5000] =	vst v3  }
0x33: {  	v3 =	vld.idx.msk [tilespmem:v4+s3+$0x0], $0xffff;
	_ =	sdelay $0x1  }
0x34: {  	v4 =	vadd.s32 s9, v1  }
0x35: {  	s8 =	sadd.s32 s10, s2  }
0x36: {  	s12 =	sand.u32 $0x70, s10;
	s10 =	smov.u32 s11;
	s8 =	sand.u32 $0x7F80, s8  }
0x37: {  	s8 =	sor.u32 s12, s8  }
0x38: {  	[tilespmem:s8+$0x0] =	vst v3  }
0x39: {  	v3 =	vld.idx.msk [tilespmem:v4+s3+$0x0], $0xffff;
	_ =	sdelay $0x1  }
0x3a: {  	v4 =	vadd.s32 s9, v2;
	_ =	sdelay $0x2  }
.Ltmp0:
0x3b: {  	(pc) =	sbr.rel @p1 .LBB2_1-.Ltmp0, $4  }
0x3c: {  	[tilespmem:s8+$0x2800] =	vst v3  }
0x3d: {  	v3 =	vld.idx.msk [tilespmem:v4+s3+$0x0], $0xffff  }
0x3e: {  	s9 =	sadd.s32 $0x30, s9  }
0x3f: {  	s11 =	sadd.s32 $0x10, s11;
	v4 =	vadd.s32 s9, v0  }
0x40: {  	_ =	sdelay $0x2  }
0x41: {  	[tilespmem:s8+$0x5000] =	vst v3  }
0x42: {  	v0 =	vld.idx.msk [tilespmem:v4+s3+$0x0], $0xffff  }
0x43: {  	v1 =	vadd.s32 s9, v1  }
0x44: {  	s29 =	sadd.s32 s10, s2  }
0x45: {  	s30 =	sand.u32 $0x70, s10;
	s8 =	sand.u32 $0x7F80, s29  }
0x46: {  	s8 =	sor.u32 s30, s8  }
0x47: {  	[tilespmem:s8+$0x0] =	vst v0  }
0x48: {  	v0 =	vld.idx.msk [tilespmem:v1+s3+$0x0], $0xffff  }
0x49: {  	v1 =	vadd.s32 s9, v2;
	_ =	sdelay $0x3  }
0x4a: {  	[tilespmem:s8+$0x2800] =	vst v0  }
0x4b: {  	v0 =	vld.idx.msk [tilespmem:v1+s3+$0x0], $0xffff;
	_ =	sdelay $0x4  }
0x4c: {  	s31 =	simm.s32 $0x7800;
	[tilespmem:s8+$0x5000] =	vst v0;
	v0 =	vimm.f32 $0.0e+00  }
0x4d: {  	s3 =	simm.s32 $0xA000;
	[tilespmem:s31+$0x0] =	vst v0  }
0x4e: {  	v1 =	vlaneseq.u32;
	s8 =	simm.s32 $0xC800;
	[tilespmem:s3+$0x0] =	vst v0  }
0x4f: {  	s9 =	simm.s32 $0x1AF00;
	v2 =	vor.u32 s1, v1;
	[tilespmem:s8+$0x0] =	vst v0  }
0x50: {  	s1 =	simm.s32 $0x7810;
	[tilespmem:s9+$0x0] =	vst v2  }
.LBB2_3:
0x51: {  	[tilespmem:s1+$0x0] =	vst v0;
	p1 =	sne.s32 s4, $0x27F0  }
.Ltmp1:
0x52: {  	(pc) =	sbr.rel @p1 .LBB2_3-.Ltmp1, $4  }
0x53: {  	s3 =	sadd.s32 $0x10, s3  }
0x54: {  	s8 =	sadd.s32 $0x10, s8;
	[tilespmem:s3+$0x0] =	vst v0  }
0x55: {  	v2 =	vor.u32 s4, v1;
	s4 =	sadd.s32 $0x10, s4;
	s9 =	sadd.s32 $0x10, s9;
	[tilespmem:s8+$0x0] =	vst v0  }
0x56: {  	s1 =	sadd.s32 $0x10, s1;
	[tilespmem:s9+$0x0] =	vst v2  }
0x57: {  	v0 =	vimm.f32 $0.0e+00  }
0x58: {  	[tilespmem:$0x1E100] =	vst v0  }
0x59: {  	[tilespmem:$0x1E110] =	vst v0  }
0x5a: {  	[tilespmem:$0x1E120] =	vst v0  }
0x5b: {  	[tilespmem:$0x1E130] =	vst v0  }
0x5c: {  	[tilespmem:$0x1E140] =	vst v0  }
0x5d: {  	[tilespmem:$0x1E150] =	vst v0  }
0x5e: {  	[tilespmem:$0x1E160] =	vst v0  }
0x5f: {  	[tilespmem:$0x1E170] =	vst v0  }
0x60: {  	[tilespmem:$0x1E180] =	vst v0  }
0x61: {  	[tilespmem:$0x1E190] =	vst v0  }
0x62: {  	[tilespmem:$0x1E1A0] =	vst v0  }
0x63: {  	[tilespmem:$0x1E1B0] =	vst v0  }
0x64: {  	[tilespmem:$0x1E1C0] =	vst v0  }
0x65: {  	[tilespmem:$0x1E1D0] =	vst v0  }
0x66: {  	[tilespmem:$0x1E1E0] =	vst v0  }
0x67: {  	[tilespmem:$0x1E1F0] =	vst v0  }
0x68: {  	[tilespmem:$0x1E200] =	vst v0  }
0x69: {  	[tilespmem:$0x1E210] =	vst v0  }
0x6a: {  	[tilespmem:$0x1E220] =	vst v0  }
0x6b: {  	[tilespmem:$0x1E230] =	vst v0  }
0x6c: {  	[tilespmem:$0x1E240] =	vst v0  }
0x6d: {  	[tilespmem:$0x1E250] =	vst v0  }
0x6e: {  	[tilespmem:$0x1E260] =	vst v0  }
0x6f: {  	[tilespmem:$0x1E270] =	vst v0  }
0x70: {  	[tilespmem:$0x1E280] =	vst v0  }
0x71: {  	[tilespmem:$0x1E290] =	vst v0  }
0x72: {  	[tilespmem:$0x1E2A0] =	vst v0  }
0x73: {  	[tilespmem:$0x1E2B0] =	vst v0  }
0x74: {  	[tilespmem:$0x1E2C0] =	vst v0  }
0x75: {  	[tilespmem:$0x1E2D0] =	vst v0  }
0x76: {  	[tilespmem:$0x1E2E0] =	vst v0  }
0x77: {  	[tilespmem:$0x1E2F0] =	vst v0  }
0x78: {  	[tilespmem:$0x1E300] =	vst v0  }
0x79: {  	[tilespmem:$0x1E310] =	vst v0  }
0x7a: {  	[tilespmem:$0x1E320] =	vst v0  }
0x7b: {  	[tilespmem:$0x1E330] =	vst v0  }
0x7c: {  	[tilespmem:$0x1E340] =	vst v0  }
0x7d: {  	[tilespmem:$0x1E350] =	vst v0  }
0x7e: {  	[tilespmem:$0x1E360] =	vst v0  }
0x7f: {  	s1 =	simm.s32 $0x1E100;
	s15 =	simm.s32 $0x4;
	[tilespmem:$0x1E370] =	vst v0  }
0x80: {  	[spmem:s0] =	stream.linear.scatter [tilespmem:s1], [sflag:$0x4], $0x280, $0x38;
	[tilespmem:$0x1FC80] =	vst v63  }
0x81: {  	_ =	swait.ge [sflag:s15], $0x280  }
0x82: {  	[sflag:s15] =	ssyncset.done $0x0  }
0x83: {  	s17 =	rddreg [dreg:$0xe];
	[sflag:s15] =	ssyncadd.s32 $0xFFFFFD80  }
0x84: {  	[spmem:s17] =	stream.linear.scatter [tilespmem:s2], [sflag:$0x4], $0x280, $0x38;
	[tilespmem:$0x1FC80] =	vst v63  }
0x85: {  	_ =	swait.ge [sflag:s15], $0x280  }
0x86: {  	[sflag:s15] =	ssyncset.done $0x0;
	s18 =	rddreg [dreg:$0xf]  }
0x87: {  	s3 =	rddreg [dreg:$0x10];
	[sflag:s15] =	ssyncadd.s32 $0xFFFFFD80  }
0x88: {  	[spmem:s18] =	stream.linear.scatter [tilespmem:s3], [sflag:$0x4], $0x280, $0x38;
	[tilespmem:$0x1FC80] =	vst v63  }
0x89: {  	_ =	swait.ge [sflag:s15], $0x280  }
0x8a: {  	[sflag:s15] =	ssyncset.done $0x0;
	s19 =	rddreg [dreg:$0x11]  }
0x8b: {  	s20 =	rddreg [dreg:$0x12];
	[sflag:s15] =	ssyncadd.s32 $0xFFFFFD80  }
0x8c: {  	[spmem:s19] =	stream.linear.scatter [tilespmem:s20], [sflag:$0x4], $0x280, $0x38;
	[tilespmem:$0x1FC80] =	vst v63  }
0x8d: {  	_ =	swait.ge [sflag:s15], $0x280  }
0x8e: {  	[sflag:s15] =	ssyncset.done $0x0  }
0x8f: {  	[sflag:s15] =	ssyncadd.s32 $0xFFFFFD80  }
0x90: {  	[bflag:$0x0] =	sbarrier.arrive $0xFFFF  }
0x91: {  	s11 =	simm.s32 $0x0;
	s21 =	rddreg [dreg:$0x7]  }
0x92: {  	[tilespmem:s11], [sflag:$0x4] =	stream.linear.gather [spmem:s21], $0x2800, $0x38;
	[tilespmem:$0x1FC80] =	vst v63  }
0x93: {  	_ =	swait.ge [sflag:s15], $0x2800  }
0x94: {  	s12 =	simm.s32 $0x2800;
	[sflag:s15] =	ssyncset.done $0x0  }
0x95: {  	s9 =	simm.s32 $0x5000;
	s22 =	rddreg [dreg:$0x13];
	[sflag:s15] =	ssyncadd.s32 $0xFFFFD800  }
0x96: {  	[tilespmem:s12], [sflag:$0x4] =	stream.linear.gather [spmem:s22], $0x2800, $0x38;
	[tilespmem:$0x1FC80] =	vst v63  }
0x97: {  	s28 =	simm.s32 $0x11800;
	s29 =	simm.s32 $0x14000;
	_ =	swait.ge [sflag:s15], $0x2800  }
0x98: {  	s30 =	simm.s32 $0x16800;
	s31 =	simm.s32 $0x3;
	[sflag:s15] =	ssyncset.done $0x0  }
0x99: {  	s4 =	simm.s32 $0xC800;
	s26 =	rddreg [dreg:$0x16];
	[sflag:s15] =	ssyncadd.s32 $0xFFFFD800  }
0x9a: {  	v1 =	vlaneseq.u32;
	[tilespmem:s9], [sflag:$0x4] =	stream.linear.gather [spmem:s26], $0x2800, $0x38;
	[tilespmem:$0x1FC80] =	vst v63  }
0x9b: {  	s14 =	simm.s32 $0x5;
	v0 =	vmul.u32 $0x2, v1;
	v1 =	vmul.u32 $0x3, v1;
	s0 =	simm.s32 $0x7800;
	_ =	swait.ge [sflag:s15], $0x2800  }
0x9c: {  	s1 =	simm.s32 $0x19780;
	s17 =	simm.s32 $0x0;
	[sflag:s15] =	ssyncset.done $0x0  }
0x9d: {  	v2 =	vor.u32 $0x1, v0;
	v3 =	vadd.s32 $0x1, v1;
	v4 =	vadd.s32 $0x2, v1;
	s3 =	simm.s32 $0xA000;
	s26 =	simm.s32 $0xF000;
	[sflag:s15] =	ssyncadd.s32 $0xFFFFD800  }
.LBB2_5:
0x9e: {  	s8 =	simm.s32 $0x1E100  }
0x9f: {  	[spmem:s23] =	stream.linear.scatter [tilespmem:s8], [sflag:$0x3], $0x280, $0x38;
	[tilespmem:$0x1FC80] =	vst v63  }
0xa0: {  	_ = 	snop  }
0xa1: {  	[spmem:s24] =	stream.linear.scatter [tilespmem:s8], [sflag:$0x3], $0x280, $0x38;
	[tilespmem:$0x1FC80] =	vst v63  }
0xa2: {  	_ = 	snop  }
0xa3: {  	[spmem:s25] =	stream.linear.scatter [tilespmem:s8], [sflag:$0x3], $0x280, $0x38;
	[tilespmem:$0x1FC80] =	vst v63  }
0xa4: {  	s20 =	rddreg [dreg:$0x6]  }
0xa5: {  	[tilespmem:s26], [sflag:$0x3] =	stream.linear.gather [spmem:s20], $0x2800, $0x38;
	[tilespmem:$0x1FC80] =	vst v63  }
0xa6: {  	_ = 	snop  }
0xa7: {  	[tilespmem:s28], [sflag:$0x3] =	stream.linear.gather [spmem:s20], $0x2800, $0x38;
	[tilespmem:$0x1FC80] =	vst v63  }
0xa8: {  	_ = 	snop  }
0xa9: {  	[tilespmem:s29], [sflag:$0x3] =	stream.linear.gather [spmem:s20], $0x2800, $0x38;
	[tilespmem:$0x1FC80] =	vst v63  }
0xaa: {  	s21 =	rddreg [dreg:$0x14]  }
0xab: {  	[tilespmem:s30], [sflag:$0x1] =	stream.linear.gather [hbm4b:s21+s11], $0xFA0, $0x38;
	[tilespmem:$0x1FC80] =	vst v63  }
0xac: {  	s22 =	rddreg [dreg:$0x15];
	s10 =	simm.s32 $0x18780  }
0xad: {  	[tilespmem:s10], [sflag:$0x1] =	stream.linear.gather [hbm4b:s22+s11], $0x7D0, $0x38;
	[tilespmem:$0x1FC80] =	vst v63  }
0xae: {  	_ =	swait.ge [sflag:s31], $0x280  }
0xaf: {  	[sflag:s31] =	ssyncset.done $0x0  }
0xb0: {  	[sflag:s31] =	ssyncadd.s32 $0xFFFFFD80  }
0xb1: {  	_ =	swait.ge [sflag:s31], $0x280  }
0xb2: {  	[sflag:s31] =	ssyncset.done $0x0  }
0xb3: {  	[sflag:s31] =	ssyncadd.s32 $0xFFFFFD80  }
0xb4: {  	_ =	swait.ge [sflag:s31], $0x280  }
0xb5: {  	[sflag:s31] =	ssyncset.done $0x0  }
0xb6: {  	[sflag:s31] =	ssyncadd.s32 $0xFFFFFD80  }
0xb7: {  	_ =	swait.ge [sflag:s31], $0x2800  }
0xb8: {  	[sflag:s31] =	ssyncset.done $0x0  }
0xb9: {  	[sflag:s31] =	ssyncadd.s32 $0xFFFFD800  }
0xba: {  	_ =	swait.ge [sflag:s31], $0x2800  }
.Ltmp2:
0xbb: {  	[sflag:s31] =	ssyncset.done $0x0;
	(pc) =	sbr.rel .LBB2_6-.Ltmp2, $4  }
0xbc: {  	[sflag:s31] =	ssyncadd.s32 $0xFFFFD800  }
0xbd: {  	_ =	swait.ge [sflag:s31], $0x2800  }
0xbe: {  	[sflag:s31] =	ssyncset.done $0x0  }
0xbf: {  	p1 =	seq.s32 s17, $0x9;
	s18 =	simm.s32 $0x0;
	[sflag:s31] =	ssyncadd.s32 $0xFFFFD800  }
.LBB2_13:
0xc0: {  	s8 =	sadd.s32 @!p4 $0x1, s18;
	p3 =	por !p3, !p2  }
0xc1: {  	s18 =	sor.u32 @!p2 $0x1, s18;
	s8 =	simm.s32 @!p3 $0xA  }
0xc2: {  	s18 =	smov.u32 @p2 s8  }
0xc3: {  	p2 =	slt.u32 s18, $0xA  }
.Ltmp3:
0xc4: {  	_ = 	snop;
	(pc) =	sbr.rel @!p2 .LBB2_14-.Ltmp3, $1  }
0xc5: {  	_ =	sdelay $0x3  }
.LBB2_6:
0xc6: {  	s8 =	sand.u32 $0x1, s18  }
0xc7: {  	p2 =	seq.s32 s8, $0x1  }
0xc8: {  	s10 =	simm.s32 @p2 $0x2  }
0xc9: {  	_ =	swait.ge @p2 [sflag:s10], $0xFA0  }
0xca: {  	s13 =	smul.u32 $0x7D0, s18;
	[sflag:s10] =	ssyncset.done @p2 $0x0  }
0xcb: {  	p3 =	seq.s32 @p2 s18, $0x9;
	[sflag:s10] =	ssyncadd.s32 @p2 $0xFFFFF060  }
0xcc: {  	s21 =	sadd.s32 s16, s13;
	p4 =	por p3, !p2;
	_ =	swait.ge @p2 [sflag:s10], $0x7D0  }
0xcd: {  	s13 =	sadd.s32 @!p4 $0x7D0, s21;
	[sflag:s10] =	ssyncset.done @p2 $0x0  }
0xce: {  	[sflag:s10] =	ssyncadd.s32 @p2 $0xFFFFF830;
	s10 =	sshrl.u32 @!p4 s13, $0x2  }
0xcf: {  	s19 =	simm.s32 @!p4 $0x0;
	s20 =	simm.s32 @!p4 $0x16800;
	s10 =	sadd.s32 @!p4 s5, s10  }
0xd0: {  	[tilespmem:s20], [sflag:$0x1] =	stream.linear.gather @!p4 [hbm4b:s10+s19], $0xFA0, $0x38;
	[tilespmem:$0x1FC80] =	vst v63  }
0xd1: {  	s10 =	sshrl.u32 @!p4 s13, $0x3  }
0xd2: {  	s13 =	simm.s32 @!p4 $0x18780;
	s10 =	sadd.s32 @!p4 s6, s10  }
0xd3: {  	[tilespmem:s13], [sflag:$0x1] =	stream.linear.gather @!p4 [hbm4b:s10+s19], $0x7D0, $0x38;
	[tilespmem:$0x1FC80] =	vst v63  }
0xd4: {  	s10 =	simm.s32 @!p2 $0x1  }
0xd5: {  	_ =	swait.ge @!p2 [sflag:s10], $0xFA0  }
0xd6: {  	[sflag:s10] =	ssyncset.done @!p2 $0x0  }
0xd7: {  	[sflag:s10] =	ssyncadd.s32 @!p2 $0xFFFFF060  }
0xd8: {  	_ =	swait.ge @!p2 [sflag:s10], $0x7D0  }
0xd9: {  	s13 =	sadd.s32 @!p2 $0x7D0, s21;
	[sflag:s10] =	ssyncset.done @!p2 $0x0  }
0xda: {  	[sflag:s10] =	ssyncadd.s32 @!p2 $0xFFFFF830;
	s10 =	sshrl.u32 @!p2 s13, $0x2  }
0xdb: {  	s20 =	simm.s32 @!p2 $0x177A0;
	s19 =	simm.s32 @!p2 $0x0;
	s10 =	sadd.s32 @!p2 s5, s10  }
0xdc: {  	[tilespmem:s20], [sflag:$0x2] =	stream.linear.gather @!p2 [hbm4b:s10+s19], $0xFA0, $0x38;
	[tilespmem:$0x1FC80] =	vst v63  }
.Ltmp4:
0xdd: {  	s10 =	sshrl.u32 @!p2 s13, $0x3;
	(pc) =	sbr.rel @!p1 .LBB2_7-.Ltmp4, $4  }
0xde: {  	s22 =	smul.u32 $0x1F40, s8;
	s13 =	simm.s32 @!p2 $0x18F50;
	s10 =	sadd.s32 @!p2 s6, s10  }
0xdf: {  	[tilespmem:s13], [sflag:$0x2] =	stream.linear.gather @!p2 [hbm4b:s10+s19], $0x7D0, $0x38;
	[tilespmem:$0x1FC80] =	vst v63  }
0xe0: {  	s19 =	smul.u32 $0x7D0, s8  }
0xe1: {  	s10 =	smul.u32 $0xFA0, s8;
	s8 =	sshrl.u32 s22, $0x2  }
0xe2: {  	s13 =	sadd.s32 $0x187A0, s8  }
0xe3: {  	s22 =	simm.s32 $0xFFFFFFFC;
	s8 =	simm.s32 $0x0;
	s20 =	smov.u32 s10  }
.LBB2_11:
0xe4: {  	v5 =	vor.u32 s20, v0;
	_ =	sdelay $0x1  }
0xe5: {  	v6 =	vor.u32 s20, v2;
	_ =	sdelay $0x2  }
0xe6: {  	v12 =	vld.idx.msk [tilespmem:v5+s30+$0x0], $0xffff;
	_ =	sdelay $0x1  }
0xe7: {  	v11 =	vld.idx.msk [tilespmem:v6+s30+$0x0], $0xffff;
	_ =	sdelay $0x5  }
0xe8: {  	s15 =	sadd.s32 $0x20, s20;
	v6 =	vld.idx.msk [tilespmem:v12+s11+$0x0], $0xffff  }
0xe9: {  	v5 =	vor.u32 s15, v0;
	v7 =	vld.idx.msk [tilespmem:v12+s12+$0x0], $0xffff  }
0xea: {  	v13 =	vor.u32 s15, v2;
	v9 =	vld.idx.msk [tilespmem:v11+s11+$0x0], $0xffff  }
0xeb: {  	v14 =	vld.idx.msk [tilespmem:v11+s12+$0x0], $0xffff  }
0xec: {  	v8 =	vld.idx.msk [tilespmem:v12+s9+$0x0], $0xffff  }
0xed: {  	v15 =	vld.idx.msk [tilespmem:v11+s9+$0x0], $0xffff  }
0xee: {  	v10 =	vld.idx.msk [tilespmem:v5+s30+$0x0], $0xffff  }
0xef: {  	v5 =	vld.idx.msk [tilespmem:v13+s30+$0x0], $0xffff  }
0xf0: {  	v20 =	vsub.f32 v9, v6;
	v23 =	vsub.f32 v14, v7;
	_ =	sdelay $0x1  }
0xf1: {  	v24 =	vsub.f32 v15, v8;
	v6 =	vmul.f32 v20, v20;
	v7 =	vmul.f32 v23, v23;
	_ =	sdelay $0x1  }
0xf2: {  	v6 =	vadd.f32 v7, v6;
	v7 =	vmul.f32 v24, v24;
	_ =	sdelay $0x1  }
0xf3: {  	v47 =	vld.idx.msk [tilespmem:v10+s11+$0x0], $0xffff;
	v48 =	vadd.f32 v7, v6  }
0xf4: {  	v51 =	vld.idx.msk [tilespmem:v5+s12+$0x0], $0xffff  }
0xf5: {  	v7 =	vld.idx.msk [tilespmem:v5+s11+$0x0], $0xffff;
	v49 =	vshra.s32 v48, $0x1;
	v50 =	vmul.f32 $5.000000000e-01, v48  }
0xf6: {  	v6 =	vld.idx.msk [tilespmem:v10+s12+$0x0], $0xffff;
	v9 =	vsub.s32 $0x5F3759DF, v49  }
0xf7: {  	v16 =	vld.idx.msk [tilespmem:v10+s9+$0x0], $0xffff;
	v17 =	vmul.f32 v9, v50  }
0xf8: {  	v18 =	vld.idx.msk [tilespmem:v5+s9+$0x0], $0xffff  }
0xf9: {  	v17 =	vmul.f32 v9, v17  }
0xfa: {  	v22 =	vsub.f32 v7, v47  }
0xfb: {  	s15 =	sadd.s32 $0x40, s20;
	v21 =	vsub.f32 v51, v6;
	v6 =	vsub.f32 $1.500000000e+00, v17  }
0xfc: {  	v7 =	vor.u32 s15, v0;
	v8 =	vmul.f32 v22, v22  }
0xfd: {  	v19 =	vsub.f32 v18, v16;
	v15 =	vmul.f32 v21, v21;
	v52 =	vmul.f32 v9, v6  }
0xfe: {  	v54 =	vor.u32 s15, v2  }
0xff: {  	v53 =	vmul.f32 v19, v19;
	v6 =	vadd.f32 v15, v8;
	v55 =	vmul.f32 v52, v50;
	_ =	sdelay $0x1  }
0x100: {  	s15 =	sadd.s32 $0x60, s20;
	v9 =	vld.idx.msk [tilespmem:v7+s30+$0x0], $0xffff;
	v25 =	vadd.f32 v53, v6;
	v7 =	vmul.f32 v55, v52  }
0x101: {  	v60 =	vor.u32 s15, v0  }
0x102: {  	v6 =	vshra.s32 v25, $0x1;
	v26 =	vmul.f32 $5.000000000e-01, v25;
	v7 =	vsub.f32 $1.500000000e+00, v7  }
0x103: {  	v56 =	vsub.s32 $0x5F3759DF, v6;
	v6 =	vld.idx.msk [tilespmem:v54+s30+$0x0], $0xffff  }
0x104: {  	v57 =	vmul.f32 v56, v26;
	v7 =	vmul.f32 v7, v52;
	_ =	sdelay $0x1  }
0x105: {  	v15 =	vmul.f32 v56, v57;
	v14 =	vmul.f32 v7, v50  }
0x106: {  	v8 =	vld.idx.msk [tilespmem:v60+s30+$0x0], $0xffff  }
0x107: {  	v58 =	vld.idx.msk [tilespmem:v9+s11+$0x0], $0xffff;
	v15 =	vsub.f32 $1.500000000e+00, v15;
	v14 =	vmul.f32 v14, v7  }
0x108: {  	v29 =	vor.u32 s15, v2;
	v59 =	vld.idx.msk [tilespmem:v9+s12+$0x0], $0xffff  }
0x109: {  	v27 =	vld.idx.msk [tilespmem:v9+s9+$0x0], $0xffff;
	v15 =	vmul.f32 v56, v15;
	v61 =	vsub.f32 $1.500000000e+00, v14  }
0x10a: {  	v28 =	vld.idx.msk [tilespmem:v6+s11+$0x0], $0xffff  }
0x10b: {  	v30 =	vld.idx.msk [tilespmem:v6+s12+$0x0], $0xffff;
	v62 =	vmul.f32 v15, v26;
	v7 =	vmul.f32 v61, v7  }
0x10c: {  	v31 =	vld.idx.msk [tilespmem:v6+s9+$0x0], $0xffff  }
0x10d: {  	v14 =	vmul.f32 v62, v15;
	v32 =	vmul.f32 v7, v48;
	v7 =	vld.idx.msk [tilespmem:v29+s30+$0x0], $0xffff;
	_ =	sdelay $0x1  }
0x10e: {  	v14 =	vsub.f32 $1.500000000e+00, v14  }
0x10f: {  	v17 =	vsub.f32 v28, v58;
	v18 =	vsub.f32 v30, v59  }
0x110: {  	v43 =	vld [tilespmem:s13+$0xFFFFFFE0];
	v39 =	vmul.f32 v14, v15  }
0x111: {  	v35 =	vld.idx.msk [tilespmem:v12+s0+$0x0], $0xffff;
	v16 =	vsub.f32 v31, v27;
	v40 =	vmul.f32 v17, v17;
	v41 =	vmul.f32 v18, v18  }
0x112: {  	v45 =	vld.idx.msk [tilespmem:v8+s11+$0x0], $0xffff;
	v26 =	vmul.f32 v39, v26  }
0x113: {  	vm0 =	vgt.f32 v48, $1.000000000e-30;
	v46 =	vld.idx.msk [tilespmem:v8+s12+$0x0], $0xffff;
	v44 =	vmul.f32 v16, v16;
	v14 =	vadd.f32 v41, v40  }
0x114: {  	v63 =	vnsel vm0, $0x0, v32;
	v26 =	vmul.f32 v26, v39;
	v47 =	vld.idx.msk [tilespmem:v7+s11+$0x0], $0xffff  }
0x115: {  	v42 =	vadd.f32 $9.999999710e-10, v63;
	v27 =	vadd.f32 v44, v14;
	v33 =	vld.idx.msk [tilespmem:v7+s12+$0x0], $0xffff  }
0x116: {  	v50 =	vld.idx.msk [tilespmem:v8+s9+$0x0], $0xffff;
	v26 =	vsub.f32 $1.500000000e+00, v26  }
0x117: {  	(erf) = vrcp.f32 v42;
	v48 =	vshra.s32 v27, $0x1;
	v32 =	vmul.f32 $5.000000000e-01, v27;
	v34 =	vld.idx.msk [tilespmem:v7+s9+$0x0], $0xffff  }
0x118: {  	v37 =	vld.idx.msk [tilespmem:v12+s3+$0x0], $0xffff;
	v49 =	vsub.s32 $0x5F3759DF, v48;
	v13 =	vmul.f32 v26, v39  }
0x119: {  	v54 =	vld.idx.msk [tilespmem:v11+s3+$0x0], $0xffff;
	v51 =	vmul.f32 v49, v32  }
0x11a: {  	v52 =	vld.idx.msk [tilespmem:v11+s0+$0x0], $0xffff;
	v36 =	vmul.f32 v13, v25;
	v13 =	vsub.f32 v47, v45;
	v14 =	vsub.f32 v33, v46  }
0x11b: {  	v26 =	vmul.f32 v49, v51  }
0x11c: {  	v15 =	vsub.f32 v34, v50;
	v55 =	vmul.f32 v13, v13;
	v56 =	vmul.f32 v14, v14  }
0x11d: {  	(erf) = vrcp.f32 v43  }
0x11e: {  	v26 =	vsub.f32 $1.500000000e+00, v26;
	v59 =	vmul.f32 v15, v15;
	v31 =	vadd.f32 v56, v55  }
0x11f: {  	vm13 =	vgt.f32 v25, $1.000000000e-30;
	v61 =	vsub.f32 v54, v37;
	v58 =	vld.idx.msk [tilespmem:v11+s4+$0x0], $0xffff;
	v25 =	vsub.f32 v52, v35  }
0x120: {  	v39 =	vld.idx.msk [tilespmem:v12+s4+$0x0], $0xffff;
	v30 =	vnsel vm13, $0x0, v36;
	v53 =	vpop (erf);
	v26 =	vmul.f32 v49, v26;
	v31 =	vadd.f32 v59, v31  }
0x121: {  	v38 =	vmul.f32 v53, v20;
	v57 =	vadd.f32 $9.999999710e-10, v30;
	v23 =	vmul.f32 v53, v23  }
0x122: {  	v41 =	vmul.f32 v26, v32;
	v43 =	vshra.s32 v31, $0x1;
	v44 =	vmul.f32 $5.000000000e-01, v31  }
0x123: {  	v20 =	vmul.f32 v53, v24;
	(erf) = vrcp.f32 v57;
	v35 =	vsub.s32 $0x5F3759DF, v43  }
0x124: {  	v40 =	vld [tilespmem:s13+$0xFFFFFFF0];
	v62 =	vmul.f32 v41, v26;
	v47 =	vmul.f32 v35, v44  }
0x125: {  	v48 =	vld.idx.msk [tilespmem:v5+s3+$0x0], $0xffff;
	v29 =	vsub.f32 v58, v39;
	v25 =	vmul.f32 v38, v25;
	v28 =	vmul.f32 v23, v61  }
0x126: {  	v51 =	vld.idx.msk [tilespmem:v10+s4+$0x0], $0xffff;
	v60 =	vpop (erf);
	v33 =	vsub.f32 $1.500000000e+00, v62;
	v49 =	vmul.f32 v35, v47  }
0x127: {  	v52 =	vld.idx.msk [tilespmem:v5+s4+$0x0], $0xffff;
	v24 =	vmul.f32 v63, v60;
	v29 =	vmul.f32 v20, v29;
	v25 =	vadd.f32 v28, v25  }
0x128: {  	v45 =	vld.idx.msk [tilespmem:v10+s3+$0x0], $0xffff;
	v26 =	vmul.f32 v33, v26;
	v33 =	vsub.f32 $1.500000000e+00, v49  }
0x129: {  	v46 =	vld.idx.msk [tilespmem:v5+s0+$0x0], $0xffff;
	(erf) = vrcp.f32 v40;
	v24 =	vadd.f32 $-1.000000000e+00, v24;
	v25 =	vadd.f32 v25, v29  }
0x12a: {  	v63 =	vld.idx.msk [tilespmem:v10+s0+$0x0], $0xffff;
	v32 =	vmul.f32 v26, v32;
	v33 =	vmul.f32 v35, v33  }
0x12b: {  	v24 =	vmul.f32 $3.000000000e+04, v24;
	v25 =	vmul.f32 $1.000000000e+02, v25  }
0x12c: {  	v56 =	vsub.f32 v52, v51;
	v50 =	vpop (erf);
	v32 =	vmul.f32 v32, v26;
	v35 =	vmul.f32 v33, v44  }
0x12d: {  	v28 =	vsub.f32 v48, v45;
	v25 =	vadd.f32 v25, v24;
	v22 =	vmul.f32 v50, v22  }
0x12e: {  	v21 =	vmul.f32 v50, v21;
	v32 =	vsub.f32 $1.500000000e+00, v32;
	v54 =	vmul.f32 v35, v33  }
0x12f: {  	v52 =	vld [tilespmem:s13+$0x10];
	v34 =	vsub.f32 v46, v63;
	v19 =	vmul.f32 v50, v19;
	v55 =	vmul.f32 v25, v38  }
0x130: {  	v40 =	vld.idx.msk [tilespmem:v9+s0+$0x0], $0xffff;
	v57 =	vmul.f32 v25, v23;
	v26 =	vmul.f32 v32, v26;
	v58 =	vsub.f32 $1.500000000e+00, v54  }
0x131: {  	v48 =	vld.idx.msk [tilespmem:v9+s4+$0x0], $0xffff;
	v34 =	vmul.f32 v22, v34;
	v28 =	vmul.f32 v21, v28  }
0x132: {  	vm14 =	vgt.f32 v27, $1.000000000e-30;
	v63 =	vld [tilespmem:s13+$0x0];
	v53 =	vpop (erf);
	v26 =	vmul.f32 v26, v27;
	v27 =	vmul.f32 v58, v33  }
0x133: {  	v25 =	vmul.f32 v25, v20;
	v29 =	vmul.f32 v30, v53;
	[tilespmem:v12+s26+$0x0] =	vst.idx.add.f32.msk $0xffff, v55  }
0x134: {  	v43 =	vld.idx.msk [tilespmem:v6+s0+$0x0], $0xffff;
	v60 =	vmul.f32 v19, v56;
	v28 =	vadd.f32 v28, v34;
	v33 =	vmul.f32 v27, v44  }
0x135: {  	v59 =	vsub.f32 $0.0e+00, v55;
	v62 =	vsub.f32 $0.0e+00, v57;
	[tilespmem:v12+s28+$0x0] =	vst.idx.add.f32.msk $0xffff, v57;
	v26 =	vnsel vm14, $0x0, v26  }
0x136: {  	[tilespmem:v12+s29+$0x0] =	vst.idx.add.f32.msk $0xffff, v25;
	v28 =	vadd.f32 v28, v60;
	v61 =	vadd.f32 $9.999999710e-10, v26;
	v37 =	vmul.f32 v33, v27  }
0x137: {  	v39 =	vmov s8;
	v29 =	vadd.f32 $-1.000000000e+00, v29;
	v25 =	vsub.f32 $0.0e+00, v25;
	[tilespmem:v11+s26+$0x0] =	vst.idx.add.f32.msk $0xffff, v59  }
0x138: {  	[tilespmem:v11+s28+$0x0] =	vst.idx.add.f32.msk $0xffff, v62;
	v36 =	vmul.f32 $1.000000000e+02, v28;
	(erf) = vrcp.f32 v61;
	v28 =	vsub.f32 $1.500000000e+00, v37  }
0x139: {  	v29 =	vmul.f32 $3.000000000e+04, v29;
	[tilespmem:v11+s29+$0x0] =	vst.idx.add.f32.msk $0xffff, v25;
	v11 =	vmul.u32 $0x3, v39  }
0x13a: {  	v41 =	vld.idx.msk [tilespmem:v9+s3+$0x0], $0xffff;
	v45 =	vmul.f32 v38, v24;
	v27 =	vmul.f32 v28, v27  }
0x13b: {  	v49 =	vld.idx.msk [tilespmem:v6+s4+$0x0], $0xffff;
	v20 =	vmul.f32 v20, v24;
	v11 =	vbroadcast v11, $0x0;
	v12 =	vadd.f32 v36, v29  }
0x13c: {  	vm15 =	vgt.f32 v31, $1.000000000e-30;
	v57 =	vld.idx.msk [tilespmem:v8+s0+$0x0], $0xffff;
	(erf) = vrcp.f32 v63;
	v27 =	vmul.f32 v27, v31  }
0x13d: {  	v53 =	vmul.f32 v23, v24;
	v25 =	vsub.f32 v43, v40;
	v42 =	vmul.f32 v12, v22;
	v44 =	vld.idx.msk [tilespmem:v6+s3+$0x0], $0xffff  }
0x13e: {  	v62 =	vld.idx.msk [tilespmem:v7+s3+$0x0], $0xffff;
	v51 =	vor.u32 v1, v11;
	v46 =	vmul.f32 v12, v21;
	v27 =	vnsel vm15, $0x0, v27  }
0x13f: {  	s15 =	sadd.s32 $0x10, s8;
	v54 =	vor.u32 v3, v11;
	v12 =	vmul.f32 v12, v19;
	[tilespmem:v10+s26+$0x0] =	vst.idx.add.f32.msk $0xffff, v42;
	v50 =	vadd.f32 $9.999999710e-10, v27  }
0x140: {  	v56 =	vmov s15;
	v11 =	vor.u32 v4, v11;
	v22 =	vmul.f32 v22, v29;
	[tilespmem:v10+s28+$0x0] =	vst.idx.add.f32.msk $0xffff, v46  }
0x141: {  	v21 =	vmul.f32 v21, v29;
	v32 =	vsub.f32 $0.0e+00, v42;
	[tilespmem:v10+s29+$0x0] =	vst.idx.add.f32.msk $0xffff, v12;
	v47 =	vpop (erf);
	(erf) = vrcp.f32 v50  }
0x142: {  	v58 =	vld.idx.msk [tilespmem:v8+s3+$0x0], $0xffff;
	v28 =	vsub.f32 v44, v41;
	v17 =	vmul.f32 v47, v17;
	v18 =	vmul.f32 v47, v18  }
0x143: {  	v19 =	vmul.f32 v19, v29;
	[tilespmem:v5+s26+$0x0] =	vst.idx.add.f32.msk $0xffff, v32;
	v32 =	vmul.u32 $0x3, v56;
	v16 =	vmul.f32 v47, v16  }
0x144: {  	v60 =	vld.idx.msk [tilespmem:v7+s0+$0x0], $0xffff;
	v31 =	vsub.f32 v49, v48;
	v25 =	vmul.f32 v17, v25;
	v28 =	vmul.f32 v18, v28  }
0x145: {  	v35 =	vld.idx.msk [tilespmem:v8+s4+$0x0], $0xffff;
	v59 =	vsub.f32 $0.0e+00, v46;
	[tilespmem:v51+s1+$0x0] =	vst.idx.msk $0xffff, v45;
	v61 =	vbroadcast v32, $0x0;
	v55 =	vpop (erf);
	(erf) = vrcp.f32 v52  }
0x146: {  	v39 =	vld.idx.msk [tilespmem:v7+s4+$0x0], $0xffff;
	v26 =	vmul.f32 v26, v55;
	v31 =	vmul.f32 v16, v31;
	v25 =	vadd.f32 v28, v25  }
0x147: {  	v36 =	vsub.f32 $0.0e+00, v12;
	v23 =	vsub.f32 v62, v58;
	[tilespmem:v54+s1+$0x0] =	vst.idx.msk $0xffff, v53;
	v34 =	vadd.s32 v1, v61  }
0x148: {  	s15 =	sadd.s32 $0x20, s8;
	[tilespmem:v5+s28+$0x0] =	vst.idx.add.f32.msk $0xffff, v59;
	v40 =	vadd.s32 v3, v61;
	v63 =	vadd.f32 $-1.000000000e+00, v26;
	v25 =	vadd.f32 v25, v31  }
0x149: {  	v41 =	vsub.f32 v60, v57;
	[tilespmem:v5+s29+$0x0] =	vst.idx.add.f32.msk $0xffff, v36;
	v5 =	vmov s15;
	v10 =	vadd.s32 v4, v61  }
0x14a: {  	[tilespmem:v11+s1+$0x0] =	vst.idx.msk $0xffff, v20;
	v5 =	vmul.u32 $0x3, v5;
	v37 =	vmul.f32 $3.000000000e+04, v63;
	v38 =	vmul.f32 $1.000000000e+02, v25;
	v42 =	vpop (erf)  }
0x14b: {  	v47 =	vsub.f32 v39, v35;
	v43 =	vmul.f32 v42, v13;
	v44 =	vmul.f32 v42, v14  }
0x14c: {  	v5 =	vbroadcast v5, $0x0;
	[tilespmem:v34+s1+$0x0] =	vst.idx.msk $0xffff, v22;
	v20 =	vadd.f32 v38, v37;
	v45 =	vmul.f32 v42, v15  }
0x14d: {  	[tilespmem:v40+s1+$0x0] =	vst.idx.msk $0xffff, v21;
	v49 =	vmul.f32 v43, v41;
	v23 =	vmul.f32 v44, v23  }
0x14e: {  	[tilespmem:v10+s1+$0x0] =	vst.idx.msk $0xffff, v19;
	v46 =	vmul.f32 v20, v17;
	v51 =	vmul.f32 v20, v18;
	v48 =	vpop (erf)  }
0x14f: {  	v50 =	vmul.f32 v27, v48;
	v53 =	vmul.f32 v45, v47;
	v52 =	vadd.f32 v23, v49  }
0x150: {  	v20 =	vmul.f32 v20, v16;
	[tilespmem:v9+s26+$0x0] =	vst.idx.add.f32.msk $0xffff, v46;
	v15 =	vsub.f32 $0.0e+00, v46  }
0x151: {  	v54 =	vadd.s32 v1, v5;
	[tilespmem:v9+s28+$0x0] =	vst.idx.add.f32.msk $0xffff, v51;
	v21 =	vadd.f32 $-1.000000000e+00, v50;
	v10 =	vadd.f32 v52, v53  }
0x152: {  	v56 =	vadd.s32 v3, v5;
	v5 =	vadd.s32 v4, v5;
	v55 =	vsub.f32 $0.0e+00, v51;
	[tilespmem:v9+s29+$0x0] =	vst.idx.add.f32.msk $0xffff, v20  }
0x153: {  	v20 =	vsub.f32 $0.0e+00, v20;
	[tilespmem:v6+s26+$0x0] =	vst.idx.add.f32.msk $0xffff, v15;
	v57 =	vmul.f32 $3.000000000e+04, v21;
	v10 =	vmul.f32 $1.000000000e+02, v10  }
0x154: {  	s15 =	sadd.s32 $0x30, s8;
	v58 =	vmul.f32 v17, v37;
	[tilespmem:v6+s28+$0x0] =	vst.idx.add.f32.msk $0xffff, v55  }
0x155: {  	v59 =	vmov s15;
	[tilespmem:v6+s29+$0x0] =	vst.idx.add.f32.msk $0xffff, v20;
	v6 =	vmul.f32 v18, v37;
	v10 =	vadd.f32 v10, v57  }
0x156: {  	v61 =	vmul.u32 $0x3, v59;
	v60 =	vmul.f32 v16, v37;
	[tilespmem:v54+s1+$0x0] =	vst.idx.msk $0xffff, v58  }
0x157: {  	[tilespmem:v56+s1+$0x0] =	vst.idx.msk $0xffff, v6;
	v6 =	vmul.f32 v10, v43  }
0x158: {  	v62 =	vbroadcast v61, $0x0;
	[tilespmem:v5+s1+$0x0] =	vst.idx.msk $0xffff, v60;
	v5 =	vmul.f32 v10, v44  }
0x159: {  	v10 =	vmul.f32 v10, v45;
	[tilespmem:v8+s26+$0x0] =	vst.idx.add.f32.msk $0xffff, v6  }
0x15a: {  	v12 =	vadd.s32 v1, v62;
	v6 =	vsub.f32 $0.0e+00, v6;
	[tilespmem:v8+s28+$0x0] =	vst.idx.add.f32.msk $0xffff, v5  }
0x15b: {  	s22 =	sadd.s32 $0x4, s22;
	v63 =	vadd.s32 v3, v62;
	v5 =	vsub.f32 $0.0e+00, v5;
	[tilespmem:v8+s29+$0x0] =	vst.idx.add.f32.msk $0xffff, v10  }
0x15c: {  	p5 =	slt.u32 s22, $0x78;
	v9 =	vadd.s32 v4, v62;
	[tilespmem:v7+s26+$0x0] =	vst.idx.add.f32.msk $0xffff, v6;
	v6 =	vsub.f32 $0.0e+00, v10  }
.Ltmp5:
0x15d: {  	[tilespmem:v7+s28+$0x0] =	vst.idx.add.f32.msk $0xffff, v5;
	v5 =	vmul.f32 v43, v57;
	(pc) =	sbr.rel @p5 .LBB2_11-.Ltmp5, $4  }
0x15e: {  	[tilespmem:v7+s29+$0x0] =	vst.idx.add.f32.msk $0xffff, v6;
	v6 =	vmul.f32 v44, v57  }
0x15f: {  	[tilespmem:v12+s1+$0x0] =	vst.idx.msk $0xffff, v5;
	v5 =	vmul.f32 v45, v57  }
0x160: {  	[tilespmem:v63+s1+$0x0] =	vst.idx.msk $0xffff, v6  }
0x161: {  	s20 =	sadd.s32 $0x80, s20;
	s13 =	sadd.s32 $0x40, s13;
	s8 =	sadd.s32 $0x40, s8;
	[tilespmem:v9+s1+$0x0] =	vst.idx.msk $0xffff, v5  }
0x162: {  	s8 =	sadd.s32 $0xF80, s10  }
0x163: {  	v5 =	vor.u32 s8, v0;
	_ =	sdelay $0x1  }
0x164: {  	v6 =	vor.u32 s8, v2;
	_ =	sdelay $0x2  }
0x165: {  	v5 =	vld.idx.msk [tilespmem:v5+s30+$0x0], $0xffff;
	_ =	sdelay $0x1  }
0x166: {  	v6 =	vld.idx.msk [tilespmem:v6+s30+$0x0], $0xffff;
	_ =	sdelay $0x5  }
0x167: {  	v7 =	vld.idx.msk [tilespmem:v5+s11+$0x0], $0xffff  }
0x168: {  	v8 =	vld.idx.msk [tilespmem:v5+s12+$0x0], $0xffff  }
0x169: {  	v9 =	vld.idx.msk [tilespmem:v6+s11+$0x0], $0xffff  }
0x16a: {  	v10 =	vld.idx.msk [tilespmem:v6+s12+$0x0], $0xffff  }
0x16b: {  	v11 =	vld.idx.msk [tilespmem:v5+s9+$0x0], $0xffff  }
0x16c: {  	v12 =	vld.idx.msk [tilespmem:v6+s9+$0x0], $0xffff;
	_ =	sdelay $0x2  }
0x16d: {  	v7 =	vsub.f32 v9, v7;
	v8 =	vsub.f32 v10, v8;
	_ =	sdelay $0x1  }
0x16e: {  	v46 =	vsub.f32 v12, v11;
	v47 =	vmul.f32 v7, v7;
	v48 =	vmul.f32 v8, v8;
	_ =	sdelay $0x1  }
0x16f: {  	v49 =	vmul.f32 v46, v46;
	v10 =	vadd.f32 v48, v47;
	_ =	sdelay $0x1  }
0x170: {  	v10 =	vadd.f32 v49, v10;
	_ =	sdelay $0x1  }
0x171: {  	v11 =	vshra.s32 v10, $0x1;
	v50 =	vmul.f32 $5.000000000e-01, v10  }
0x172: {  	v11 =	vsub.s32 $0x5F3759DF, v11  }
0x173: {  	v13 =	vmul.f32 v11, v50;
	_ =	sdelay $0x1  }
0x174: {  	v13 =	vmul.f32 v11, v13;
	_ =	sdelay $0x1  }
0x175: {  	v13 =	vsub.f32 $1.500000000e+00, v13;
	_ =	sdelay $0x1  }
0x176: {  	v11 =	vmul.f32 v11, v13;
	_ =	sdelay $0x1  }
0x177: {  	v13 =	vmul.f32 v11, v50;
	_ =	sdelay $0x1  }
0x178: {  	v13 =	vmul.f32 v13, v11;
	_ =	sdelay $0x1  }
0x179: {  	v13 =	vsub.f32 $1.500000000e+00, v13;
	_ =	sdelay $0x1  }
0x17a: {  	v11 =	vmul.f32 v13, v11;
	_ =	sdelay $0x1  }
0x17b: {  	v12 =	vmul.f32 v11, v50;
	_ =	sdelay $0x1  }
0x17c: {  	v12 =	vmul.f32 v12, v11;
	_ =	sdelay $0x1  }
0x17d: {  	v12 =	vsub.f32 $1.500000000e+00, v12;
	_ =	sdelay $0x1  }
0x17e: {  	v11 =	vmul.f32 v12, v11;
	_ =	sdelay $0x1  }
0x17f: {  	v11 =	vmul.f32 v11, v10  }
0x180: {  	vm0 =	vgt.f32 v10, $1.000000000e-30  }
0x181: {  	v10 =	vnsel vm0, $0x0, v11  }
0x182: {  	v11 =	vadd.f32 $9.999999710e-10, v10  }
0x183: {  	v51 =	vld [tilespmem:s19+$0x18F40]  }
0x184: {  	(erf) = vrcp.f32 v11;
	_ =	sdelay $0x1  }
0x185: {  	v52 =	vld.idx.msk [tilespmem:v5+s0+$0x0], $0xffff  }
0x186: {  	v53 =	vld.idx.msk [tilespmem:v5+s3+$0x0], $0xffff  }
0x187: {  	v14 =	vld.idx.msk [tilespmem:v6+s3+$0x0], $0xffff;
	(erf) = vrcp.f32 v51  }
0x188: {  	v54 =	vld.idx.msk [tilespmem:v6+s0+$0x0], $0xffff  }
0x189: {  	v15 =	vld.idx.msk [tilespmem:v5+s4+$0x0], $0xffff  }
0x18a: {  	v16 =	vld.idx.msk [tilespmem:v6+s4+$0x0], $0xffff;
	_ =	sdelay $0x1  }
0x18b: {  	v55 =	vsub.f32 v14, v53;
	v17 =	vpop (erf)  }
0x18c: {  	v11 =	vsub.f32 v54, v52;
	v7 =	vmul.f32 v17, v7;
	v8 =	vmul.f32 v17, v8  }
0x18d: {  	v9 =	vmul.f32 v17, v46  }
0x18e: {  	v56 =	vsub.f32 v16, v15;
	v11 =	vmul.f32 v7, v11;
	v12 =	vmul.f32 v8, v55  }
0x18f: {  	v57 =	vpop (erf)  }
0x190: {  	v10 =	vmul.f32 v10, v57;
	v58 =	vmul.f32 v9, v56;
	v11 =	vadd.f32 v12, v11;
	_ =	sdelay $0x1  }
0x191: {  	v10 =	vadd.f32 $-1.000000000e+00, v10;
	v11 =	vadd.f32 v11, v58;
	_ =	sdelay $0x1  }
0x192: {  	v10 =	vmul.f32 $3.000000000e+04, v10;
	v11 =	vmul.f32 $1.000000000e+02, v11;
	_ =	sdelay $0x1  }
0x193: {  	v11 =	vadd.f32 v11, v10;
	_ =	sdelay $0x1  }
0x194: {  	v59 =	vmul.f32 v11, v7  }
0x195: {  	v60 =	vmul.f32 v11, v8  }
0x196: {  	v11 =	vmul.f32 v11, v9;
	[tilespmem:v5+s26+$0x0] =	vst.idx.add.f32.msk $0xffff, v59  }
0x197: {  	v61 =	vor.u32 $0x1740, v1;
	v12 =	vsub.f32 $0.0e+00, v59;
	[tilespmem:v5+s28+$0x0] =	vst.idx.add.f32.msk $0xffff, v60  }
0x198: {  	v62 =	vadd.s32 $0x1741, v1;
	[tilespmem:v5+s29+$0x0] =	vst.idx.add.f32.msk $0xffff, v11;
	v5 =	vsub.f32 $0.0e+00, v60  }
0x199: {  	v63 =	vadd.s32 $0x1742, v1;
	v11 =	vsub.f32 $0.0e+00, v11;
	[tilespmem:v6+s26+$0x0] =	vst.idx.add.f32.msk $0xffff, v12  }
0x19a: {  	[tilespmem:v6+s28+$0x0] =	vst.idx.add.f32.msk $0xffff, v5;
	v5 =	vmul.f32 v7, v10  }
0x19b: {  	s22 =	smul.u32 $0x3, s21;
	[tilespmem:v6+s29+$0x0] =	vst.idx.add.f32.msk $0xffff, v11;
	v6 =	vmul.f32 v8, v10  }
0x19c: {  	[tilespmem:v61+s1+$0x0] =	vst.idx.msk $0xffff, v5;
	v5 =	vmul.f32 v9, v10  }
0x19d: {  	s8 =	sshrl.u32 s22, $0x3;
	[tilespmem:v62+s1+$0x0] =	vst.idx.msk $0xffff, v6  }
.Ltmp6:
0x19e: {  	s8 =	sadd.s32 s7, s8;
	[tilespmem:v63+s1+$0x0] =	vst.idx.msk $0xffff, v5;
	(pc) =	sbr.rel .LBB2_13-.Ltmp6, $4  }
0x19f: {  	[hbm4b:s8+s11] =	stream.linear.scatter [tilespmem:s1], [sflag:$0x5], $0x1770, $0x38;
	[tilespmem:$0x1FC80] =	vst v63  }
0x1a0: {  	_ =	swait.ge [sflag:s14], $0x1770  }
0x1a1: {  	[sflag:s14] =	ssyncset.done $0x0  }
0x1a2: {  	[sflag:s14] =	ssyncadd.s32 $0xFFFFE890  }
.LBB2_7:
0x1a3: {  	_ = 	snop  }
0x1a4: {  	s13 =	sadd.s32 $0x20, s10  }
0x1a5: {  	v5 =	vor.u32 s13, v2;
	_ =	sdelay $0x1  }
0x1a6: {  	v6 =	vor.u32 s13, v0;
	_ =	sdelay $0x2  }
0x1a7: {  	s21 =	sadd.s32 $0x60, s10;
	v5 =	vld.idx.msk [tilespmem:v5+s30+$0x0], $0xffff  }
0x1a8: {  	v8 =	vor.u32 s21, v0  }
0x1a9: {  	v7 =	vld.idx.msk [tilespmem:v6+s30+$0x0], $0xffff;
	v6 =	vor.u32 s21, v2;
	_ =	sdelay $0x3  }
0x1aa: {  	v12 =	vld.idx.msk [tilespmem:v8+s30+$0x0], $0xffff  }
0x1ab: {  	v10 =	vld.idx.msk [tilespmem:v6+s30+$0x0], $0xffff  }
0x1ac: {  	v6 =	vld.idx.msk [tilespmem:v5+s12+$0x0], $0xffff  }
0x1ad: {  	v9 =	vld.idx.msk [tilespmem:v5+s11+$0x0], $0xffff  }
0x1ae: {  	v11 =	vld.idx.msk [tilespmem:v7+s12+$0x0], $0xffff  }
0x1af: {  	v13 =	vld.idx.msk [tilespmem:v7+s11+$0x0], $0xffff  }
0x1b0: {  	v14 =	vld.idx.msk [tilespmem:v5+s9+$0x0], $0xffff  }
0x1b1: {  	v15 =	vld.idx.msk [tilespmem:v7+s9+$0x0], $0xffff;
	_ =	sdelay $0x2  }
0x1b2: {  	v24 =	vsub.f32 v6, v11;
	v31 =	vsub.f32 v9, v13;
	_ =	sdelay $0x1  }
0x1b3: {  	v26 =	vsub.f32 v14, v15;
	v6 =	vmul.f32 v24, v24;
	v8 =	vmul.f32 v31, v31  }
0x1b4: {  	v20 =	vld.idx.msk [tilespmem:v12+s9+$0x0], $0xffff  }
0x1b5: {  	v11 =	vld.idx.msk [tilespmem:v10+s12+$0x0], $0xffff;
	v6 =	vadd.f32 v6, v8;
	v8 =	vmul.f32 v26, v26  }
0x1b6: {  	s22 =	sadd.s32 $0x40, s10;
	v13 =	vld.idx.msk [tilespmem:v12+s12+$0x0], $0xffff  }
0x1b7: {  	v9 =	vor.u32 s22, v0;
	v14 =	vld.idx.msk [tilespmem:v10+s11+$0x0], $0xffff;
	v21 =	vadd.f32 v8, v6  }
0x1b8: {  	v8 =	vld.idx.msk [tilespmem:v12+s11+$0x0], $0xffff  }
0x1b9: {  	v23 =	vor.u32 s10, v2;
	v22 =	vld.idx.msk [tilespmem:v10+s9+$0x0], $0xffff;
	v15 =	vshra.s32 v21, $0x1;
	v16 =	vmul.f32 $5.000000000e-01, v21  }
0x1ba: {  	v18 =	vor.u32 s10, v0;
	v15 =	vsub.s32 $0x5F3759DF, v15  }
0x1bb: {  	v17 =	vmul.f32 v15, v16  }
0x1bc: {  	v9 =	vld.idx.msk [tilespmem:v9+s30+$0x0], $0xffff;
	v6 =	vor.u32 s22, v2  }
0x1bd: {  	v19 =	vsub.f32 v14, v8;
	v25 =	vmul.f32 v15, v17;
	v17 =	vsub.f32 v11, v13  }
0x1be: {  	v20 =	vsub.f32 v22, v20;
	v8 =	vld.idx.msk [tilespmem:v23+s30+$0x0], $0xffff  }
0x1bf: {  	v11 =	vld.idx.msk [tilespmem:v18+s30+$0x0], $0xffff;
	v18 =	vmul.f32 v19, v19;
	v13 =	vsub.f32 $1.500000000e+00, v25;
	v14 =	vmul.f32 v17, v17;
	_ =	sdelay $0x1  }
0x1c0: {  	v6 =	vld.idx.msk [tilespmem:v6+s30+$0x0], $0xffff;
	v13 =	vmul.f32 v15, v13;
	v14 =	vadd.f32 v14, v18;
	v15 =	vmul.f32 v20, v20;
	_ =	sdelay $0x1  }
0x1c1: {  	v18 =	vmul.f32 v13, v16;
	v32 =	vadd.f32 v15, v14  }
0x1c2: {  	v22 =	vld.idx.msk [tilespmem:v9+s12+$0x0], $0xffff  }
0x1c3: {  	v50 =	vld.idx.msk [tilespmem:v9+s9+$0x0], $0xffff;
	v15 =	vmul.f32 v18, v13;
	v23 =	vshra.s32 v32, $0x1;
	v25 =	vmul.f32 $5.000000000e-01, v32  }
0x1c4: {  	v14 =	vld.idx.msk [tilespmem:v9+s11+$0x0], $0xffff;
	v23 =	vsub.s32 $0x5F3759DF, v23  }
0x1c5: {  	v30 =	vld.idx.msk [tilespmem:v8+s9+$0x0], $0xffff;
	v15 =	vsub.f32 $1.500000000e+00, v15;
	v29 =	vmul.f32 v23, v25  }
0x1c6: {  	v34 =	vld.idx.msk [tilespmem:v8+s12+$0x0], $0xffff  }
0x1c7: {  	v18 =	vld.idx.msk [tilespmem:v6+s11+$0x0], $0xffff;
	v33 =	vmul.f32 v15, v13;
	v13 =	vmul.f32 v23, v29  }
0x1c8: {  	v28 =	vld.idx.msk [tilespmem:v11+s9+$0x0], $0xffff  }
0x1c9: {  	v27 =	vld.idx.msk [tilespmem:v11+s11+$0x0], $0xffff;
	v15 =	vmul.f32 v33, v16;
	v35 =	vsub.f32 $1.500000000e+00, v13  }
0x1ca: {  	v36 =	vld.idx.msk [tilespmem:v11+s12+$0x0], $0xffff  }
0x1cb: {  	s21 =	sadd.s32 $0x187A0, s8;
	v16 =	vld.idx.msk [tilespmem:v8+s11+$0x0], $0xffff;
	v15 =	vmul.f32 v15, v33;
	v23 =	vmul.f32 v23, v35  }
0x1cc: {  	v29 =	vld [tilespmem:s21+$0xFFFFFFF0];
	v13 =	vsub.f32 v18, v14  }
0x1cd: {  	v37 =	vld.idx.msk [tilespmem:v6+s12+$0x0], $0xffff;
	v14 =	vsub.f32 $1.500000000e+00, v15;
	v15 =	vsub.f32 v30, v28;
	v30 =	vmul.f32 v23, v25  }
0x1ce: {  	v28 =	vld.idx.msk [tilespmem:v6+s9+$0x0], $0xffff  }
0x1cf: {  	vm0 =	vgt.f32 v21, $1.000000000e-30;
	v18 =	vsub.f32 v34, v36;
	v30 =	vmul.f32 v30, v23  }
0x1d0: {  	v51 =	vld [tilespmem:s21+$0x10];
	v38 =	vmul.f32 v13, v13;
	v16 =	vsub.f32 v16, v27;
	v27 =	vmul.f32 v14, v33  }
0x1d1: {  	v36 =	vmul.f32 v18, v18;
	(erf) = vrcp.f32 v29;
	v30 =	vsub.f32 $1.500000000e+00, v30  }
0x1d2: {  	v14 =	vsub.f32 v37, v22;
	v52 =	vmul.f32 v16, v16;
	v27 =	vmul.f32 v27, v21  }
0x1d3: {  	v29 =	vmul.f32 v15, v15;
	v22 =	vsub.f32 v28, v50;
	v23 =	vmul.f32 v30, v23  }
0x1d4: {  	v41 =	vld.idx.msk [tilespmem:v7+s3+$0x0], $0xffff;
	v28 =	vmul.f32 v14, v14;
	v34 =	vadd.f32 v36, v52;
	v27 =	vnsel vm0, $0x0, v27  }
0x1d5: {  	v47 =	vld.idx.msk [tilespmem:v5+s0+$0x0], $0xffff;
	(erf) = vrcp.f32 v51;
	v54 =	vadd.f32 $9.999999710e-10, v27;
	v25 =	vmul.f32 v23, v25  }
0x1d6: {  	v48 =	vld.idx.msk [tilespmem:v7+s0+$0x0], $0xffff;
	v28 =	vadd.f32 v28, v38;
	v55 =	vmul.f32 v22, v22;
	v30 =	vadd.f32 v29, v34  }
0x1d7: {  	v53 =	vld.idx.msk [tilespmem:v9+s0+$0x0], $0xffff;
	(erf) = vrcp.f32 v54;
	v25 =	vmul.f32 v25, v23  }
0x1d8: {  	v57 =	vld.idx.msk [tilespmem:v9+s3+$0x0], $0xffff;
	v33 =	vadd.f32 v55, v28;
	v29 =	vshra.s32 v30, $0x1  }
0x1d9: {  	v56 =	vld.idx.msk [tilespmem:v6+s0+$0x0], $0xffff;
	v37 =	vmul.f32 $5.000000000e-01, v30;
	v25 =	vsub.f32 $1.500000000e+00, v25  }
0x1da: {  	v39 =	vld.idx.msk [tilespmem:v6+s3+$0x0], $0xffff;
	v43 =	vsub.s32 $0x5F3759DF, v29;
	v58 =	vshra.s32 v33, $0x1;
	v28 =	vmul.f32 $5.000000000e-01, v33  }
0x1db: {  	v42 =	vld.idx.msk [tilespmem:v5+s3+$0x0], $0xffff;
	v59 =	vmul.f32 v43, v37;
	v29 =	vpop (erf);
	v46 =	vsub.s32 $0x5F3759DF, v58;
	v40 =	vmul.f32 v25, v23  }
0x1dc: {  	v49 =	vld.idx.msk [tilespmem:v7+s4+$0x0], $0xffff;
	v27 =	vmul.f32 v27, v29;
	v29 =	vmul.f32 v46, v28  }
0x1dd: {  	v60 =	vld.idx.msk [tilespmem:v5+s4+$0x0], $0xffff;
	v47 =	vsub.f32 v47, v48  }
0x1de: {  	v35 =	vld [tilespmem:s21+$0x0];
	v44 =	vmul.f32 v43, v59;
	v23 =	vsub.f32 v56, v53;
	v61 =	vmul.f32 v46, v29  }
0x1df: {  	v21 =	vld.idx.msk [tilespmem:v12+s0+$0x0], $0xffff;
	v25 =	vsub.f32 v39, v57;
	v36 =	vadd.f32 $-1.000000000e+00, v27;
	v62 =	vmul.f32 v40, v32;
	v40 =	vpop (erf)  }
0x1e0: {  	vm15 =	vgt.f32 v32, $1.000000000e-30;
	v39 =	vld.idx.msk [tilespmem:v8+s4+$0x0], $0xffff;
	v45 =	vsub.f32 $1.500000000e+00, v44;
	v63 =	vsub.f32 $1.500000000e+00, v61;
	v50 =	vpop (erf)  }
0x1e1: {  	v29 =	vld.idx.msk [tilespmem:v11+s4+$0x0], $0xffff;
	v44 =	vsub.f32 v42, v41;
	v41 =	vnsel vm15, $0x0, v62;
	v38 =	vmul.f32 v50, v31  }
0x1e2: {  	v27 =	vld.idx.msk [tilespmem:v6+s4+$0x0], $0xffff;
	v31 =	vadd.f32 $9.999999710e-10, v41;
	v34 =	vmul.f32 v50, v26;
	v26 =	vmul.f32 v46, v63  }
0x1e3: {  	s13 =	sadd.s32 $0x80, s10;
	s22 =	simm.s32 $0x0;
	v42 =	vld [tilespmem:s21+$0xFFFFFFE0];
	v32 =	vmul.f32 v50, v24;
	v46 =	vsub.f32 v60, v49;
	v24 =	vmul.f32 v38, v47  }
.LBB2_8:
0x1e4: {  	v47 =	vor.u32 s13, v0;
	s22 =	sadd.s32 $0x4, s22;
	v43 =	vmul.f32 v43, v45;
	v45 =	vmul.f32 v26, v28;
	v48 =	vld.idx.msk [tilespmem:v10+s4+$0x0], $0xffff  }
0x1e5: {  	v49 =	vor.u32 s13, v2;
	s8 =	sadd.s32 $0x20, s13;
	p5 =	slt.u32 s22, $0x78;
	v44 =	vmul.f32 v32, v44;
	v46 =	vmul.f32 v34, v46;
	v50 =	vld.idx.msk [tilespmem:v10+s3+$0x0], $0xffff  }
0x1e6: {  	v51 =	vor.u32 s8, v0;
	v45 =	vmul.f32 v45, v26;
	v52 =	vld.idx.msk [tilespmem:v10+s0+$0x0], $0xffff;
	(erf) = vrcp.f32 v31  }
0x1e7: {  	v53 =	vor.u32 s8, v2;
	s8 =	sadd.s32 $0x40, s13;
	v54 =	vmul.f32 v43, v37;
	v44 =	vadd.f32 v44, v24;
	v55 =	vld.idx.msk [tilespmem:v12+s3+$0x0], $0xffff  }
0x1e8: {  	v41 =	vmul.f32 v41, v40;
	v56 =	vor.u32 s8, v0;
	v45 =	vsub.f32 $1.500000000e+00, v45;
	v40 =	vld.idx.msk [tilespmem:v12+s4+$0x0], $0xffff  }
0x1e9: {  	v57 =	vmul.f32 $3.000000000e+04, v36;
	v54 =	vmul.f32 v54, v43;
	v31 =	vld.idx.msk [tilespmem:v47+s30+$0x0], $0xffff;
	v47 =	vor.u32 s8, v2  }
0x1ea: {  	v39 =	vsub.f32 v39, v29;
	v44 =	vadd.f32 v44, v46;
	v24 =	vld.idx.msk [tilespmem:v49+s30+$0x0], $0xffff;
	v45 =	vmul.f32 v45, v26  }
0x1eb: {  	v26 =	vsub.f32 $1.500000000e+00, v54;
	v29 =	vld.idx.msk [tilespmem:v51+s30+$0x0], $0xffff  }
0x1ec: {  	v44 =	vmul.f32 $1.000000000e+02, v44;
	v21 =	vsub.f32 v52, v21;
	v36 =	vld.idx.msk [tilespmem:v53+s30+$0x0], $0xffff;
	v46 =	vmul.f32 v45, v28  }
0x1ed: {  	v43 =	vmul.f32 v26, v43;
	v49 =	vsub.f32 v50, v55;
	v28 =	vld.idx.msk [tilespmem:v56+s30+$0x0], $0xffff;
	(erf) = vrcp.f32 v42  }
0x1ee: {  	s8 =	sadd.s32 $0x60, s13;
	v42 =	vadd.f32 v44, v57;
	v40 =	vsub.f32 v48, v40;
	v26 =	vld.idx.msk [tilespmem:v47+s30+$0x0], $0xffff;
	v44 =	vmul.f32 v46, v45  }
0x1ef: {  	v46 =	vor.u32 s8, v2;
	v37 =	vmul.f32 v43, v37;
	v47 =	vld.idx.msk [tilespmem:v11+s0+$0x0], $0xffff;
	(erf) = vrcp.f32 v35;
	v35 =	vpop (erf)  }
0x1f0: {  	v48 =	vld.idx.msk [tilespmem:v8+s0+$0x0], $0xffff;
	v44 =	vsub.f32 $1.500000000e+00, v44;
	v19 =	vmul.f32 v35, v19;
	v17 =	vmul.f32 v35, v17  }
0x1f1: {  	v37 =	vmul.f32 v37, v43;
	v35 =	vmul.f32 v35, v20;
	v50 =	vld.idx.msk [tilespmem:v11+s3+$0x0], $0xffff  }
0x1f2: {  	v20 =	vmul.f32 v42, v38;
	v51 =	vld.idx.msk [tilespmem:v8+s3+$0x0], $0xffff;
	v21 =	vmul.f32 v19, v21  }
0x1f3: {  	v38 =	vsub.f32 $1.500000000e+00, v37;
	v49 =	vmul.f32 v17, v49;
	v53 =	vmul.f32 v35, v40;
	v52 =	vld.idx.msk [tilespmem:v9+s4+$0x0], $0xffff  }
0x1f4: {  	v54 =	vor.u32 s8, v0;
	v37 =	vmul.f32 v42, v34;
	v45 =	vmul.f32 v44, v45;
	v40 =	vld.idx.msk [tilespmem:v46+s30+$0x0], $0xffff  }
0x1f5: {  	vm0 =	vgt.f32 v30, $1.000000000e-30;
	v41 =	vadd.f32 $-1.000000000e+00, v41;
	v38 =	vmul.f32 v38, v43;
	v44 =	vld.idx.msk [tilespmem:v28+s12+$0x0], $0xffff  }
0x1f6: {  	vm1 =	vgt.f32 v33, $1.000000000e-30;
	v55 =	vmul.f32 v45, v33;
	v21 =	vadd.f32 v49, v21;
	v43 =	vld.idx.msk [tilespmem:v26+s12+$0x0], $0xffff;
	v34 =	vpop (erf)  }
0x1f7: {  	v46 =	vsub.f32 v48, v47;
	v30 =	vmul.f32 v38, v30;
	v38 =	vmul.f32 $3.000000000e+04, v41;
	v45 =	vld.idx.msk [tilespmem:v28+s11+$0x0], $0xffff  }
0x1f8: {  	v42 =	vmul.f32 v42, v32;
	v32 =	vnsel vm1, $0x0, v55;
	v21 =	vadd.f32 v21, v53;
	v41 =	vld.idx.msk [tilespmem:v26+s11+$0x0], $0xffff;
	v33 =	vpop (erf)  }
0x1f9: {  	v48 =	vadd.f32 $9.999999710e-10, v32;
	v30 =	vnsel vm0, $0x0, v30;
	v47 =	vld.idx.msk [tilespmem:v54+s30+$0x0], $0xffff;
	v49 =	vmul.f32 v32, v33  }
0x1fa: {  	v50 =	vsub.f32 v51, v50;
	v32 =	vadd.f32 $9.999999710e-10, v30;
	v33 =	vmul.f32 v30, v34;
	[tilespmem:v7+s26+$0x0] =	vst.idx.add.f32.msk $0xffff, v20  }
0x1fb: {  	v34 =	vld.idx.msk [tilespmem:v36+s12+$0x0], $0xffff;
	(erf) = vrcp.f32 v48  }
0x1fc: {  	v21 =	vmul.f32 $1.000000000e+02, v21;
	v30 =	vsub.f32 v43, v44;
	v48 =	vld.idx.msk [tilespmem:v36+s11+$0x0], $0xffff;
	(erf) = vrcp.f32 v32  }
0x1fd: {  	v43 =	vadd.f32 $-1.000000000e+00, v33;
	v32 =	vld.idx.msk [tilespmem:v29+s12+$0x0], $0xffff  }
0x1fe: {  	v38 =	vadd.f32 v21, v38;
	v41 =	vsub.f32 v41, v45;
	v44 =	vld.idx.msk [tilespmem:v29+s11+$0x0], $0xffff  }
0x1ff: {  	v45 =	vld.idx.msk [tilespmem:v36+s9+$0x0], $0xffff  }
0x200: {  	v19 =	vmul.f32 v38, v19;
	v33 =	vmul.f32 v41, v41;
	v51 =	vld.idx.msk [tilespmem:v29+s9+$0x0], $0xffff  }
0x201: {  	v17 =	vmul.f32 v38, v17;
	v21 =	vld.idx.msk [tilespmem:v47+s0+$0x0], $0xffff  }
0x202: {  	[tilespmem:v12+s26+$0x0] =	vst.idx.add.f32.msk $0xffff, v19  }
0x203: {  	v35 =	vmul.f32 v38, v35;
	v32 =	vsub.f32 v34, v32;
	[tilespmem:v12+s28+$0x0] =	vst.idx.add.f32.msk $0xffff, v17  }
0x204: {  	v27 =	vsub.f32 v27, v52;
	v34 =	vsub.f32 v48, v44;
	v38 =	vld.idx.msk [tilespmem:v31+s11+$0x0], $0xffff;
	v44 =	vpop (erf)  }
0x205: {  	v52 =	vsub.f32 $0.0e+00, v35;
	v48 =	vmul.f32 v32, v32;
	v22 =	vmul.f32 v44, v22;
	[tilespmem:v12+s29+$0x0] =	vst.idx.add.f32.msk $0xffff, v35;
	v53 =	vpop (erf)  }
0x206: {  	v35 =	vsub.f32 v45, v51;
	v45 =	vmul.f32 v34, v34;
	v51 =	vld.idx.msk [tilespmem:v40+s12+$0x0], $0xffff;
	v18 =	vmul.f32 v53, v18  }
0x207: {  	v19 =	vsub.f32 $0.0e+00, v19;
	v55 =	vmul.f32 v44, v14;
	v12 =	vmovc v47;
	v16 =	vmul.f32 v53, v16;
	v54 =	vld.idx.msk [tilespmem:v47+s12+$0x0], $0xffff  }
0x208: {  	v53 =	vmul.f32 v53, v15;
	v45 =	vadd.f32 v48, v45;
	v48 =	vmul.f32 v35, v35;
	v56 =	vld.idx.msk [tilespmem:v47+s11+$0x0], $0xffff  }
0x209: {  	v49 =	vadd.f32 $-1.000000000e+00, v49;
	v14 =	vmovc v30;
	v57 =	vmul.f32 v22, v27;
	v50 =	vmul.f32 v18, v50;
	v15 =	vld.idx.msk [tilespmem:v40+s11+$0x0], $0xffff  }
0x20a: {  	v44 =	vmul.f32 v44, v13;
	v25 =	vmul.f32 v55, v25;
	v27 =	vadd.f32 v48, v45;
	v45 =	vld.idx.msk [tilespmem:v47+s9+$0x0], $0xffff  }
0x20b: {  	v13 =	vmovc v41;
	v46 =	vmul.f32 v16, v46;
	v48 =	vmul.f32 $3.000000000e+04, v49;
	v49 =	vsub.f32 $0.0e+00, v17;
	v47 =	vld.idx.msk [tilespmem:v40+s9+$0x0], $0xffff  }
0x20c: {  	v23 =	vmul.f32 v44, v23;
	v17 =	vshra.s32 v27, $0x1;
	v41 =	vmul.f32 $5.000000000e-01, v27;
	[tilespmem:v10+s26+$0x0] =	vst.idx.add.f32.msk $0xffff, v19  }
0x20d: {  	v39 =	vmul.f32 v53, v39;
	v58 =	vsub.s32 $0x5F3759DF, v17;
	v17 =	vsub.f32 v51, v54;
	[tilespmem:v10+s28+$0x0] =	vst.idx.add.f32.msk $0xffff, v49  }
0x20e: {  	v46 =	vadd.f32 v50, v46;
	v50 =	vsub.f32 $0.0e+00, v42;
	v49 =	vmul.f32 v58, v41;
	[tilespmem:v10+s29+$0x0] =	vst.idx.add.f32.msk $0xffff, v52  }
0x20f: {  	v23 =	vadd.f32 v25, v23;
	v19 =	vsub.f32 v15, v56;
	v15 =	vmul.f32 v17, v17;
	v51 =	vld.idx.msk [tilespmem:v31+s9+$0x0], $0xffff  }
0x210: {  	v39 =	vadd.f32 v46, v39;
	v46 =	vsub.f32 $0.0e+00, v20;
	v10 =	vmovc v40;
	v49 =	vmul.f32 v58, v49;
	v25 =	vld.idx.msk [tilespmem:v24+s9+$0x0], $0xffff  }
0x211: {  	v23 =	vadd.f32 v23, v57;
	v20 =	vsub.f32 v47, v45;
	v45 =	vmul.f32 v19, v19;
	v40 =	vld.idx.msk [tilespmem:v24+s12+$0x0], $0xffff  }
0x212: {  	v43 =	vmul.f32 $3.000000000e+04, v43;
	v39 =	vmul.f32 $1.000000000e+02, v39;
	v47 =	vsub.f32 $1.500000000e+00, v49;
	[tilespmem:v7+s28+$0x0] =	vst.idx.add.f32.msk $0xffff, v42  }
0x213: {  	v15 =	vadd.f32 v15, v45;
	v42 =	vmul.f32 v20, v20;
	v45 =	vmul.f32 $1.000000000e+02, v23;
	[tilespmem:v7+s29+$0x0] =	vst.idx.add.f32.msk $0xffff, v37  }
0x214: {  	v43 =	vadd.f32 v39, v43;
	v23 =	vmul.f32 v58, v47;
	v37 =	vsub.f32 $0.0e+00, v37;
	[tilespmem:v5+s26+$0x0] =	vst.idx.add.f32.msk $0xffff, v46  }
0x215: {  	v7 =	vmov v29;
	v39 =	vadd.f32 v42, v15;
	v42 =	vadd.f32 v45, v48;
	[tilespmem:v5+s28+$0x0] =	vst.idx.add.f32.msk $0xffff, v50  }
0x216: {  	v16 =	vmul.f32 v43, v16;
	v15 =	vsub.f32 v25, v51;
	v25 =	vmul.f32 v23, v41;
	v29 =	vld.idx.msk [tilespmem:v31+s4+$0x0], $0xffff  }
0x217: {  	v45 =	vshra.s32 v39, $0x1;
	v46 =	vmul.f32 $5.000000000e-01, v39;
	[tilespmem:v5+s29+$0x0] =	vst.idx.add.f32.msk $0xffff, v37;
	v37 =	vmul.f32 v42, v44;
	v5 =	vmovc v36  }
0x218: {  	v25 =	vmul.f32 v25, v23;
	v36 =	vsub.s32 $0x5F3759DF, v45;
	v44 =	vmul.f32 v42, v55;
	[tilespmem:v11+s26+$0x0] =	vst.idx.add.f32.msk $0xffff, v16  }
0x219: {  	s21 =	sadd.s32 $0x40, s21;
	v47 =	vmul.f32 v43, v18;
	v45 =	vmul.f32 v36, v46;
	[tilespmem:v9+s26+$0x0] =	vst.idx.add.f32.msk $0xffff, v37  }
0x21a: {  	v42 =	vmul.f32 v42, v22;
	v18 =	vsub.f32 $1.500000000e+00, v25;
	v25 =	vld [tilespmem:s21+$0xFFFFFFF0]  }
0x21b: {  	v22 =	vmul.f32 v36, v45;
	[tilespmem:v9+s28+$0x0] =	vst.idx.add.f32.msk $0xffff, v44  }
0x21c: {  	v23 =	vmul.f32 v18, v23;
	v45 =	vld.idx.msk [tilespmem:v24+s11+$0x0], $0xffff  }
0x21d: {  	v22 =	vsub.f32 $1.500000000e+00, v22;
	v18 =	vld.idx.msk [tilespmem:v31+s12+$0x0], $0xffff  }
0x21e: {  	v49 =	vmul.f32 v43, v53;
	v41 =	vmul.f32 v23, v41;
	v48 =	vld.idx.msk [tilespmem:v28+s9+$0x0], $0xffff  }
0x21f: {  	v36 =	vmul.f32 v36, v22;
	v43 =	vld.idx.msk [tilespmem:v26+s9+$0x0], $0xffff;
	(erf) = vrcp.f32 v25  }
0x220: {  	v22 =	vmul.f32 v41, v23;
	v25 =	vsub.f32 $0.0e+00, v16;
	[tilespmem:v11+s28+$0x0] =	vst.idx.add.f32.msk $0xffff, v47  }
0x221: {  	v41 =	vmul.f32 v36, v46;
	[tilespmem:v11+s29+$0x0] =	vst.idx.add.f32.msk $0xffff, v49;
	v11 =	vmov v31  }
0x222: {  	v16 =	vsub.f32 v45, v38;
	v22 =	vsub.f32 $1.500000000e+00, v22;
	[tilespmem:v8+s26+$0x0] =	vst.idx.add.f32.msk $0xffff, v25  }
0x223: {  	v18 =	vsub.f32 v40, v18;
	v25 =	vmul.f32 v15, v15;
	v31 =	vmul.f32 v41, v36;
	v38 =	vld [tilespmem:s21+$0x10]  }
0x224: {  	v37 =	vsub.f32 $0.0e+00, v37;
	v40 =	vmul.f32 v16, v16;
	v23 =	vmul.f32 v22, v23;
	v41 =	vld.idx.msk [tilespmem:v28+s0+$0x0], $0xffff  }
0x225: {  	v45 =	vmul.f32 v18, v18;
	v22 =	vsub.f32 v43, v48;
	v31 =	vsub.f32 $1.500000000e+00, v31;
	v48 =	vld.idx.msk [tilespmem:v26+s3+$0x0], $0xffff  }
0x226: {  	v30 =	vmul.f32 v30, v14;
	v47 =	vsub.f32 $0.0e+00, v47;
	v23 =	vmul.f32 v23, v27;
	v43 =	vld.idx.msk [tilespmem:v26+s0+$0x0], $0xffff  }
0x227: {  	vm0 =	vgt.f32 v27, $1.000000000e-30;
	v40 =	vadd.f32 v45, v40;
	v31 =	vmul.f32 v31, v36;
	v45 =	vld.idx.msk [tilespmem:v28+s3+$0x0], $0xffff  }
0x228: {  	v33 =	vadd.f32 v30, v33;
	v36 =	vmul.f32 v22, v22;
	v23 =	vnsel vm0, $0x0, v23;
	v27 =	vpop (erf);
	[tilespmem:v8+s28+$0x0] =	vst.idx.add.f32.msk $0xffff, v47  }
0x229: {  	v30 =	vadd.f32 v25, v40;
	v25 =	vadd.f32 $9.999999710e-10, v23;
	v23 =	vmul.f32 v23, v27;
	v27 =	vld.idx.msk [tilespmem:v26+s4+$0x0], $0xffff  }
0x22a: {  	v33 =	vadd.f32 v36, v33;
	v40 =	vmul.f32 v31, v46;
	(erf) = vrcp.f32 v38;
	[tilespmem:v9+s29+$0x0] =	vst.idx.add.f32.msk $0xffff, v42  }
0x22b: {  	v38 =	vshra.s32 v30, $0x1;
	v9 =	vmovc v28;
	v36 =	vadd.f32 $-1.000000000e+00, v23;
	(erf) = vrcp.f32 v25;
	[tilespmem:v6+s26+$0x0] =	vst.idx.add.f32.msk $0xffff, v37  }
0x22c: {  	v40 =	vmul.f32 v40, v31;
	v25 =	vshra.s32 v33, $0x1;
	v23 =	vsub.f32 v43, v41;
	v46 =	vld.idx.msk [tilespmem:v7+s3+$0x0], $0xffff  }
0x22d: {  	v28 =	vmul.f32 $5.000000000e-01, v33;
	v37 =	vmul.f32 $5.000000000e-01, v30;
	v47 =	vsub.s32 $0x5F3759DF, v25;
	v41 =	vld.idx.msk [tilespmem:v5+s3+$0x0], $0xffff  }
0x22e: {  	v43 =	vsub.s32 $0x5F3759DF, v38;
	v25 =	vsub.f32 v48, v45;
	v38 =	vsub.f32 $1.500000000e+00, v40;
	v50 =	vld.idx.msk [tilespmem:v5+s0+$0x0], $0xffff  }
0x22f: {  	v40 =	vmul.f32 v43, v37;
	v45 =	vmul.f32 v47, v28;
	v48 =	vld.idx.msk [tilespmem:v7+s0+$0x0], $0xffff  }
0x230: {  	v31 =	vmul.f32 v38, v31;
	v38 =	vsub.f32 $0.0e+00, v44;
	v51 =	vld.idx.msk [tilespmem:v7+s4+$0x0], $0xffff  }
0x231: {  	v55 =	vsub.f32 $0.0e+00, v49;
	v54 =	vmul.f32 v43, v40;
	v53 =	vmul.f32 v47, v45;
	v52 =	vld.idx.msk [tilespmem:v5+s4+$0x0], $0xffff  }
0x232: {  	vm0 =	vgt.f32 v39, $1.000000000e-30;
	v31 =	vmul.f32 v31, v39;
	[tilespmem:v6+s28+$0x0] =	vst.idx.add.f32.msk $0xffff, v38;
	v38 =	vsub.f32 $0.0e+00, v42  }
.Ltmp7:
0x233: {  	v45 =	vsub.f32 $1.500000000e+00, v54;
	v44 =	vsub.f32 v41, v46;
	v40 =	vpop (erf);
	[tilespmem:v8+s29+$0x0] =	vst.idx.add.f32.msk $0xffff, v55;
	v8 =	vmov v24;
	(pc) =	sbr.rel @p5 .LBB2_8-.Ltmp7, $4  }
0x234: {  	v46 =	vsub.f32 $1.500000000e+00, v53;
	v41 =	vnsel vm0, $0x0, v31;
	v49 =	vpop (erf);
	[tilespmem:v6+s29+$0x0] =	vst.idx.add.f32.msk $0xffff, v38;
	v6 =	vmov v26  }
0x235: {  	v31 =	vadd.f32 $9.999999710e-10, v41;
	v39 =	vld.idx.msk [tilespmem:v24+s4+$0x0], $0xffff;
	v38 =	vmul.f32 v49, v34;
	v24 =	vsub.f32 v50, v48  }
0x236: {  	v26 =	vmul.f32 v47, v46;
	v34 =	vmul.f32 v49, v35;
	v42 =	vld [tilespmem:s21+$0xFFFFFFE0]  }
0x237: {  	s13 =	sadd.s32 $0x80, s13;
	v32 =	vmul.f32 v49, v32;
	v46 =	vsub.f32 v52, v51;
	v24 =	vmul.f32 v38, v24;
	v35 =	vld [tilespmem:s21+$0x0]  }
0x238: {  	v43 =	vmul.f32 v43, v45;
	v53 =	vmul.f32 v26, v28;
	_ =	sdelay $0x1  }
0x239: {  	v47 =	vmul.f32 v43, v37;
	v45 =	vmul.f32 v53, v26;
	_ =	sdelay $0x1  }
0x23a: {  	v47 =	vmul.f32 v47, v43;
	v45 =	vsub.f32 $1.500000000e+00, v45;
	_ =	sdelay $0x1  }
0x23b: {  	v47 =	vsub.f32 $1.500000000e+00, v47;
	v54 =	vmul.f32 v45, v26  }
0x23c: {  	(erf) = vrcp.f32 v31  }
0x23d: {  	v56 =	vmul.f32 v47, v43;
	v58 =	vmul.f32 v54, v28;
	_ =	sdelay $0x1  }
0x23e: {  	v57 =	vld.idx.msk [tilespmem:v10+s3+$0x0], $0xffff;
	v60 =	vmul.f32 v56, v37;
	v28 =	vmul.f32 v58, v54  }
0x23f: {  	v59 =	vld.idx.msk [tilespmem:v10+s0+$0x0], $0xffff  }
0x240: {  	v48 =	vld.idx.msk [tilespmem:v12+s3+$0x0], $0xffff;
	v37 =	vmul.f32 v60, v56;
	v28 =	vsub.f32 $1.500000000e+00, v28  }
0x241: {  	v55 =	vld.idx.msk [tilespmem:v10+s4+$0x0], $0xffff;
	vm0 =	vgt.f32 v33, $1.000000000e-30;
	v44 =	vmul.f32 v32, v44;
	v46 =	vmul.f32 v34, v46  }
0x242: {  	v49 =	vld.idx.msk [tilespmem:v12+s4+$0x0], $0xffff;
	(erf) = vrcp.f32 v42;
	v37 =	vsub.f32 $1.500000000e+00, v37;
	v26 =	vmul.f32 v28, v54  }
0x243: {  	v24 =	vadd.f32 v44, v24;
	v44 =	vmul.f32 v41, v40;
	(erf) = vrcp.f32 v35  }
0x244: {  	vm1 =	vgt.f32 v30, $1.000000000e-30;
	v63 =	vpop (erf);
	v31 =	vmul.f32 v37, v56;
	v26 =	vmul.f32 v26, v33  }
0x245: {  	v21 =	vsub.f32 v59, v21;
	v61 =	vsub.f32 v57, v48;
	v19 =	vmul.f32 v63, v19  }
0x246: {  	v17 =	vmul.f32 v63, v17;
	v31 =	vmul.f32 v31, v30;
	v26 =	vnsel vm0, $0x0, v26  }
0x247: {  	v62 =	vsub.f32 v55, v49;
	v20 =	vmul.f32 v63, v20;
	v42 =	vadd.f32 $9.999999710e-10, v26  }
0x248: {  	v21 =	vmul.f32 v19, v21;
	v28 =	vmul.f32 v17, v61;
	v30 =	vnsel vm1, $0x0, v31  }
0x249: {  	v24 =	vadd.f32 v24, v46;
	v43 =	vadd.f32 $9.999999710e-10, v30;
	(erf) = vrcp.f32 v42  }
0x24a: {  	v48 =	vmul.f32 $3.000000000e+04, v36;
	v45 =	vmul.f32 v20, v62;
	v21 =	vadd.f32 v28, v21  }
0x24b: {  	v24 =	vmul.f32 $1.000000000e+02, v24;
	(erf) = vrcp.f32 v43  }
0x24c: {  	v57 =	vld.idx.msk [tilespmem:v9+s4+$0x0], $0xffff;
	v47 =	vadd.f32 $-1.000000000e+00, v44;
	v21 =	vadd.f32 v21, v45  }
0x24d: {  	v50 =	vld.idx.msk [tilespmem:v8+s0+$0x0], $0xffff;
	v24 =	vadd.f32 v24, v48  }
0x24e: {  	v52 =	vld.idx.msk [tilespmem:v11+s3+$0x0], $0xffff;
	v28 =	vmul.f32 $3.000000000e+04, v47;
	v21 =	vmul.f32 $1.000000000e+02, v21  }
0x24f: {  	v29 =	vsub.f32 v39, v29;
	v49 =	vld.idx.msk [tilespmem:v11+s0+$0x0], $0xffff;
	v55 =	vmul.f32 v24, v38;
	v51 =	vpop (erf)  }
0x250: {  	v53 =	vld.idx.msk [tilespmem:v8+s3+$0x0], $0xffff;
	v63 =	vmul.f32 v24, v34;
	v24 =	vmul.f32 v24, v32;
	v54 =	vpop (erf);
	v21 =	vadd.f32 v21, v28  }
0x251: {  	v27 =	vsub.f32 v27, v57;
	v26 =	vmul.f32 v26, v54;
	v30 =	vmul.f32 v30, v51  }
0x252: {  	[tilespmem:v7+s26+$0x0] =	vst.idx.add.f32.msk $0xffff, v55;
	v19 =	vmul.f32 v21, v19;
	v17 =	vmul.f32 v21, v17;
	v56 =	vpop (erf)  }
0x253: {  	[tilespmem:v7+s28+$0x0] =	vst.idx.add.f32.msk $0xffff, v24;
	v20 =	vmul.f32 v21, v20;
	v22 =	vmul.f32 v56, v22  }
0x254: {  	v33 =	vsub.f32 v50, v49;
	v14 =	vmul.f32 v56, v14;
	v13 =	vmul.f32 v56, v13;
	v58 =	vpop (erf)  }
0x255: {  	v31 =	vsub.f32 v53, v52;
	v18 =	vmul.f32 v58, v18;
	v16 =	vmul.f32 v58, v16  }
0x256: {  	[tilespmem:v12+s26+$0x0] =	vst.idx.add.f32.msk $0xffff, v19;
	v25 =	vmul.f32 v14, v25;
	v23 =	vmul.f32 v13, v23  }
0x257: {  	v35 =	vsub.f32 $0.0e+00, v55;
	[tilespmem:v12+s28+$0x0] =	vst.idx.add.f32.msk $0xffff, v17;
	v15 =	vmul.f32 v58, v15;
	v62 =	vmul.f32 v22, v27  }
0x258: {  	v60 =	vmul.f32 v18, v31;
	v61 =	vmul.f32 v16, v33;
	v23 =	vadd.f32 v25, v23  }
0x259: {  	v26 =	vadd.f32 $-1.000000000e+00, v26;
	v59 =	vadd.f32 $-1.000000000e+00, v30;
	[tilespmem:v12+s29+$0x0] =	vst.idx.add.f32.msk $0xffff, v20  }
0x25a: {  	v29 =	vmul.f32 v15, v29;
	v30 =	vadd.f32 v60, v61;
	v12 =	vadd.f32 v23, v62  }
0x25b: {  	v36 =	vsub.f32 $0.0e+00, v24;
	[tilespmem:v7+s29+$0x0] =	vst.idx.add.f32.msk $0xffff, v63;
	v37 =	vsub.f32 $0.0e+00, v63  }
0x25c: {  	[tilespmem:v5+s26+$0x0] =	vst.idx.add.f32.msk $0xffff, v35;
	v34 =	vmul.f32 $3.000000000e+04, v26;
	v31 =	vadd.f32 v30, v29;
	v12 =	vmul.f32 $1.000000000e+02, v12  }
0x25d: {  	[tilespmem:v5+s28+$0x0] =	vst.idx.add.f32.msk $0xffff, v36;
	v32 =	vmul.f32 $3.000000000e+04, v59;
	v19 =	vsub.f32 $0.0e+00, v19  }
0x25e: {  	[tilespmem:v5+s29+$0x0] =	vst.idx.add.f32.msk $0xffff, v37;
	v17 =	vsub.f32 $0.0e+00, v17;
	v33 =	vmul.f32 $1.000000000e+02, v31;
	v12 =	vadd.f32 v12, v34  }
0x25f: {  	v20 =	vsub.f32 $0.0e+00, v20;
	[tilespmem:v10+s26+$0x0] =	vst.idx.add.f32.msk $0xffff, v19  }
0x260: {  	[tilespmem:v10+s28+$0x0] =	vst.idx.add.f32.msk $0xffff, v17;
	v7 =	vadd.f32 v33, v32;
	v5 =	vmul.f32 v12, v13  }
0x261: {  	[tilespmem:v10+s29+$0x0] =	vst.idx.add.f32.msk $0xffff, v20;
	v38 =	vmul.f32 v12, v14  }
0x262: {  	v16 =	vmul.f32 v7, v16;
	[tilespmem:v9+s26+$0x0] =	vst.idx.add.f32.msk $0xffff, v5  }
0x263: {  	v12 =	vmul.f32 v12, v22;
	[tilespmem:v9+s28+$0x0] =	vst.idx.add.f32.msk $0xffff, v38  }
0x264: {  	v39 =	vmul.f32 v7, v18;
	[tilespmem:v11+s26+$0x0] =	vst.idx.add.f32.msk $0xffff, v16  }
0x265: {  	v5 =	vsub.f32 $0.0e+00, v5;
	[tilespmem:v9+s29+$0x0] =	vst.idx.add.f32.msk $0xffff, v12  }
0x266: {  	v7 =	vmul.f32 v7, v15;
	[tilespmem:v11+s28+$0x0] =	vst.idx.add.f32.msk $0xffff, v39  }
0x267: {  	v42 =	vsub.f32 $0.0e+00, v38;
	[tilespmem:v6+s26+$0x0] =	vst.idx.add.f32.msk $0xffff, v5  }
0x268: {  	s8 =	sadd.s32 $0xF80, s10;
	v40 =	vsub.f32 $0.0e+00, v16;
	[tilespmem:v11+s29+$0x0] =	vst.idx.add.f32.msk $0xffff, v7  }
0x269: {  	v43 =	vor.u32 s8, v0;
	v41 =	vsub.f32 $0.0e+00, v39;
	[tilespmem:v6+s28+$0x0] =	vst.idx.add.f32.msk $0xffff, v42  }
0x26a: {  	v5 =	vsub.f32 $0.0e+00, v7;
	v7 =	vsub.f32 $0.0e+00, v12;
	[tilespmem:v8+s26+$0x0] =	vst.idx.add.f32.msk $0xffff, v40  }
0x26b: {  	v44 =	vor.u32 s8, v2;
	[tilespmem:v8+s28+$0x0] =	vst.idx.add.f32.msk $0xffff, v41  }
0x26c: {  	[tilespmem:v6+s29+$0x0] =	vst.idx.add.f32.msk $0xffff, v7  }
0x26d: {  	[tilespmem:v8+s29+$0x0] =	vst.idx.add.f32.msk $0xffff, v5  }
0x26e: {  	v5 =	vld.idx.msk [tilespmem:v43+s30+$0x0], $0xffff;
	_ =	sdelay $0x1  }
0x26f: {  	v6 =	vld.idx.msk [tilespmem:v44+s30+$0x0], $0xffff;
	_ =	sdelay $0x5  }
0x270: {  	v7 =	vld.idx.msk [tilespmem:v5+s11+$0x0], $0xffff  }
0x271: {  	v8 =	vld.idx.msk [tilespmem:v5+s12+$0x0], $0xffff  }
0x272: {  	v9 =	vld.idx.msk [tilespmem:v6+s11+$0x0], $0xffff  }
0x273: {  	v45 =	vld.idx.msk [tilespmem:v6+s12+$0x0], $0xffff  }
0x274: {  	v11 =	vld.idx.msk [tilespmem:v5+s9+$0x0], $0xffff  }
0x275: {  	v46 =	vld.idx.msk [tilespmem:v6+s9+$0x0], $0xffff;
	_ =	sdelay $0x2  }
0x276: {  	v7 =	vsub.f32 v9, v7;
	v8 =	vsub.f32 v45, v8;
	_ =	sdelay $0x1  }
0x277: {  	v47 =	vsub.f32 v46, v11;
	v48 =	vmul.f32 v7, v7;
	v49 =	vmul.f32 v8, v8;
	_ =	sdelay $0x1  }
0x278: {  	v50 =	vmul.f32 v47, v47;
	v10 =	vadd.f32 v49, v48;
	_ =	sdelay $0x1  }
0x279: {  	v10 =	vadd.f32 v50, v10;
	_ =	sdelay $0x1  }
0x27a: {  	v11 =	vshra.s32 v10, $0x1;
	v51 =	vmul.f32 $5.000000000e-01, v10  }
0x27b: {  	v11 =	vsub.s32 $0x5F3759DF, v11  }
0x27c: {  	v52 =	vmul.f32 v11, v51;
	_ =	sdelay $0x1  }
0x27d: {  	v13 =	vmul.f32 v11, v52;
	_ =	sdelay $0x1  }
0x27e: {  	v13 =	vsub.f32 $1.500000000e+00, v13;
	_ =	sdelay $0x1  }
0x27f: {  	v11 =	vmul.f32 v11, v13;
	_ =	sdelay $0x1  }
0x280: {  	v13 =	vmul.f32 v11, v51;
	_ =	sdelay $0x1  }
0x281: {  	v13 =	vmul.f32 v13, v11;
	_ =	sdelay $0x1  }
0x282: {  	v13 =	vsub.f32 $1.500000000e+00, v13;
	_ =	sdelay $0x1  }
0x283: {  	v11 =	vmul.f32 v13, v11;
	_ =	sdelay $0x1  }
0x284: {  	v12 =	vmul.f32 v11, v51;
	_ =	sdelay $0x1  }
0x285: {  	v12 =	vmul.f32 v12, v11;
	_ =	sdelay $0x1  }
0x286: {  	v12 =	vsub.f32 $1.500000000e+00, v12;
	_ =	sdelay $0x1  }
0x287: {  	v11 =	vmul.f32 v12, v11;
	_ =	sdelay $0x1  }
0x288: {  	v11 =	vmul.f32 v11, v10  }
0x289: {  	vm15 =	vgt.f32 v10, $1.000000000e-30  }
0x28a: {  	v10 =	vnsel vm15, $0x0, v11  }
0x28b: {  	v11 =	vadd.f32 $9.999999710e-10, v10  }
0x28c: {  	v53 =	vld [tilespmem:s19+$0x18F40]  }
0x28d: {  	(erf) = vrcp.f32 v11;
	_ =	sdelay $0x1  }
0x28e: {  	v54 =	vld.idx.msk [tilespmem:v5+s0+$0x0], $0xffff  }
0x28f: {  	v55 =	vld.idx.msk [tilespmem:v5+s3+$0x0], $0xffff  }
0x290: {  	v14 =	vld.idx.msk [tilespmem:v6+s3+$0x0], $0xffff;
	(erf) = vrcp.f32 v53  }
0x291: {  	v56 =	vld.idx.msk [tilespmem:v6+s0+$0x0], $0xffff  }
0x292: {  	v57 =	vld.idx.msk [tilespmem:v5+s4+$0x0], $0xffff  }
0x293: {  	v58 =	vld.idx.msk [tilespmem:v6+s4+$0x0], $0xffff;
	_ =	sdelay $0x1  }
0x294: {  	v60 =	vsub.f32 v14, v55;
	v59 =	vpop (erf)  }
0x295: {  	v11 =	vsub.f32 v56, v54;
	v7 =	vmul.f32 v59, v7;
	v8 =	vmul.f32 v59, v8  }
0x296: {  	v9 =	vmul.f32 v59, v47  }
0x297: {  	v61 =	vsub.f32 v58, v57;
	v11 =	vmul.f32 v7, v11;
	v12 =	vmul.f32 v8, v60  }
0x298: {  	v62 =	vpop (erf)  }
0x299: {  	v10 =	vmul.f32 v10, v62;
	v63 =	vmul.f32 v9, v61;
	v11 =	vadd.f32 v12, v11;
	_ =	sdelay $0x1  }
0x29a: {  	v10 =	vadd.f32 $-1.000000000e+00, v10;
	v11 =	vadd.f32 v11, v63;
	_ =	sdelay $0x1  }
0x29b: {  	v10 =	vmul.f32 $3.000000000e+04, v10;
	v11 =	vmul.f32 $1.000000000e+02, v11;
	_ =	sdelay $0x1  }
0x29c: {  	v10 =	vadd.f32 v11, v10;
	_ =	sdelay $0x1  }
0x29d: {  	v7 =	vmul.f32 v10, v7  }
0x29e: {  	v8 =	vmul.f32 v10, v8  }
0x29f: {  	v9 =	vmul.f32 v10, v9;
	[tilespmem:v5+s26+$0x0] =	vst.idx.add.f32.msk $0xffff, v7  }
.Ltmp8:
0x2a0: {  	v7 =	vsub.f32 $0.0e+00, v7;
	[tilespmem:v5+s28+$0x0] =	vst.idx.add.f32.msk $0xffff, v8;
	(pc) =	sbr.rel .LBB2_13-.Ltmp8, $4  }
0x2a1: {  	[tilespmem:v5+s29+$0x0] =	vst.idx.add.f32.msk $0xffff, v9;
	v5 =	vsub.f32 $0.0e+00, v8  }
0x2a2: {  	[tilespmem:v6+s26+$0x0] =	vst.idx.add.f32.msk $0xffff, v7;
	v7 =	vsub.f32 $0.0e+00, v9  }
0x2a3: {  	[tilespmem:v6+s28+$0x0] =	vst.idx.add.f32.msk $0xffff, v5  }
0x2a4: {  	[tilespmem:v6+s29+$0x0] =	vst.idx.add.f32.msk $0xffff, v7  }
.LBB2_14:
0x2a5: {  	[bflag:$0x0] =	sbarrier.arrive $0xFFFF  }
0x2a6: {  	s10 =	simm.s32 $0x1AF00;
	s8 =	rddreg [dreg:$0x8]  }
0x2a7: {  	[spmem:s8] =	stream.indirect.scatter.add.f32 [tilespmem:s26], [sflag:$0x5], $0x1, s10, s12, $0xb8;
	[tilespmem:$0x1FC80] =	vst v63  }
0x2a8: {  	_ =	swait.ge [sflag:s14], $0x2800  }
0x2a9: {  	[sflag:s14] =	ssyncset.done $0x0  }
0x2aa: {  	[sflag:s14] =	ssyncadd.s32 $0xFFFFD800  }
0x2ab: {  	s20 =	rddreg [dreg:$0x9]  }
0x2ac: {  	[spmem:s20] =	stream.indirect.scatter.add.f32 [tilespmem:s28], [sflag:$0x5], $0x1, s10, s12, $0xb8;
	[tilespmem:$0x1FC80] =	vst v63  }
0x2ad: {  	_ =	swait.ge [sflag:s14], $0x2800  }
0x2ae: {  	[sflag:s14] =	ssyncset.done $0x0  }
0x2af: {  	[sflag:s14] =	ssyncadd.s32 $0xFFFFD800  }
0x2b0: {  	s21 =	rddreg [dreg:$0xa]  }
0x2b1: {  	[spmem:s21] =	stream.indirect.scatter.add.f32 [tilespmem:s29], [sflag:$0x5], $0x1, s10, s12, $0xb8;
	[tilespmem:$0x1FC80] =	vst v63  }
0x2b2: {  	_ =	swait.ge [sflag:s14], $0x2800  }
0x2b3: {  	[sflag:s14] =	ssyncset.done $0x0  }
0x2b4: {  	[sflag:s14] =	ssyncadd.s32 $0xFFFFD800  }
0x2b5: {  	s8 =	simm.s32 $0x1D700;
	[bflag:$0x0] =	sbarrier.arrive $0xFFFF  }
0x2b6: {  	[tilespmem:s8], [sflag:$0x3] =	stream.linear.gather [spmem:s23], $0x280, $0x38;
	[tilespmem:$0x1FC80] =	vst v63  }
0x2b7: {  	s10 =	simm.s32 $0x1D980  }
0x2b8: {  	[tilespmem:s10], [sflag:$0x3] =	stream.linear.gather [spmem:s24], $0x280, $0x38;
	[tilespmem:$0x1FC80] =	vst v63  }
0x2b9: {  	s15 =	simm.s32 $0x1DC00  }
0x2ba: {  	[tilespmem:s15], [sflag:$0x3] =	stream.linear.gather [spmem:s25], $0x280, $0x38;
	[tilespmem:$0x1FC80] =	vst v63  }
0x2bb: {  	_ =	swait.ge [sflag:s31], $0x280  }
0x2bc: {  	[sflag:s31] =	ssyncset.done $0x0  }
0x2bd: {  	[sflag:s31] =	ssyncadd.s32 $0xFFFFFD80  }
0x2be: {  	_ =	swait.ge [sflag:s31], $0x280  }
0x2bf: {  	[sflag:s31] =	ssyncset.done $0x0  }
0x2c0: {  	[sflag:s31] =	ssyncadd.s32 $0xFFFFFD80  }
0x2c1: {  	_ =	swait.ge [sflag:s31], $0x280  }
0x2c2: {  	[sflag:s31] =	ssyncset.done $0x0  }
0x2c3: {  	s13 =	simm.s32 $0x1DE80;
	[sflag:s31] =	ssyncadd.s32 $0xFFFFFD80  }
0x2c4: {  	v5 =	vld [tilespmem:s13+$0x0];
	_ =	sdelay $0x4  }
0x2c5: {  	(erf) = vrcp.f32 v5  }
0x2c6: {  	v6 =	vld [tilespmem:s15+$0x0];
	_ =	sdelay $0x1  }
0x2c7: {  	s22 =	simm.s32 $0x0;
	s18 =	sadd.s32 $0x0, s2;
	v7 =	vld [tilespmem:s8+$0x0]  }
0x2c8: {  	s18 =	sand.u32 $0x7F80, s18;
	s15 =	sand.u32 $0x70, s22;
	v8 =	vld [tilespmem:s10+$0x0];
	v5 =	vmul.f32 $-9.800000190e+00, v5  }
0x2c9: {  	s18 =	sor.u32 s15, s18  }
0x2ca: {  	v9 =	vld [tilespmem:s18+$0xC800];
	v5 =	vadd.f32 v5, v6  }
0x2cb: {  	v6 =	vld [tilespmem:s18+$0x7800]  }
0x2cc: {  	v11 =	vld [tilespmem:s18+$0xA000];
	v7 =	vmul.f32 $4.999999870e-05, v7;
	v5 =	vmul.f32 $4.999999870e-05, v5  }
0x2cd: {  	v8 =	vmul.f32 $4.999999870e-05, v8;
	v10 =	vpop (erf)  }
0x2ce: {  	v7 =	vmul.f32 v7, v10;
	v5 =	vmul.f32 v5, v10  }
0x2cf: {  	v8 =	vmul.f32 v8, v10  }
0x2d0: {  	v60 =	vld [tilespmem:s18+$0x0];
	v6 =	vadd.f32 v6, v7;
	v5 =	vadd.f32 v5, v9  }
0x2d1: {  	v7 =	vld [tilespmem:s18+$0x5000];
	v8 =	vadd.f32 v11, v8  }
0x2d2: {  	v6 =	vmul.f32 $9.999499910e-01, v6;
	v5 =	vmul.f32 $9.999499910e-01, v5  }
0x2d3: {  	v61 =	vld [tilespmem:s18+$0x2800];
	v8 =	vmul.f32 $9.999499910e-01, v8  }
0x2d4: {  	v62 =	vmul.f32 $4.999999870e-05, v6;
	v12 =	vmul.f32 $4.999999870e-05, v5;
	_ =	sdelay $0x1  }
0x2d5: {  	[tilespmem:s18+$0x7800] =	vst v6;
	v63 =	vmul.f32 $4.999999870e-05, v8;
	v6 =	vadd.f32 v62, v60;
	v7 =	vadd.f32 v12, v7  }
0x2d6: {  	[tilespmem:s18+$0xA000] =	vst v8  }
0x2d7: {  	v7 =	vmax.f32 v7, $0.0e+00;
	[tilespmem:s18+$0x0] =	vst v6;
	v6 =	vadd.f32 v63, v61  }
0x2d8: {  	s19 =	simm.s32 $0x10;
	s20 =	simm.s32 $0x1DC10;
	vm0 =	veq.f32 v7, $0.0e+00;
	[tilespmem:s18+$0x5000] =	vst v7  }
.LBB2_15:
0x2d9: {  	v5 =	vsel vm0, $0x0, v5;
	[tilespmem:s18+$0x2800] =	vst v6;
	s13 =	sadd.s32 $0x10, s13;
	s8 =	sadd.s32 $0x10, s8;
	s10 =	sadd.s32 $0x10, s10  }
0x2da: {  	p1 =	sne.s32 s19, $0x270;
	s15 =	smov.u32 s19;
	s19 =	sadd.s32 $0x10, s19;
	[tilespmem:s18+$0xC800] =	vst v5  }
0x2db: {  	v5 =	vld [tilespmem:s13+$0x0]  }
0x2dc: {  	v6 =	vld [tilespmem:s20+$0x0];
	_ =	sdelay $0x3  }
0x2dd: {  	v7 =	vmul.f32 $-9.800000190e+00, v5;
	(erf) = vrcp.f32 v5;
	_ =	sdelay $0x1  }
0x2de: {  	v5 =	vld [tilespmem:s8+$0x0];
	v6 =	vadd.f32 v7, v6  }
0x2df: {  	s18 =	sadd.s32 s15, s2;
	v7 =	vld [tilespmem:s10+$0x0]  }
0x2e0: {  	s15 =	sand.u32 $0x70, s15;
	s18 =	sand.u32 $0x7F80, s18  }
0x2e1: {  	s18 =	sor.u32 s15, s18  }
0x2e2: {  	v8 =	vld [tilespmem:s18+$0x7800]  }
0x2e3: {  	v6 =	vmul.f32 $4.999999870e-05, v6;
	v5 =	vmul.f32 $4.999999870e-05, v5;
	v9 =	vld [tilespmem:s18+$0xC800]  }
0x2e4: {  	v10 =	vld [tilespmem:s18+$0xA000];
	v7 =	vmul.f32 $4.999999870e-05, v7  }
0x2e5: {  	v11 =	vpop (erf)  }
0x2e6: {  	v5 =	vmul.f32 v5, v11;
	v6 =	vmul.f32 v6, v11  }
0x2e7: {  	v7 =	vmul.f32 v7, v11  }
0x2e8: {  	v5 =	vadd.f32 v8, v5;
	v6 =	vadd.f32 v6, v9;
	v8 =	vld [tilespmem:s18+$0x5000]  }
0x2e9: {  	v7 =	vadd.f32 v10, v7;
	v9 =	vld [tilespmem:s18+$0x0]  }
0x2ea: {  	v10 =	vmul.f32 $9.999499910e-01, v5;
	v5 =	vmul.f32 $9.999499910e-01, v6  }
0x2eb: {  	v6 =	vmul.f32 $9.999499910e-01, v7;
	v7 =	vld [tilespmem:s18+$0x2800]  }
0x2ec: {  	v11 =	vmul.f32 $4.999999870e-05, v10;
	v12 =	vmul.f32 $4.999999870e-05, v5;
	[tilespmem:s18+$0x7800] =	vst v10  }
.Ltmp9:
0x2ed: {  	v10 =	vmul.f32 $4.999999870e-05, v6;
	[tilespmem:s18+$0xA000] =	vst v6;
	(pc) =	sbr.rel @p1 .LBB2_15-.Ltmp9, $3  }
0x2ee: {  	v9 =	vadd.f32 v11, v9;
	v8 =	vadd.f32 v12, v8;
	_ =	sdelay $0x1  }
0x2ef: {  	v6 =	vadd.f32 v10, v7;
	v7 =	vmax.f32 v8, $0.0e+00;
	[tilespmem:s18+$0x0] =	vst v9  }
0x2f0: {  	s20 =	sadd.s32 $0x10, s20;
	vm0 =	veq.f32 v7, $0.0e+00;
	[tilespmem:s18+$0x5000] =	vst v7  }
0x2f1: {  	p1 =	sne.s32 s17, $0x9  }
.Ltmp10:
0x2f2: {  	_ = 	snop;
	(pc) =	sbr.rel @!p1 .LBB2_17-.Ltmp10, $3  }
0x2f3: {  	_ =	sdelay $0x1  }
0x2f4: {  	v5 =	vsel vm0, $0x0, v5;
	[tilespmem:s18+$0x2800] =	vst v6  }
0x2f5: {  	[tilespmem:s18+$0xC800] =	vst v5  }
0x2f6: {  	s8 =	rddreg [dreg:$0xe]  }
0x2f7: {  	s13 =	rddreg [dreg:$0xf]  }
0x2f8: {  	s10 =	rddreg [dreg:$0x10]  }
0x2f9: {  	s15 =	rddreg [dreg:$0x11]  }
0x2fa: {  	s18 =	rddreg [dreg:$0x12]  }
0x2fb: {  	s19 =	rddreg [dreg:$0x17]  }
0x2fc: {  	[spmem:s8] =	stream.linear.scatter [tilespmem:s2], [sflag:$0x3], $0x280, $0x38;
	[tilespmem:$0x1FC80] =	vst v63  }
0x2fd: {  	s20 =	rddreg [dreg:$0x18]  }
0x2fe: {  	[spmem:s13] =	stream.linear.scatter [tilespmem:s10], [sflag:$0x3], $0x280, $0x38;
	[tilespmem:$0x1FC80] =	vst v63  }
0x2ff: {  	s21 =	rddreg [dreg:$0x19]  }
0x300: {  	[spmem:s15] =	stream.linear.scatter [tilespmem:s18], [sflag:$0x3], $0x280, $0x38;
	[tilespmem:$0x1FC80] =	vst v63  }
0x301: {  	s22 =	rddreg [dreg:$0x1a]  }
0x302: {  	[spmem:s19] =	stream.linear.scatter [tilespmem:s20], [sflag:$0x3], $0x280, $0x38;
	[tilespmem:$0x1FC80] =	vst v63  }
0x303: {  	s10 =	rddreg [dreg:$0x1b]  }
0x304: {  	[spmem:s21] =	stream.linear.scatter [tilespmem:s22], [sflag:$0x3], $0x280, $0x38;
	[tilespmem:$0x1FC80] =	vst v63  }
0x305: {  	s13 =	rddreg [dreg:$0x1c]  }
0x306: {  	[spmem:s10] =	stream.linear.scatter [tilespmem:s13], [sflag:$0x3], $0x280, $0x38;
	[tilespmem:$0x1FC80] =	vst v63  }
0x307: {  	_ =	swait.ge [sflag:s31], $0x280  }
0x308: {  	[sflag:s31] =	ssyncset.done $0x0  }
0x309: {  	[sflag:s31] =	ssyncadd.s32 $0xFFFFFD80  }
0x30a: {  	_ =	swait.ge [sflag:s31], $0x280  }
0x30b: {  	[sflag:s31] =	ssyncset.done $0x0  }
0x30c: {  	[sflag:s31] =	ssyncadd.s32 $0xFFFFFD80  }
0x30d: {  	_ =	swait.ge [sflag:s31], $0x280  }
0x30e: {  	[sflag:s31] =	ssyncset.done $0x0  }
0x30f: {  	[sflag:s31] =	ssyncadd.s32 $0xFFFFFD80  }
0x310: {  	_ =	swait.ge [sflag:s31], $0x280  }
0x311: {  	[sflag:s31] =	ssyncset.done $0x0  }
0x312: {  	[sflag:s31] =	ssyncadd.s32 $0xFFFFFD80  }
0x313: {  	_ =	swait.ge [sflag:s31], $0x280  }
0x314: {  	[sflag:s31] =	ssyncset.done $0x0  }
0x315: {  	[sflag:s31] =	ssyncadd.s32 $0xFFFFFD80  }
0x316: {  	_ =	swait.ge [sflag:s31], $0x280  }
0x317: {  	[sflag:s31] =	ssyncset.done $0x0  }
0x318: {  	[sflag:s31] =	ssyncadd.s32 $0xFFFFFD80  }
0x319: {  	[bflag:$0x0] =	sbarrier.arrive $0xFFFF  }
0x31a: {  	s15 =	rddreg [dreg:$0x7]  }
0x31b: {  	[tilespmem:s11], [sflag:$0x3] =	stream.linear.gather [spmem:s15], $0x2800, $0x38;
	[tilespmem:$0x1FC80] =	vst v63  }
0x31c: {  	s18 =	rddreg [dreg:$0x13]  }
0x31d: {  	[tilespmem:s12], [sflag:$0x3] =	stream.linear.gather [spmem:s18], $0x2800, $0x38;
	[tilespmem:$0x1FC80] =	vst v63  }
0x31e: {  	s19 =	rddreg [dreg:$0x16]  }
0x31f: {  	[tilespmem:s9], [sflag:$0x3] =	stream.linear.gather [spmem:s19], $0x2800, $0x38;
	[tilespmem:$0x1FC80] =	vst v63  }
0x320: {  	s20 =	rddreg [dreg:$0x1d]  }
0x321: {  	[tilespmem:s0], [sflag:$0x3] =	stream.linear.gather [spmem:s20], $0x2800, $0x38;
	[tilespmem:$0x1FC80] =	vst v63  }
0x322: {  	s21 =	rddreg [dreg:$0x1e]  }
0x323: {  	[tilespmem:s3], [sflag:$0x3] =	stream.linear.gather [spmem:s21], $0x2800, $0x38;
	[tilespmem:$0x1FC80] =	vst v63  }
0x324: {  	s22 =	rddreg [dreg:$0x1f]  }
0x325: {  	[tilespmem:s4], [sflag:$0x3] =	stream.linear.gather [spmem:s22], $0x2800, $0x38;
	[tilespmem:$0x1FC80] =	vst v63  }
0x326: {  	_ =	swait.ge [sflag:s31], $0x2800  }
0x327: {  	[sflag:s31] =	ssyncset.done $0x0  }
0x328: {  	[sflag:s31] =	ssyncadd.s32 $0xFFFFD800  }
0x329: {  	_ =	swait.ge [sflag:s31], $0x2800  }
0x32a: {  	[sflag:s31] =	ssyncset.done $0x0  }
0x32b: {  	[sflag:s31] =	ssyncadd.s32 $0xFFFFD800  }
0x32c: {  	_ =	swait.ge [sflag:s31], $0x2800  }
0x32d: {  	[sflag:s31] =	ssyncset.done $0x0  }
0x32e: {  	[sflag:s31] =	ssyncadd.s32 $0xFFFFD800  }
0x32f: {  	_ =	swait.ge [sflag:s31], $0x2800  }
0x330: {  	[sflag:s31] =	ssyncset.done $0x0  }
0x331: {  	[sflag:s31] =	ssyncadd.s32 $0xFFFFD800  }
0x332: {  	_ =	swait.ge [sflag:s31], $0x2800  }
.Ltmp11:
0x333: {  	[sflag:s31] =	ssyncset.done $0x0;
	(pc) =	sbr.rel .LBB2_5-.Ltmp11, $4  }
0x334: {  	[sflag:s31] =	ssyncadd.s32 $0xFFFFD800  }
0x335: {  	_ =	swait.ge [sflag:s31], $0x2800  }
0x336: {  	[sflag:s31] =	ssyncset.done $0x0  }
0x337: {  	s17 =	sadd.s32 $0x1, s17;
	[sflag:s31] =	ssyncadd.s32 $0xFFFFD800  }
.LBB2_17:
0x338: {  	s0 =	simm.s32 $0x0  }
0x339: {  	v0 =	vmov s0  }
0x33a: {  	v1 =	vmul.u32 $0x3, v0  }
0x33b: {  	s1 =	sadd.s32 $0x0, s2;
	v0 =	vlaneseq.u32  }
0x33c: {  	s1 =	sand.u32 $0x7F80, s1;
	s0 =	sand.u32 $0x70, s0;
	v0 =	vmul.u32 $0x3, v0;
	v3 =	vbroadcast v1, $0x0  }
0x33d: {  	[bflag:$0x0] =	sbarrier.arrive $0xFFFF;
	s3 =	sor.u32 s0, s1  }
0x33e: {  	v4 =	vld [tilespmem:s3+$0x0];
	v2 =	vadd.s32 v0, v3;
	_ =	sdelay $0x3  }
0x33f: {  	s0 =	simm.s32 $0x19780  }
0x340: {  	v1 =	vadd.s32 $0x1, v0;
	[tilespmem:v2+s0+$0x0] =	vst.idx.msk $0xffff, v4  }
0x341: {  	v4 =	vadd.s32 v1, v3;
	v5 =	vld [tilespmem:s3+$0x2800];
	_ =	sdelay $0x4  }
0x342: {  	v2 =	vadd.s32 $0x2, v0;
	[tilespmem:v4+s0+$0x0] =	vst.idx.msk $0xffff, v5  }
0x343: {  	s1 =	simm.s32 $0x10;
	v3 =	vadd.s32 v2, v3;
	v4 =	vld [tilespmem:s3+$0x5000]  }
0x344: {  	v5 =	vmov s1;
	s3 =	simm.s32 $0x20  }
.LBB2_18:
0x345: {  	p1 =	sne.s32 s3, $0x270;
	v5 =	vmul.u32 $0x3, v5  }
0x346: {  	s4 =	sadd.s32 s1, s2  }
0x347: {  	s5 =	sand.u32 $0x70, s1;
	s1 =	smov.u32 s3;
	s4 =	sand.u32 $0x7F80, s4;
	v5 =	vbroadcast v5, $0x0  }
0x348: {  	s4 =	sor.u32 s5, s4;
	[tilespmem:v3+s0+$0x0] =	vst.idx.msk $0xffff, v4  }
0x349: {  	v3 =	vadd.s32 v0, v5;
	v4 =	vld [tilespmem:s4+$0x0];
	_ =	sdelay $0x4  }
0x34a: {  	[tilespmem:v3+s0+$0x0] =	vst.idx.msk $0xffff, v4  }
0x34b: {  	v3 =	vadd.s32 v1, v5;
	v4 =	vld [tilespmem:s4+$0x2800];
	_ =	sdelay $0x2  }
.Ltmp12:
0x34c: {  	(pc) =	sbr.rel @p1 .LBB2_18-.Ltmp12, $4  }
0x34d: {  	_ = 	snop  }
0x34e: {  	[tilespmem:v3+s0+$0x0] =	vst.idx.msk $0xffff, v4  }
0x34f: {  	v3 =	vadd.s32 v2, v5;
	v4 =	vld [tilespmem:s4+$0x5000]  }
0x350: {  	s3 =	sadd.s32 $0x10, s3;
	v5 =	vmov s1  }
0x351: {  	_ = 	snop  }
0x352: {  	v5 =	vmul.u32 $0x3, v5  }
0x353: {  	s2 =	sadd.s32 s1, s2  }
0x354: {  	s30 =	sand.u32 $0x70, s1;
	s2 =	sand.u32 $0x7F80, s2;
	v5 =	vbroadcast v5, $0x0  }
0x355: {  	s1 =	sor.u32 s30, s2;
	[tilespmem:v3+s0+$0x0] =	vst.idx.msk $0xffff, v4  }
0x356: {  	v0 =	vadd.s32 v0, v5;
	v3 =	vld [tilespmem:s1+$0x0];
	_ =	sdelay $0x4  }
0x357: {  	[tilespmem:v0+s0+$0x0] =	vst.idx.msk $0xffff, v3  }
0x358: {  	v61 =	vadd.s32 v1, v5;
	v62 =	vld [tilespmem:s1+$0x2800];
	_ =	sdelay $0x4  }
0x359: {  	[tilespmem:v61+s0+$0x0] =	vst.idx.msk $0xffff, v62  }
0x35a: {  	v63 =	vadd.s32 v2, v5;
	v1 =	vld [tilespmem:s1+$0x5000];
	_ =	sdelay $0x4  }
0x35b: {  	s2 =	rddreg [dreg:$0xd];
	s1 =	simm.s32 @p0 $0x19780;
	[tilespmem:v63+s0+$0x0] =	vst.idx.msk $0xffff, v1;
	s0 =	simm.s32 @p0 $0x0  }
0x35c: {  	[hbm4b:s2+s0] =	stream.linear.scatter @p0 [tilespmem:s1], [sflag:$0x4], $0x4B0, $0x38;
	[tilespmem:$0x1FC80] =	vst v63  }
0x35d: {  	s0 =	simm.s32 @p0 $0x4  }
0x35e: {  	_ =	swait.ge @p0 [sflag:s0], $0x4B0  }
0x35f: {  	s1 =	simm.s32 @!p0 $0x19780;
	[sflag:s0] =	ssyncset.done @p0 $0x0  }
0x360: {  	s2 =	rddreg [dreg:$0xc];
	[sflag:s0] =	ssyncadd.s32 @p0 $0xFFFFFB50;
	s0 =	simm.s32 @!p0 $0x0  }
0x361: {  	[hbm4b:s2+s0] =	stream.linear.scatter @!p0 [tilespmem:s1], [sflag:$0x5], $0x780, $0x38;
	[tilespmem:$0x1FC80] =	vst v63  }
0x362: {  	s0 =	simm.s32 @!p0 $0x5  }
0x363: {  	_ =	swait.ge @!p0 [sflag:s0], $0x780  }
0x364: {  	[sflag:s0] =	ssyncset.done @!p0 $0x0  }
0x365: {  	[sflag:s0] =	ssyncadd.s32 @!p0 $0xFFFFF880  }
0x366: {  	_ =	sfence.sel $0x180000  }
0x367: {  	[bflag:$0x0] =	sbarrier.arrive $0xFFFF  }
0x368: {  	_ =	strace $0x90000047  }
0x369: {  	s31 =	stileid.u32;
	[bflag:$0x2] =	sbarrier.arrive $0xFFFF  }
0x36a: {  	p0 =	sne.s32 s31, $0x0;
	s0 =	rddreg [dreg:$0xb]  }
0x36b: {  	s0 =	sadd.s32 @!p0 $0x100000, s0  }
0x36c: {  	[sflag:s0] =	ssyncadd.tile.s32 @!p0 $0x1;
	_ =	shalt  }
.Lfunc_end2:
_tile_overlayer_lowered:
.L_overlay_start_2:
0x36d: {  	(tag) =	ssettag $0x2  }
0x36e: {  	s0 =	rddreg [dreg:$0x0];
	s2 =	stileid.u32  }
0x36f: {  	s1 =	rddreg [dreg:$0x1];
	p0 =	sne.s32 s2, $0x0  }
0x370: {  	s3 =	rddreg [dreg:$0x2];
	[bflag:$0x3] =	sbarrier.arrive $0xFFFF;
	s2 =	simm.s32 @!p0 $0x1C04  }
0x371: {  	[timem:s3], [sflag:s2] =	dma.local @!p0 [hbm:s0], s1  }
0x372: {  	s0 =	simm.s32 @!p0 $0x4  }
0x373: {  	_ =	swait.ge @!p0 [sflag:s0], s1  }
0x374: {  	s1 =	ssub.s32 @!p0 $0x0, s1;
	[sflag:s0] =	ssyncset.done @!p0 $0x0  }
0x375: {  	[sflag:s0] =	ssyncadd.s32 @!p0 s1  }
0x376: {  	[bflag:$0x3] =	sbarrier.arrive $0xFFFF  }
0x377: {  	_ =	shalt  }

</sc_bundles>
